<compile_context>
chip_gen: v7x
topology: tpu7x:2x2x1
jax: 0.10.2.dev20260603
libtpu: 0.0.44.dev20260713+nightly
codegen_flags: <defaults>
</compile_context>

<pallas_src>
import functools

import jax
import jax.numpy as jnp
from jax import lax
from jax.experimental import pallas as pl
from jax.experimental.pallas import tpu as pltpu
from jax.experimental.pallas import tpu_sc as plsc

_LEVELS = [(120, 9, 16, 64), (60, 9, 16, 128), (30, 9, 16, 256)]
_OFFS = [0, 64, 192]
_COUT = 128
_KP = 4
_D = _KP * _COUT

_NW = 32
_PT = 512
_B = 2
_NB = _PT // _B
_R = 24


def _proj_body(g_ref, w_ref, b_ref, o_ref):
    o_ref[...] = (
        jnp.dot(g_ref[...], w_ref[...], preferred_element_type=jnp.float32)
        + b_ref[...]
    )


def _project(g4, w_t, b3):
    r4, cg = g4.shape
    br = 640
    return pl.pallas_call(
        _proj_body,
        grid=(r4 // br,),
        in_specs=[
            pl.BlockSpec((br, cg), lambda i: (i, 0)),
            pl.BlockSpec((cg, _COUT), lambda i: (0, 0)),
            pl.BlockSpec((1, _COUT), lambda i: (0, 0)),
        ],
        out_specs=pl.BlockSpec((br, _COUT), lambda i: (i, 0)),
        out_shape=jax.ShapeDtypeStruct((r4, _COUT), jnp.float32),
    )(g4, w_t, b3)


def _sc_body(pg, idx, wgt, out,
             idxv, wgv, bfa, bfb, oba, obb, sga, sgb, soa, sob):
    cid = lax.axis_index("c")
    sid = lax.axis_index("s")
    wid = sid * 2 + cid
    base = wid * _PT

    pltpu.sync_copy(idx.at[wid], idxv)
    pltpu.sync_copy(wgt.at[wid], wgv)

    def fire(g, buf, sem):
        sl = pl.ds(g * (_B * _R), _B * _R)
        pltpu.make_async_copy(pg.at[idxv.at[sl]], buf, sem).start()

    def drain(g, buf, sem):
        sl = pl.ds(g * (_B * _R), _B * _R)
        pltpu.make_async_copy(pg.at[idxv.at[sl]], buf, sem).wait()

    def out_slice(g):
        return out.at[pl.ds(base + g * _B, _B)]

    def compute(g, buf, ob):
        nwv = _R * _B // 16
        wvecs = [wgv[pl.ds(g * (_R * _B) + k * 16, 16)] for k in range(nwv)]
        for p in range(_B):
            ws = []
            for m in range(_R):
                q = p * _R + m
                ws.append(jnp.full((16,), wvecs[q // 16][q % 16], jnp.float32))

            def chunk(c, _, p=p, ws=ws):
                off = c * 16
                acc = None
                for m in range(_R):
                    v = buf[p * _R + m, pl.ds(off, 16)]
                    acc = ws[m] * v if acc is None else acc + ws[m] * v
                ob[p, pl.ds(off, 16)] = acc
                return _

            lax.fori_loop(0, _D // 16, chunk, 0, unroll=2)

    fire(0, bfa, sga)

    def body(gg, carry):
        g0 = gg * 2
        g1 = g0 + 1
        fire(g1, bfb, sgb)

        drain(g0, bfa, sga)

        @pl.when(gg > 0)
        def _():
            pltpu.make_async_copy(oba, out_slice(g0), soa).wait()

        compute(g0, bfa, oba)
        pltpu.make_async_copy(oba, out_slice(g0), soa).start()

        @pl.when(g0 + 2 < _NB)
        def _():
            fire(g0 + 2, bfa, sga)

        drain(g1, bfb, sgb)

        @pl.when(gg > 0)
        def _():
            pltpu.make_async_copy(obb, out_slice(g1), sob).wait()

        compute(g1, bfb, obb)
        pltpu.make_async_copy(obb, out_slice(g1), sob).start()
        return carry

    lax.fori_loop(0, _NB // 2, body, 0)

    pltpu.make_async_copy(oba, out_slice(_NB - 2), soa).wait()
    pltpu.make_async_copy(obb, out_slice(_NB - 1), sob).wait()


def _sc_gather(p_total, pg_all, idx_all, wgt_all):
    f32 = jnp.float32
    k = functools.partial(
        pl.kernel,
        out_type=jax.ShapeDtypeStruct((p_total, _D), f32),
        mesh=plsc.VectorSubcoreMesh(core_axis_name="c", subcore_axis_name="s"),
        scratch_types=[
            pltpu.VMEM((_NB * _B * _R,), jnp.int32),
            pltpu.VMEM((_PT * _R,), f32),
            pltpu.VMEM((_B * _R, _D), f32),
            pltpu.VMEM((_B * _R, _D), f32),
            pltpu.VMEM((_B, _D), f32),
            pltpu.VMEM((_B, _D), f32),
            pltpu.SemaphoreType.DMA,
            pltpu.SemaphoreType.DMA,
            pltpu.SemaphoreType.DMA,
            pltpu.SemaphoreType.DMA,
        ],
    )(_sc_body)
    return k(pg_all, idx_all, wgt_all)


def _axis_iw(c, size):
    p = (c + 1.0) * 0.5 * (size - 1)
    f = jnp.floor(p)
    w1 = p - f
    i0 = jnp.clip(f.astype(jnp.int32), 0, size - 1)
    i1 = jnp.clip(f.astype(jnp.int32) + 1, 0, size - 1)
    return i0, i1, w1


def kernel(coor_t, coor_h, coor_w, grid0, grid1, grid2, W_lin, b_lin):
    n, t = coor_t.shape
    h = coor_h.shape[1]
    w = coor_w.shape[1]
    p_total = n * t * h * w

    w_p = W_lin
    b3 = (b_lin.astype(jnp.float32) / 3.0).reshape(1, _COUT)

    pgs, idxs, wgts = [], [], []
    row_base = 0
    for gp, off, (tg, hg, wg, cg) in zip((grid0, grid1, grid2), _OFFS, _LEVELS):
        rows = tg * hg * wg
        g4 = gp.reshape(rows * _KP, cg)
        w_t = w_p[:, off:off + cg].T.astype(jnp.float32)
        pg = _project(g4, w_t, b3).reshape(rows, _D)
        pgs.append(pg)

        z0, z1, wz = _axis_iw(coor_t, tg)
        y0, y1, wy = _axis_iw(coor_h, hg)
        x0, x1, wx = _axis_iw(coor_w, wg)
        zi = jnp.stack([z0, z1], -1)
        yi = jnp.stack([y0, y1], -1)
        xi = jnp.stack([x0, x1], -1)
        wzv = jnp.stack([1.0 - wz, wz], -1)
        wyv = jnp.stack([1.0 - wy, wy], -1)
        wxv = jnp.stack([1.0 - wx, wx], -1)
        idx = (zi[:, :, None, None, :, None, None] * (hg * wg)
               + yi[:, None, :, None, None, :, None] * wg
               + xi[:, None, None, :, None, None, :])
        wgt = (wzv[:, :, None, None, :, None, None]
               * wyv[:, None, :, None, None, :, None]
               * wxv[:, None, None, :, None, None, :])
        idxs.append(idx.reshape(n, t, h, w, 8).astype(jnp.int32) + row_base)
        wgts.append(wgt.reshape(_NW, _PT, 8).astype(jnp.float32))
        row_base += rows

    pg_all = jnp.concatenate(pgs, axis=0)
    idx_all = jnp.concatenate(idxs, axis=-1).reshape(_NW, _NB * _B * _R)
    wgt_all = jnp.concatenate(wgts, axis=-1).reshape(_NW, _PT * _R)
    out = _sc_gather(p_total, pg_all, idx_all, wgt_all)
    return out.reshape(n, t, h, w, _KP * _COUT)

# --- scband reference (transcript-rebuilt; emitter-appended) ---
"""Pipeline reference for scband-grid-encoding-base-86036784874051 (READ-ONLY COPY).

The authoritative reference and input builder live on the scoring server;
editing this copy changes nothing except your own understanding.
"""

import jax, jax.numpy as jnp
import numpy as np

GRID_SIZES = [(120, 9, 16, 1, 2, 2, 64), (60, 9, 16, 1, 2, 2, 128), (30, 9, 16, 1, 2, 2, 256)]
K_PROD = 4
C_OUT = 128


def setup_inputs(seed: int = 0) -> dict:
    key = jax.random.key(seed)
    ks = jax.random.split(key, 8)
    N, T, H, W = 64, 16, 4, 4
    coor_t = jax.random.uniform(ks[0], (N, T), jnp.float32, -1.0, 1.0)
    coor_h = jax.random.uniform(ks[1], (N, H), jnp.float32, -1.0, 1.0)
    coor_w = jax.random.uniform(ks[2], (N, W), jnp.float32, -1.0, 1.0)
    grids = []
    for i, (Tg, Hg, Wg, K0, K1, K2, Cg) in enumerate(GRID_SIZES):
        grids.append(jax.random.normal(ks[3 + i], (Tg * Hg * Wg, K0 * K1 * K2 * Cg), jnp.float32) * 0.001)
    Cin = sum(gs[6] for gs in GRID_SIZES)
    W_lin = jax.random.normal(ks[6], (C_OUT, Cin), jnp.float32) * (1.0 / np.sqrt(Cin))
    b_lin = jnp.zeros((C_OUT,), jnp.float32)
    return {"coor_t": coor_t, "coor_h": coor_h, "coor_w": coor_w,
            "grid0": grids[0], "grid1": grids[1], "grid2": grids[2],
            "W_lin": W_lin, "b_lin": b_lin}


def _interp3d(grid, coor_wht, align_corners=True):
    # grid: [Tg, Hg, Wg, C]; coor_wht: [N, T, H, W, 3] with (w, h, t) in [-1, 1]
    Tg, Hg, Wg, C = grid.shape
    cw = coor_wht[..., 0]
    ch = coor_wht[..., 1]
    ct = coor_wht[..., 2]

    def unnorm(c, size):
        if align_corners:
            return (c + 1.0) * 0.5 * (size - 1)
        return ((c + 1.0) * size - 1.0) * 0.5

    x = unnorm(cw, Wg)
    y = unnorm(ch, Hg)
    z = unnorm(ct, Tg)
    x0f = jnp.floor(x); y0f = jnp.floor(y); z0f = jnp.floor(z)
    wx = (x - x0f)[..., None]
    wy = (y - y0f)[..., None]
    wz = (z - z0f)[..., None]
    x0 = jnp.clip(x0f.astype(jnp.int32), 0, Wg - 1)
    x1 = jnp.clip(x0f.astype(jnp.int32) + 1, 0, Wg - 1)
    y0 = jnp.clip(y0f.astype(jnp.int32), 0, Hg - 1)
    y1 = jnp.clip(y0f.astype(jnp.int32) + 1, 0, Hg - 1)
    z0 = jnp.clip(z0f.astype(jnp.int32), 0, Tg - 1)
    z1 = jnp.clip(z0f.astype(jnp.int32) + 1, 0, Tg - 1)

    def g(zi, yi, xi):
        return grid[zi, yi, xi]  # gather -> [N, T, H, W, C]

    out = (g(z0, y0, x0) * (1 - wz) * (1 - wy) * (1 - wx)
           + g(z0, y0, x1) * (1 - wz) * (1 - wy) * wx
           + g(z0, y1, x0) * (1 - wz) * wy * (1 - wx)
           + g(z0, y1, x1) * (1 - wz) * wy * wx
           + g(z1, y0, x0) * wz * (1 - wy) * (1 - wx)
           + g(z1, y0, x1) * wz * (1 - wy) * wx
           + g(z1, y1, x0) * wz * wy * (1 - wx)
           + g(z1, y1, x1) * wz * wy * wx)
    return out


def reference(coor_t, coor_h, coor_w, grid0, grid1, grid2, W_lin, b_lin):
    N, T = coor_t.shape
    H = coor_h.shape[1]
    W = coor_w.shape[1]
    ct = jnp.broadcast_to(coor_t[:, :, None, None, None], (N, T, H, W, 1))
    ch = jnp.broadcast_to(coor_h[:, None, :, None, None], (N, T, H, W, 1))
    cw = jnp.broadcast_to(coor_w[:, None, None, :, None], (N, T, H, W, 1))
    coor_wht = jnp.concatenate([cw, ch, ct], axis=-1)
    enc = []
    for gp, (Tg, Hg, Wg, K0, K1, K2, Cg) in zip([grid0, grid1, grid2], GRID_SIZES):
        w = gp.reshape(Tg, Hg, Wg, K0 * K1 * K2 * Cg)
        e = _interp3d(w, coor_wht, align_corners=True)
        enc.append(e.reshape(N, T * H * W * K0 * K1 * K2, Cg))
    feat = jnp.concatenate(enc, axis=-1)
    out = feat @ W_lin.T + b_lin
    return out.reshape(N, T, H, W, K_PROD * C_OUT)

if __name__ == "__main__":
    import jax
    _d = setup_inputs()
    print(jax.jit(kernel)(*tuple(_d.values())))

</pallas_src>

<mosaic_0001>
#map = affine_map<(d0, d1) -> (0, 0)>
module attributes {stable_mosaic.version = 14 : i64} {
  func.func @_sc_body(%arg0: i32, %arg1: i32, %arg2: memref<30240x512xf32, #tpu.memory_space<hbm>>, %arg3: memref<32x12288xi32, #tpu.memory_space<hbm>>, %arg4: memref<32x12288xf32, #tpu.memory_space<hbm>>, %arg5: memref<16384x512xf32, #tpu.memory_space<hbm>>, %arg6: memref<12288xi32, #tpu.memory_space<vmem>>, %arg7: memref<12288xf32, #tpu.memory_space<vmem>>, %arg8: memref<48x512xf32, #tpu.memory_space<vmem>>, %arg9: memref<48x512xf32, #tpu.memory_space<vmem>>, %arg10: memref<2x512xf32, #tpu.memory_space<vmem>>, %arg11: memref<2x512xf32, #tpu.memory_space<vmem>>, %arg12: memref<!tpu.dma_semaphore, #tpu.memory_space<semaphore_mem>>, %arg13: memref<!tpu.dma_semaphore, #tpu.memory_space<semaphore_mem>>, %arg14: memref<!tpu.dma_semaphore, #tpu.memory_space<semaphore_mem>>, %arg15: memref<!tpu.dma_semaphore, #tpu.memory_space<semaphore_mem>>) attributes {dimension_semantics = [#tpu.dimension_semantics<core_parallel>, #tpu.dimension_semantics<subcore_parallel>], iteration_bounds = array<i64: 2, 16>, scalar_prefetch = 0 : i64, scratch_operands = 10 : i64, tpu.core_type = #tpu.core_type<sc_vector_subcore>, window_params = [{transform_indices = #map}, {transform_indices = #map}, {transform_indices = #map}, {transform_indices = #map}]} {
    %mul3A = arith.constant 2 : i32
    %mul3A_0 = arith.muli %arg1, %mul3A : i32
    %add3A = arith.addi %mul3A_0, %arg0 : i32
    %mul3A_1 = arith.constant 512 : i32
    %mul3A_2 = arith.muli %add3A, %mul3A_1 : i32
    "tpu.region"() ({
      %run_scoped3A = tpu.sem_alloc : memref<!tpu.dma_semaphore, #tpu.memory_space<semaphore_mem>>
      %dma_start3A_23 = arith.constant 0 : i32
      %dma_start3A_24 = tpu.memref_slice %arg3[%add3A, %dma_start3A_23] : memref<32x12288xi32, #tpu.memory_space<hbm>> -> memref<1x12288xi32, #tpu.memory_space<hbm>>
      %dma_start3A_25 = tpu.memref_squeeze %dma_start3A_24 : memref<1x12288xi32, #tpu.memory_space<hbm>> -> memref<12288xi32, #tpu.memory_space<hbm>>
      %dma_start3A_26 = arith.constant 0 : i32
      %dma_start3A_27 = tpu.memref_slice %arg3[%add3A, %dma_start3A_26] : memref<32x12288xi32, #tpu.memory_space<hbm>> -> memref<1x12288xi32, #tpu.memory_space<hbm>>
      %dma_start3A_28 = tpu.memref_squeeze %dma_start3A_27 : memref<1x12288xi32, #tpu.memory_space<hbm>> -> memref<12288xi32, #tpu.memory_space<hbm>>
      tpu.enqueue_dma source(%dma_start3A_28 : memref<12288xi32, #tpu.memory_space<hbm>>) target(%arg6 : memref<12288xi32, #tpu.memory_space<vmem>>) target_semaphore(%run_scoped3A : memref<!tpu.dma_semaphore, #tpu.memory_space<semaphore_mem>>)
      %dma_wait3A_29 = arith.constant 0 : i32
      %dma_wait3A_30 = tpu.memref_slice %arg3[%add3A, %dma_wait3A_29] : memref<32x12288xi32, #tpu.memory_space<hbm>> -> memref<1x12288xi32, #tpu.memory_space<hbm>>
      %dma_wait3A_31 = tpu.memref_squeeze %dma_wait3A_30 : memref<1x12288xi32, #tpu.memory_space<hbm>> -> memref<12288xi32, #tpu.memory_space<hbm>>
      %dma_wait3A_32 = arith.constant 0 : i32
      %dma_wait3A_33 = tpu.memref_slice %arg3[%add3A, %dma_wait3A_32] : memref<32x12288xi32, #tpu.memory_space<hbm>> -> memref<1x12288xi32, #tpu.memory_space<hbm>>
      %dma_wait3A_34 = tpu.memref_squeeze %dma_wait3A_33 : memref<1x12288xi32, #tpu.memory_space<hbm>> -> memref<12288xi32, #tpu.memory_space<hbm>>
      tpu.wait_dma2 semaphore(%run_scoped3A : memref<!tpu.dma_semaphore, #tpu.memory_space<semaphore_mem>>) src(%dma_wait3A_34 : memref<12288xi32, #tpu.memory_space<hbm>>) dst(%arg6 : memref<12288xi32, #tpu.memory_space<vmem>>)
      tpu.yield
    }) : () -> ()
    "tpu.region"() ({
      %run_scoped3A = tpu.sem_alloc : memref<!tpu.dma_semaphore, #tpu.memory_space<semaphore_mem>>
      %dma_start3A_23 = arith.constant 0 : i32
      %dma_start3A_24 = tpu.memref_slice %arg4[%add3A, %dma_start3A_23] : memref<32x12288xf32, #tpu.memory_space<hbm>> -> memref<1x12288xf32, #tpu.memory_space<hbm>>
      %dma_start3A_25 = tpu.memref_squeeze %dma_start3A_24 : memref<1x12288xf32, #tpu.memory_space<hbm>> -> memref<12288xf32, #tpu.memory_space<hbm>>
      %dma_start3A_26 = arith.constant 0 : i32
      %dma_start3A_27 = tpu.memref_slice %arg4[%add3A, %dma_start3A_26] : memref<32x12288xf32, #tpu.memory_space<hbm>> -> memref<1x12288xf32, #tpu.memory_space<hbm>>
      %dma_start3A_28 = tpu.memref_squeeze %dma_start3A_27 : memref<1x12288xf32, #tpu.memory_space<hbm>> -> memref<12288xf32, #tpu.memory_space<hbm>>
      tpu.enqueue_dma source(%dma_start3A_28 : memref<12288xf32, #tpu.memory_space<hbm>>) target(%arg7 : memref<12288xf32, #tpu.memory_space<vmem>>) target_semaphore(%run_scoped3A : memref<!tpu.dma_semaphore, #tpu.memory_space<semaphore_mem>>)
      %dma_wait3A_29 = arith.constant 0 : i32
      %dma_wait3A_30 = tpu.memref_slice %arg4[%add3A, %dma_wait3A_29] : memref<32x12288xf32, #tpu.memory_space<hbm>> -> memref<1x12288xf32, #tpu.memory_space<hbm>>
      %dma_wait3A_31 = tpu.memref_squeeze %dma_wait3A_30 : memref<1x12288xf32, #tpu.memory_space<hbm>> -> memref<12288xf32, #tpu.memory_space<hbm>>
      %dma_wait3A_32 = arith.constant 0 : i32
      %dma_wait3A_33 = tpu.memref_slice %arg4[%add3A, %dma_wait3A_32] : memref<32x12288xf32, #tpu.memory_space<hbm>> -> memref<1x12288xf32, #tpu.memory_space<hbm>>
      %dma_wait3A_34 = tpu.memref_squeeze %dma_wait3A_33 : memref<1x12288xf32, #tpu.memory_space<hbm>> -> memref<12288xf32, #tpu.memory_space<hbm>>
      tpu.wait_dma2 semaphore(%run_scoped3A : memref<!tpu.dma_semaphore, #tpu.memory_space<semaphore_mem>>) src(%dma_wait3A_34 : memref<12288xf32, #tpu.memory_space<hbm>>) dst(%arg7 : memref<12288xf32, #tpu.memory_space<vmem>>)
      tpu.yield
    }) : () -> ()
    %dma_start3A = arith.constant 0 : i32
    %dma_start3A_3 = tpu.memref_slice %arg6[%dma_start3A] : memref<12288xi32, #tpu.memory_space<vmem>> -> memref<48xi32, #tpu.memory_space<vmem>>
    %dma_start3A_4 = arith.constant 0 : i32
    %dma_start3A_5 = arith.constant 0 : i32
    %dma_start3A_6 = tpu.memref_slice %arg2[%dma_start3A_4, %dma_start3A_5] : memref<30240x512xf32, #tpu.memory_space<hbm>> -> memref<30240x512xf32, #tpu.memory_space<hbm>>
    tpu.enqueue_indirect_dma source(%dma_start3A_6 : memref<30240x512xf32, #tpu.memory_space<hbm>>) target(%arg8 : memref<48x512xf32, #tpu.memory_space<vmem>>) offsets(%dma_start3A_3 : memref<48xi32, #tpu.memory_space<vmem>>) semaphore(%arg12 : memref<!tpu.dma_semaphore, #tpu.memory_space<semaphore_mem>>)
    %scan3A = arith.constant 0 : i32
    %scan3A_7 = arith.constant 0 : i32
    %scan3A_8 = arith.constant 128 : i32
    %scan3A_9 = arith.addi %scan3A_7, %scan3A_8 : i32
    %scan3A_10 = arith.constant 1 : i32
    scf.for %scan3A_23 = %scan3A_7 to %scan3A_9 step %scan3A_10  : i32 {
      %mul3A_24 = arith.constant 2 : i32
      %mul3A_25 = arith.muli %scan3A_23, %mul3A_24 : i32
      %add3A_26 = arith.constant 1 : i32
      %add3A_27 = arith.addi %mul3A_25, %add3A_26 : i32
      %mul3A_28 = arith.constant 48 : i32
      %mul3A_29 = arith.muli %add3A_27, %mul3A_28 : i32
      %dma_start3A_30 = tpu.memref_slice %arg6[%mul3A_29] : memref<12288xi32, #tpu.memory_space<vmem>> -> memref<48xi32, #tpu.memory_space<vmem>>
      %dma_start3A_31 = arith.constant 0 : i32
      %dma_start3A_32 = arith.constant 0 : i32
      %dma_start3A_33 = tpu.memref_slice %arg2[%dma_start3A_31, %dma_start3A_32] : memref<30240x512xf32, #tpu.memory_space<hbm>> -> memref<30240x512xf32, #tpu.memory_space<hbm>>
      tpu.enqueue_indirect_dma source(%dma_start3A_33 : memref<30240x512xf32, #tpu.memory_space<hbm>>) target(%arg9 : memref<48x512xf32, #tpu.memory_space<vmem>>) offsets(%dma_start3A_30 : memref<48xi32, #tpu.memory_space<vmem>>) semaphore(%arg13 : memref<!tpu.dma_semaphore, #tpu.memory_space<semaphore_mem>>)
      %mul3A_34 = arith.constant 48 : i32
      %mul3A_35 = arith.muli %mul3A_25, %mul3A_34 : i32
      %dma_wait3A_36 = tpu.memref_slice %arg6[%mul3A_35] : memref<12288xi32, #tpu.memory_space<vmem>> -> memref<48xi32, #tpu.memory_space<vmem>>
      %dma_wait3A_37 = arith.constant 0 : i32
      %dma_wait3A_38 = arith.constant 0 : i32
      %dma_wait3A_39 = tpu.memref_slice %arg2[%dma_wait3A_37, %dma_wait3A_38] : memref<30240x512xf32, #tpu.memory_space<hbm>> -> memref<30240x512xf32, #tpu.memory_space<hbm>>
      tpu.wait_indirect_dma semaphore(%arg12 : memref<!tpu.dma_semaphore, #tpu.memory_space<semaphore_mem>>) src(%dma_wait3A_39 : memref<30240x512xf32, #tpu.memory_space<hbm>>) dst(%arg8 : memref<48x512xf32, #tpu.memory_space<vmem>>)
      %gt3A = arith.constant 0 : i32
      %gt3A_40 = arith.cmpi sgt, %scan3A_23, %gt3A : i32
      %convert_element_type3A = arith.extui %gt3A_40 : i1 to i32
      %cond3A = arith.constant 0 : i32
      %cond3A_41 = arith.cmpi ne, %convert_element_type3A, %cond3A : i32
      scf.if %cond3A_41 {
        %mul3A_423 = arith.constant 2 : i32
        %mul3A_424 = arith.muli %mul3A_25, %mul3A_423 : i32
        %add3A_425 = arith.addi %mul3A_2, %mul3A_424 : i32
        %dma_wait3A_426 = arith.constant 0 : i32
        %dma_wait3A_427 = tpu.memref_slice %arg5[%add3A_425, %dma_wait3A_426] : memref<16384x512xf32, #tpu.memory_space<hbm>> -> memref<2x512xf32, #tpu.memory_space<hbm>>
        %dma_wait3A_428 = arith.constant 0 : i32
        %dma_wait3A_429 = tpu.memref_slice %arg5[%add3A_425, %dma_wait3A_428] : memref<16384x512xf32, #tpu.memory_space<hbm>> -> memref<2x512xf32, #tpu.memory_space<hbm>>
        tpu.wait_dma2 semaphore(%arg14 : memref<!tpu.dma_semaphore, #tpu.memory_space<semaphore_mem>>) src(%arg10 : memref<2x512xf32, #tpu.memory_space<vmem>>) dst(%dma_wait3A_429 : memref<2x512xf32, #tpu.memory_space<hbm>>)
      } else {
      }
      %mul3A_42 = arith.constant 48 : i32
      %mul3A_43 = arith.muli %mul3A_25, %mul3A_42 : i32
      %add3A_44 = arith.constant 0 : i32
      %add3A_45 = arith.addi %mul3A_43, %add3A_44 : i32
      %get3A = arith.index_cast %add3A_45 : i32 to index
      %get3A_46 = tpu.vector_load %arg7[%get3A] {strides = array<i32>} : memref<12288xf32, #tpu.memory_space<vmem>>, vector<16xf32>,
      %get3A_47 = vector.shape_cast %get3A_46 : vector<16xf32> to vector<16xf32>
      %mul3A_48 = arith.constant 48 : i32
      %mul3A_49 = arith.muli %mul3A_25, %mul3A_48 : i32
      %add3A_50 = arith.constant 16 : i32
      %add3A_51 = arith.addi %mul3A_49, %add3A_50 : i32
      %get3A_52 = arith.index_cast %add3A_51 : i32 to index
      %get3A_53 = tpu.vector_load %arg7[%get3A_52] {strides = array<i32>} : memref<12288xf32, #tpu.memory_space<vmem>>, vector<16xf32>,
      %get3A_54 = vector.shape_cast %get3A_53 : vector<16xf32> to vector<16xf32>
      %mul3A_55 = arith.constant 48 : i32
      %mul3A_56 = arith.muli %mul3A_25, %mul3A_55 : i32
      %add3A_57 = arith.constant 32 : i32
      %add3A_58 = arith.addi %mul3A_56, %add3A_57 : i32
      %get3A_59 = arith.index_cast %add3A_58 : i32 to index
      %get3A_60 = tpu.vector_load %arg7[%get3A_59] {strides = array<i32>} : memref<12288xf32, #tpu.memory_space<vmem>>, vector<16xf32>,
      %get3A_61 = vector.shape_cast %get3A_60 : vector<16xf32> to vector<16xf32>
      %slice3A = vector.extract_strided_slice %get3A_47 {offsets = [0], sizes = [1], strides = [1]} : vector<16xf32> to vector<1xf32>
      %squeeze3A = vector.extract %slice3A[0] : f32 from vector<1xf32>
      %broadcast_in_dim3A = vector.broadcast %squeeze3A : f32 to vector<16xf32>
      %slice3A_62 = vector.extract_strided_slice %get3A_47 {offsets = [1], sizes = [1], strides = [1]} : vector<16xf32> to vector<1xf32>
      %squeeze3A_63 = vector.extract %slice3A_62[0] : f32 from vector<1xf32>
      %broadcast_in_dim3A_64 = vector.broadcast %squeeze3A_63 : f32 to vector<16xf32>
      %slice3A_65 = vector.extract_strided_slice %get3A_47 {offsets = [2], sizes = [1], strides = [1]} : vector<16xf32> to vector<1xf32>
      %squeeze3A_66 = vector.extract %slice3A_65[0] : f32 from vector<1xf32>
      %broadcast_in_dim3A_67 = vector.broadcast %squeeze3A_66 : f32 to vector<16xf32>
      %slice3A_68 = vector.extract_strided_slice %get3A_47 {offsets = [3], sizes = [1], strides = [1]} : vector<16xf32> to vector<1xf32>
      %squeeze3A_69 = vector.extract %slice3A_68[0] : f32 from vector<1xf32>
      %broadcast_in_dim3A_70 = vector.broadcast %squeeze3A_69 : f32 to vector<16xf32>
      %slice3A_71 = vector.extract_strided_slice %get3A_47 {offsets = [4], sizes = [1], strides = [1]} : vector<16xf32> to vector<1xf32>
      %squeeze3A_72 = vector.extract %slice3A_71[0] : f32 from vector<1xf32>
      %broadcast_in_dim3A_73 = vector.broadcast %squeeze3A_72 : f32 to vector<16xf32>
      %slice3A_74 = vector.extract_strided_slice %get3A_47 {offsets = [5], sizes = [1], strides = [1]} : vector<16xf32> to vector<1xf32>
      %squeeze3A_75 = vector.extract %slice3A_74[0] : f32 from vector<1xf32>
      %broadcast_in_dim3A_76 = vector.broadcast %squeeze3A_75 : f32 to vector<16xf32>
      %slice3A_77 = vector.extract_strided_slice %get3A_47 {offsets = [6], sizes = [1], strides = [1]} : vector<16xf32> to vector<1xf32>
      %squeeze3A_78 = vector.extract %slice3A_77[0] : f32 from vector<1xf32>
      %broadcast_in_dim3A_79 = vector.broadcast %squeeze3A_78 : f32 to vector<16xf32>
      %slice3A_80 = vector.extract_strided_slice %get3A_47 {offsets = [7], sizes = [1], strides = [1]} : vector<16xf32> to vector<1xf32>
      %squeeze3A_81 = vector.extract %slice3A_80[0] : f32 from vector<1xf32>
      %broadcast_in_dim3A_82 = vector.broadcast %squeeze3A_81 : f32 to vector<16xf32>
      %slice3A_83 = vector.extract_strided_slice %get3A_47 {offsets = [8], sizes = [1], strides = [1]} : vector<16xf32> to vector<1xf32>
      %squeeze3A_84 = vector.extract %slice3A_83[0] : f32 from vector<1xf32>
      %broadcast_in_dim3A_85 = vector.broadcast %squeeze3A_84 : f32 to vector<16xf32>
      %slice3A_86 = vector.extract_strided_slice %get3A_47 {offsets = [9], sizes = [1], strides = [1]} : vector<16xf32> to vector<1xf32>
      %squeeze3A_87 = vector.extract %slice3A_86[0] : f32 from vector<1xf32>
      %broadcast_in_dim3A_88 = vector.broadcast %squeeze3A_87 : f32 to vector<16xf32>
      %slice3A_89 = vector.extract_strided_slice %get3A_47 {offsets = [10], sizes = [1], strides = [1]} : vector<16xf32> to vector<1xf32>
      %squeeze3A_90 = vector.extract %slice3A_89[0] : f32 from vector<1xf32>
      %broadcast_in_dim3A_91 = vector.broadcast %squeeze3A_90 : f32 to vector<16xf32>
      %slice3A_92 = vector.extract_strided_slice %get3A_47 {offsets = [11], sizes = [1], strides = [1]} : vector<16xf32> to vector<1xf32>
      %squeeze3A_93 = vector.extract %slice3A_92[0] : f32 from vector<1xf32>
      %broadcast_in_dim3A_94 = vector.broadcast %squeeze3A_93 : f32 to vector<16xf32>
      %slice3A_95 = vector.extract_strided_slice %get3A_47 {offsets = [12], sizes = [1], strides = [1]} : vector<16xf32> to vector<1xf32>
      %squeeze3A_96 = vector.extract %slice3A_95[0] : f32 from vector<1xf32>
      %broadcast_in_dim3A_97 = vector.broadcast %squeeze3A_96 : f32 to vector<16xf32>
      %slice3A_98 = vector.extract_strided_slice %get3A_47 {offsets = [13], sizes = [1], strides = [1]} : vector<16xf32> to vector<1xf32>
      %squeeze3A_99 = vector.extract %slice3A_98[0] : f32 from vector<1xf32>
      %broadcast_in_dim3A_100 = vector.broadcast %squeeze3A_99 : f32 to vector<16xf32>
      %slice3A_101 = vector.extract_strided_slice %get3A_47 {offsets = [14], sizes = [1], strides = [1]} : vector<16xf32> to vector<1xf32>
      %squeeze3A_102 = vector.extract %slice3A_101[0] : f32 from vector<1xf32>
      %broadcast_in_dim3A_103 = vector.broadcast %squeeze3A_102 : f32 to vector<16xf32>
      %slice3A_104 = vector.extract_strided_slice %get3A_47 {offsets = [15], sizes = [1], strides = [1]} : vector<16xf32> to vector<1xf32>
      %squeeze3A_105 = vector.extract %slice3A_104[0] : f32 from vector<1xf32>
      %broadcast_in_dim3A_106 = vector.broadcast %squeeze3A_105 : f32 to vector<16xf32>
      %slice3A_107 = vector.extract_strided_slice %get3A_54 {offsets = [0], sizes = [1], strides = [1]} : vector<16xf32> to vector<1xf32>
      %squeeze3A_108 = vector.extract %slice3A_107[0] : f32 from vector<1xf32>
      %broadcast_in_dim3A_109 = vector.broadcast %squeeze3A_108 : f32 to vector<16xf32>
      %slice3A_110 = vector.extract_strided_slice %get3A_54 {offsets = [1], sizes = [1], strides = [1]} : vector<16xf32> to vector<1xf32>
      %squeeze3A_111 = vector.extract %slice3A_110[0] : f32 from vector<1xf32>
      %broadcast_in_dim3A_112 = vector.broadcast %squeeze3A_111 : f32 to vector<16xf32>
      %slice3A_113 = vector.extract_strided_slice %get3A_54 {offsets = [2], sizes = [1], strides = [1]} : vector<16xf32> to vector<1xf32>
      %squeeze3A_114 = vector.extract %slice3A_113[0] : f32 from vector<1xf32>
      %broadcast_in_dim3A_115 = vector.broadcast %squeeze3A_114 : f32 to vector<16xf32>
      %slice3A_116 = vector.extract_strided_slice %get3A_54 {offsets = [3], sizes = [1], strides = [1]} : vector<16xf32> to vector<1xf32>
      %squeeze3A_117 = vector.extract %slice3A_116[0] : f32 from vector<1xf32>
      %broadcast_in_dim3A_118 = vector.broadcast %squeeze3A_117 : f32 to vector<16xf32>
      %slice3A_119 = vector.extract_strided_slice %get3A_54 {offsets = [4], sizes = [1], strides = [1]} : vector<16xf32> to vector<1xf32>
      %squeeze3A_120 = vector.extract %slice3A_119[0] : f32 from vector<1xf32>
      %broadcast_in_dim3A_121 = vector.broadcast %squeeze3A_120 : f32 to vector<16xf32>
      %slice3A_122 = vector.extract_strided_slice %get3A_54 {offsets = [5], sizes = [1], strides = [1]} : vector<16xf32> to vector<1xf32>
      %squeeze3A_123 = vector.extract %slice3A_122[0] : f32 from vector<1xf32>
      %broadcast_in_dim3A_124 = vector.broadcast %squeeze3A_123 : f32 to vector<16xf32>
      %slice3A_125 = vector.extract_strided_slice %get3A_54 {offsets = [6], sizes = [1], strides = [1]} : vector<16xf32> to vector<1xf32>
      %squeeze3A_126 = vector.extract %slice3A_125[0] : f32 from vector<1xf32>
      %broadcast_in_dim3A_127 = vector.broadcast %squeeze3A_126 : f32 to vector<16xf32>
      %slice3A_128 = vector.extract_strided_slice %get3A_54 {offsets = [7], sizes = [1], strides = [1]} : vector<16xf32> to vector<1xf32>
      %squeeze3A_129 = vector.extract %slice3A_128[0] : f32 from vector<1xf32>
      %broadcast_in_dim3A_130 = vector.broadcast %squeeze3A_129 : f32 to vector<16xf32>
      %scan3A_131 = arith.constant 0 : i32
      %scan3A_132 = arith.constant 0 : i32
      %scan3A_133 = arith.constant 32 : i32
      %scan3A_134 = arith.addi %scan3A_132, %scan3A_133 : i32
      %scan3A_135 = arith.constant 2 : i32
      scf.for %scan3A_423 = %scan3A_132 to %scan3A_134 step %scan3A_135  : i32 {
        %mul3A_424 = arith.constant 16 : i32
        %mul3A_425 = arith.muli %scan3A_423, %mul3A_424 : i32
        %get3A_426 = arith.constant 0 : i32
        %get3A_427 = arith.index_cast %get3A_426 : i32 to index
        %get3A_428 = arith.index_cast %mul3A_425 : i32 to index
        %get3A_429 = tpu.vector_load %arg8[%get3A_427, %get3A_428] {strides = array<i32>} : memref<48x512xf32, #tpu.memory_space<vmem>>, vector<1x16xf32>,
        %get3A_430 = vector.shape_cast %get3A_429 : vector<1x16xf32> to vector<16xf32>
        %mul3A_431 = arith.mulf %broadcast_in_dim3A, %get3A_430 : vector<16xf32>
        %get3A_432 = arith.constant 1 : i32
        %get3A_433 = arith.index_cast %get3A_432 : i32 to index
        %get3A_434 = arith.index_cast %mul3A_425 : i32 to index
        %get3A_435 = tpu.vector_load %arg8[%get3A_433, %get3A_434] {strides = array<i32>} : memref<48x512xf32, #tpu.memory_space<vmem>>, vector<1x16xf32>,
        %get3A_436 = vector.shape_cast %get3A_435 : vector<1x16xf32> to vector<16xf32>
        %mul3A_437 = arith.mulf %broadcast_in_dim3A_64, %get3A_436 : vector<16xf32>
        %add3A_438 = arith.addf %mul3A_431, %mul3A_437 : vector<16xf32>
        %get3A_439 = arith.constant 2 : i32
        %get3A_440 = arith.index_cast %get3A_439 : i32 to index
        %get3A_441 = arith.index_cast %mul3A_425 : i32 to index
        %get3A_442 = tpu.vector_load %arg8[%get3A_440, %get3A_441] {strides = array<i32>} : memref<48x512xf32, #tpu.memory_space<vmem>>, vector<1x16xf32>,
        %get3A_443 = vector.shape_cast %get3A_442 : vector<1x16xf32> to vector<16xf32>
        %mul3A_444 = arith.mulf %broadcast_in_dim3A_67, %get3A_443 : vector<16xf32>
        %add3A_445 = arith.addf %add3A_438, %mul3A_444 : vector<16xf32>
        %get3A_446 = arith.constant 3 : i32
        %get3A_447 = arith.index_cast %get3A_446 : i32 to index
        %get3A_448 = arith.index_cast %mul3A_425 : i32 to index
        %get3A_449 = tpu.vector_load %arg8[%get3A_447, %get3A_448] {strides = array<i32>} : memref<48x512xf32, #tpu.memory_space<vmem>>, vector<1x16xf32>,
        %get3A_450 = vector.shape_cast %get3A_449 : vector<1x16xf32> to vector<16xf32>
        %mul3A_451 = arith.mulf %broadcast_in_dim3A_70, %get3A_450 : vector<16xf32>
        %add3A_452 = arith.addf %add3A_445, %mul3A_451 : vector<16xf32>
        %get3A_453 = arith.constant 4 : i32
        %get3A_454 = arith.index_cast %get3A_453 : i32 to index
        %get3A_455 = arith.index_cast %mul3A_425 : i32 to index
        %get3A_456 = tpu.vector_load %arg8[%get3A_454, %get3A_455] {strides = array<i32>} : memref<48x512xf32, #tpu.memory_space<vmem>>, vector<1x16xf32>,
        %get3A_457 = vector.shape_cast %get3A_456 : vector<1x16xf32> to vector<16xf32>
        %mul3A_458 = arith.mulf %broadcast_in_dim3A_73, %get3A_457 : vector<16xf32>
        %add3A_459 = arith.addf %add3A_452, %mul3A_458 : vector<16xf32>
        %get3A_460 = arith.constant 5 : i32
        %get3A_461 = arith.index_cast %get3A_460 : i32 to index
        %get3A_462 = arith.index_cast %mul3A_425 : i32 to index
        %get3A_463 = tpu.vector_load %arg8[%get3A_461, %get3A_462] {strides = array<i32>} : memref<48x512xf32, #tpu.memory_space<vmem>>, vector<1x16xf32>,
        %get3A_464 = vector.shape_cast %get3A_463 : vector<1x16xf32> to vector<16xf32>
        %mul3A_465 = arith.mulf %broadcast_in_dim3A_76, %get3A_464 : vector<16xf32>
        %add3A_466 = arith.addf %add3A_459, %mul3A_465 : vector<16xf32>
        %get3A_467 = arith.constant 6 : i32
        %get3A_468 = arith.index_cast %get3A_467 : i32 to index
        %get3A_469 = arith.index_cast %mul3A_425 : i32 to index
        %get3A_470 = tpu.vector_load %arg8[%get3A_468, %get3A_469] {strides = array<i32>} : memref<48x512xf32, #tpu.memory_space<vmem>>, vector<1x16xf32>,
        %get3A_471 = vector.shape_cast %get3A_470 : vector<1x16xf32> to vector<16xf32>
        %mul3A_472 = arith.mulf %broadcast_in_dim3A_79, %get3A_471 : vector<16xf32>
        %add3A_473 = arith.addf %add3A_466, %mul3A_472 : vector<16xf32>
        %get3A_474 = arith.constant 7 : i32
        %get3A_475 = arith.index_cast %get3A_474 : i32 to index
        %get3A_476 = arith.index_cast %mul3A_425 : i32 to index
        %get3A_477 = tpu.vector_load %arg8[%get3A_475, %get3A_476] {strides = array<i32>} : memref<48x512xf32, #tpu.memory_space<vmem>>, vector<1x16xf32>,
        %get3A_478 = vector.shape_cast %get3A_477 : vector<1x16xf32> to vector<16xf32>
        %mul3A_479 = arith.mulf %broadcast_in_dim3A_82, %get3A_478 : vector<16xf32>
        %add3A_480 = arith.addf %add3A_473, %mul3A_479 : vector<16xf32>
        %get3A_481 = arith.constant 8 : i32
        %get3A_482 = arith.index_cast %get3A_481 : i32 to index
        %get3A_483 = arith.index_cast %mul3A_425 : i32 to index
        %get3A_484 = tpu.vector_load %arg8[%get3A_482, %get3A_483] {strides = array<i32>} : memref<48x512xf32, #tpu.memory_space<vmem>>, vector<1x16xf32>,
        %get3A_485 = vector.shape_cast %get3A_484 : vector<1x16xf32> to vector<16xf32>
        %mul3A_486 = arith.mulf %broadcast_in_dim3A_85, %get3A_485 : vector<16xf32>
        %add3A_487 = arith.addf %add3A_480, %mul3A_486 : vector<16xf32>
        %get3A_488 = arith.constant 9 : i32
        %get3A_489 = arith.index_cast %get3A_488 : i32 to index
        %get3A_490 = arith.index_cast %mul3A_425 : i32 to index
        %get3A_491 = tpu.vector_load %arg8[%get3A_489, %get3A_490] {strides = array<i32>} : memref<48x512xf32, #tpu.memory_space<vmem>>, vector<1x16xf32>,
        %get3A_492 = vector.shape_cast %get3A_491 : vector<1x16xf32> to vector<16xf32>
        %mul3A_493 = arith.mulf %broadcast_in_dim3A_88, %get3A_492 : vector<16xf32>
        %add3A_494 = arith.addf %add3A_487, %mul3A_493 : vector<16xf32>
        %get3A_495 = arith.constant 10 : i32
        %get3A_496 = arith.index_cast %get3A_495 : i32 to index
        %get3A_497 = arith.index_cast %mul3A_425 : i32 to index
        %get3A_498 = tpu.vector_load %arg8[%get3A_496, %get3A_497] {strides = array<i32>} : memref<48x512xf32, #tpu.memory_space<vmem>>, vector<1x16xf32>,
        %get3A_499 = vector.shape_cast %get3A_498 : vector<1x16xf32> to vector<16xf32>
        %mul3A_500 = arith.mulf %broadcast_in_dim3A_91, %get3A_499 : vector<16xf32>
        %add3A_501 = arith.addf %add3A_494, %mul3A_500 : vector<16xf32>
        %get3A_502 = arith.constant 11 : i32
        %get3A_503 = arith.index_cast %get3A_502 : i32 to index
        %get3A_504 = arith.index_cast %mul3A_425 : i32 to index
        %get3A_505 = tpu.vector_load %arg8[%get3A_503, %get3A_504] {strides = array<i32>} : memref<48x512xf32, #tpu.memory_space<vmem>>, vector<1x16xf32>,
        %get3A_506 = vector.shape_cast %get3A_505 : vector<1x16xf32> to vector<16xf32>
        %mul3A_507 = arith.mulf %broadcast_in_dim3A_94, %get3A_506 : vector<16xf32>
        %add3A_508 = arith.addf %add3A_501, %mul3A_507 : vector<16xf32>
        %get3A_509 = arith.constant 12 : i32
        %get3A_510 = arith.index_cast %get3A_509 : i32 to index
        %get3A_511 = arith.index_cast %mul3A_425 : i32 to index
        %get3A_512 = tpu.vector_load %arg8[%get3A_510, %get3A_511] {strides = array<i32>} : memref<48x512xf32, #tpu.memory_space<vmem>>, vector<1x16xf32>,
        %get3A_513 = vector.shape_cast %get3A_512 : vector<1x16xf32> to vector<16xf32>
        %mul3A_514 = arith.mulf %broadcast_in_dim3A_97, %get3A_513 : vector<16xf32>
        %add3A_515 = arith.addf %add3A_508, %mul3A_514 : vector<16xf32>
        %get3A_516 = arith.constant 13 : i32
        %get3A_517 = arith.index_cast %get3A_516 : i32 to index
        %get3A_518 = arith.index_cast %mul3A_425 : i32 to index
        %get3A_519 = tpu.vector_load %arg8[%get3A_517, %get3A_518] {strides = array<i32>} : memref<48x512xf32, #tpu.memory_space<vmem>>, vector<1x16xf32>,
        %get3A_520 = vector.shape_cast %get3A_519 : vector<1x16xf32> to vector<16xf32>
        %mul3A_521 = arith.mulf %broadcast_in_dim3A_100, %get3A_520 : vector<16xf32>
        %add3A_522 = arith.addf %add3A_515, %mul3A_521 : vector<16xf32>
        %get3A_523 = arith.constant 14 : i32
        %get3A_524 = arith.index_cast %get3A_523 : i32 to index
        %get3A_525 = arith.index_cast %mul3A_425 : i32 to index
        %get3A_526 = tpu.vector_load %arg8[%get3A_524, %get3A_525] {strides = array<i32>} : memref<48x512xf32, #tpu.memory_space<vmem>>, vector<1x16xf32>,
        %get3A_527 = vector.shape_cast %get3A_526 : vector<1x16xf32> to vector<16xf32>
        %mul3A_528 = arith.mulf %broadcast_in_dim3A_103, %get3A_527 : vector<16xf32>
        %add3A_529 = arith.addf %add3A_522, %mul3A_528 : vector<16xf32>
        %get3A_530 = arith.constant 15 : i32
        %get3A_531 = arith.index_cast %get3A_530 : i32 to index
        %get3A_532 = arith.index_cast %mul3A_425 : i32 to index
        %get3A_533 = tpu.vector_load %arg8[%get3A_531, %get3A_532] {strides = array<i32>} : memref<48x512xf32, #tpu.memory_space<vmem>>, vector<1x16xf32>,
        %get3A_534 = vector.shape_cast %get3A_533 : vector<1x16xf32> to vector<16xf32>
        %mul3A_535 = arith.mulf %broadcast_in_dim3A_106, %get3A_534 : vector<16xf32>
        %add3A_536 = arith.addf %add3A_529, %mul3A_535 : vector<16xf32>
        %get3A_537 = arith.constant 16 : i32
        %get3A_538 = arith.index_cast %get3A_537 : i32 to index
        %get3A_539 = arith.index_cast %mul3A_425 : i32 to index
        %get3A_540 = tpu.vector_load %arg8[%get3A_538, %get3A_539] {strides = array<i32>} : memref<48x512xf32, #tpu.memory_space<vmem>>, vector<1x16xf32>,
        %get3A_541 = vector.shape_cast %get3A_540 : vector<1x16xf32> to vector<16xf32>
        %mul3A_542 = arith.mulf %broadcast_in_dim3A_109, %get3A_541 : vector<16xf32>
        %add3A_543 = arith.addf %add3A_536, %mul3A_542 : vector<16xf32>
        %get3A_544 = arith.constant 17 : i32
        %get3A_545 = arith.index_cast %get3A_544 : i32 to index
        %get3A_546 = arith.index_cast %mul3A_425 : i32 to index
        %get3A_547 = tpu.vector_load %arg8[%get3A_545, %get3A_546] {strides = array<i32>} : memref<48x512xf32, #tpu.memory_space<vmem>>, vector<1x16xf32>,
        %get3A_548 = vector.shape_cast %get3A_547 : vector<1x16xf32> to vector<16xf32>
        %mul3A_549 = arith.mulf %broadcast_in_dim3A_112, %get3A_548 : vector<16xf32>
        %add3A_550 = arith.addf %add3A_543, %mul3A_549 : vector<16xf32>
        %get3A_551 = arith.constant 18 : i32
        %get3A_552 = arith.index_cast %get3A_551 : i32 to index
        %get3A_553 = arith.index_cast %mul3A_425 : i32 to index
        %get3A_554 = tpu.vector_load %arg8[%get3A_552, %get3A_553] {strides = array<i32>} : memref<48x512xf32, #tpu.memory_space<vmem>>, vector<1x16xf32>,
        %get3A_555 = vector.shape_cast %get3A_554 : vector<1x16xf32> to vector<16xf32>
        %mul3A_556 = arith.mulf %broadcast_in_dim3A_115, %get3A_555 : vector<16xf32>
        %add3A_557 = arith.addf %add3A_550, %mul3A_556 : vector<16xf32>
        %get3A_558 = arith.constant 19 : i32
        %get3A_559 = arith.index_cast %get3A_558 : i32 to index
        %get3A_560 = arith.index_cast %mul3A_425 : i32 to index
        %get3A_561 = tpu.vector_load %arg8[%get3A_559, %get3A_560] {strides = array<i32>} : memref<48x512xf32, #tpu.memory_space<vmem>>, vector<1x16xf32>,
        %get3A_562 = vector.shape_cast %get3A_561 : vector<1x16xf32> to vector<16xf32>
        %mul3A_563 = arith.mulf %broadcast_in_dim3A_118, %get3A_562 : vector<16xf32>
        %add3A_564 = arith.addf %add3A_557, %mul3A_563 : vector<16xf32>
        %get3A_565 = arith.constant 20 : i32
        %get3A_566 = arith.index_cast %get3A_565 : i32 to index
        %get3A_567 = arith.index_cast %mul3A_425 : i32 to index
        %get3A_568 = tpu.vector_load %arg8[%get3A_566, %get3A_567] {strides = array<i32>} : memref<48x512xf32, #tpu.memory_space<vmem>>, vector<1x16xf32>,
        %get3A_569 = vector.shape_cast %get3A_568 : vector<1x16xf32> to vector<16xf32>
        %mul3A_570 = arith.mulf %broadcast_in_dim3A_121, %get3A_569 : vector<16xf32>
        %add3A_571 = arith.addf %add3A_564, %mul3A_570 : vector<16xf32>
        %get3A_572 = arith.constant 21 : i32
        %get3A_573 = arith.index_cast %get3A_572 : i32 to index
        %get3A_574 = arith.index_cast %mul3A_425 : i32 to index
        %get3A_575 = tpu.vector_load %arg8[%get3A_573, %get3A_574] {strides = array<i32>} : memref<48x512xf32, #tpu.memory_space<vmem>>, vector<1x16xf32>,
        %get3A_576 = vector.shape_cast %get3A_575 : vector<1x16xf32> to vector<16xf32>
        %mul3A_577 = arith.mulf %broadcast_in_dim3A_124, %get3A_576 : vector<16xf32>
        %add3A_578 = arith.addf %add3A_571, %mul3A_577 : vector<16xf32>
        %get3A_579 = arith.constant 22 : i32
        %get3A_580 = arith.index_cast %get3A_579 : i32 to index
        %get3A_581 = arith.index_cast %mul3A_425 : i32 to index
        %get3A_582 = tpu.vector_load %arg8[%get3A_580, %get3A_581] {strides = array<i32>} : memref<48x512xf32, #tpu.memory_space<vmem>>, vector<1x16xf32>,
        %get3A_583 = vector.shape_cast %get3A_582 : vector<1x16xf32> to vector<16xf32>
        %mul3A_584 = arith.mulf %broadcast_in_dim3A_127, %get3A_583 : vector<16xf32>
        %add3A_585 = arith.addf %add3A_578, %mul3A_584 : vector<16xf32>
        %get3A_586 = arith.constant 23 : i32
        %get3A_587 = arith.index_cast %get3A_586 : i32 to index
        %get3A_588 = arith.index_cast %mul3A_425 : i32 to index
        %get3A_589 = tpu.vector_load %arg8[%get3A_587, %get3A_588] {strides = array<i32>} : memref<48x512xf32, #tpu.memory_space<vmem>>, vector<1x16xf32>,
        %get3A_590 = vector.shape_cast %get3A_589 : vector<1x16xf32> to vector<16xf32>
        %mul3A_591 = arith.mulf %broadcast_in_dim3A_130, %get3A_590 : vector<16xf32>
        %add3A_592 = arith.addf %add3A_585, %mul3A_591 : vector<16xf32>
        %swap3A = arith.constant 0 : i32
        %swap3A_593 = arith.index_cast %swap3A : i32 to index
        %swap3A_594 = arith.index_cast %mul3A_425 : i32 to index
        %swap3A_595 = tpu.vector_load %arg10[%swap3A_593, %swap3A_594] {strides = array<i32>} : memref<2x512xf32, #tpu.memory_space<vmem>>, vector<1x16xf32>,
        %swap3A_596 = vector.shape_cast %swap3A_595 : vector<1x16xf32> to vector<16xf32>
        %swap3A_597 = vector.shape_cast %add3A_592 : vector<16xf32> to vector<1x16xf32>
        tpu.vector_store %arg10[%swap3A_593, %swap3A_594], %swap3A_597 {strides = array<i32>} : memref<2x512xf32, #tpu.memory_space<vmem>>, vector<1x16xf32>,
        %scan3A_598 = arith.constant 1 : i32
        %scan3A_599 = arith.addi %scan3A_423, %scan3A_598 : i32
        %mul3A_600 = arith.constant 16 : i32
        %mul3A_601 = arith.muli %scan3A_599, %mul3A_600 : i32
        %get3A_602 = arith.constant 0 : i32
        %get3A_603 = arith.index_cast %get3A_602 : i32 to index
        %get3A_604 = arith.index_cast %mul3A_601 : i32 to index
        %get3A_605 = tpu.vector_load %arg8[%get3A_603, %get3A_604] {strides = array<i32>} : memref<48x512xf32, #tpu.memory_space<vmem>>, vector<1x16xf32>,
        %get3A_606 = vector.shape_cast %get3A_605 : vector<1x16xf32> to vector<16xf32>
        %mul3A_607 = arith.mulf %broadcast_in_dim3A, %get3A_606 : vector<16xf32>
        %get3A_608 = arith.constant 1 : i32
        %get3A_609 = arith.index_cast %get3A_608 : i32 to index
        %get3A_610 = arith.index_cast %mul3A_601 : i32 to index
        %get3A_611 = tpu.vector_load %arg8[%get3A_609, %get3A_610] {strides = array<i32>} : memref<48x512xf32, #tpu.memory_space<vmem>>, vector<1x16xf32>,
        %get3A_612 = vector.shape_cast %get3A_611 : vector<1x16xf32> to vector<16xf32>
        %mul3A_613 = arith.mulf %broadcast_in_dim3A_64, %get3A_612 : vector<16xf32>
        %add3A_614 = arith.addf %mul3A_607, %mul3A_613 : vector<16xf32>
        %get3A_615 = arith.constant 2 : i32
        %get3A_616 = arith.index_cast %get3A_615 : i32 to index
        %get3A_617 = arith.index_cast %mul3A_601 : i32 to index
        %get3A_618 = tpu.vector_load %arg8[%get3A_616, %get3A_617] {strides = array<i32>} : memref<48x512xf32, #tpu.memory_space<vmem>>, vector<1x16xf32>,
        %get3A_619 = vector.shape_cast %get3A_618 : vector<1x16xf32> to vector<16xf32>
        %mul3A_620 = arith.mulf %broadcast_in_dim3A_67, %get3A_619 : vector<16xf32>
        %add3A_621 = arith.addf %add3A_614, %mul3A_620 : vector<16xf32>
        %get3A_622 = arith.constant 3 : i32
        %get3A_623 = arith.index_cast %get3A_622 : i32 to index
        %get3A_624 = arith.index_cast %mul3A_601 : i32 to index
        %get3A_625 = tpu.vector_load %arg8[%get3A_623, %get3A_624] {strides = array<i32>} : memref<48x512xf32, #tpu.memory_space<vmem>>, vector<1x16xf32>,
        %get3A_626 = vector.shape_cast %get3A_625 : vector<1x16xf32> to vector<16xf32>
        %mul3A_627 = arith.mulf %broadcast_in_dim3A_70, %get3A_626 : vector<16xf32>
        %add3A_628 = arith.addf %add3A_621, %mul3A_627 : vector<16xf32>
        %get3A_629 = arith.constant 4 : i32
        %get3A_630 = arith.index_cast %get3A_629 : i32 to index
        %get3A_631 = arith.index_cast %mul3A_601 : i32 to index
        %get3A_632 = tpu.vector_load %arg8[%get3A_630, %get3A_631] {strides = array<i32>} : memref<48x512xf32, #tpu.memory_space<vmem>>, vector<1x16xf32>,
        %get3A_633 = vector.shape_cast %get3A_632 : vector<1x16xf32> to vector<16xf32>
        %mul3A_634 = arith.mulf %broadcast_in_dim3A_73, %get3A_633 : vector<16xf32>
        %add3A_635 = arith.addf %add3A_628, %mul3A_634 : vector<16xf32>
        %get3A_636 = arith.constant 5 : i32
        %get3A_637 = arith.index_cast %get3A_636 : i32 to index
        %get3A_638 = arith.index_cast %mul3A_601 : i32 to index
        %get3A_639 = tpu.vector_load %arg8[%get3A_637, %get3A_638] {strides = array<i32>} : memref<48x512xf32, #tpu.memory_space<vmem>>, vector<1x16xf32>,
        %get3A_640 = vector.shape_cast %get3A_639 : vector<1x16xf32> to vector<16xf32>
        %mul3A_641 = arith.mulf %broadcast_in_dim3A_76, %get3A_640 : vector<16xf32>
        %add3A_642 = arith.addf %add3A_635, %mul3A_641 : vector<16xf32>
        %get3A_643 = arith.constant 6 : i32
        %get3A_644 = arith.index_cast %get3A_643 : i32 to index
        %get3A_645 = arith.index_cast %mul3A_601 : i32 to index
        %get3A_646 = tpu.vector_load %arg8[%get3A_644, %get3A_645] {strides = array<i32>} : memref<48x512xf32, #tpu.memory_space<vmem>>, vector<1x16xf32>,
        %get3A_647 = vector.shape_cast %get3A_646 : vector<1x16xf32> to vector<16xf32>
        %mul3A_648 = arith.mulf %broadcast_in_dim3A_79, %get3A_647 : vector<16xf32>
        %add3A_649 = arith.addf %add3A_642, %mul3A_648 : vector<16xf32>
        %get3A_650 = arith.constant 7 : i32
        %get3A_651 = arith.index_cast %get3A_650 : i32 to index
        %get3A_652 = arith.index_cast %mul3A_601 : i32 to index
        %get3A_653 = tpu.vector_load %arg8[%get3A_651, %get3A_652] {strides = array<i32>} : memref<48x512xf32, #tpu.memory_space<vmem>>, vector<1x16xf32>,
        %get3A_654 = vector.shape_cast %get3A_653 : vector<1x16xf32> to vector<16xf32>
        %mul3A_655 = arith.mulf %broadcast_in_dim3A_82, %get3A_654 : vector<16xf32>
        %add3A_656 = arith.addf %add3A_649, %mul3A_655 : vector<16xf32>
        %get3A_657 = arith.constant 8 : i32
        %get3A_658 = arith.index_cast %get3A_657 : i32 to index
        %get3A_659 = arith.index_cast %mul3A_601 : i32 to index
        %get3A_660 = tpu.vector_load %arg8[%get3A_658, %get3A_659] {strides = array<i32>} : memref<48x512xf32, #tpu.memory_space<vmem>>, vector<1x16xf32>,
        %get3A_661 = vector.shape_cast %get3A_660 : vector<1x16xf32> to vector<16xf32>
        %mul3A_662 = arith.mulf %broadcast_in_dim3A_85, %get3A_661 : vector<16xf32>
        %add3A_663 = arith.addf %add3A_656, %mul3A_662 : vector<16xf32>
        %get3A_664 = arith.constant 9 : i32
        %get3A_665 = arith.index_cast %get3A_664 : i32 to index
        %get3A_666 = arith.index_cast %mul3A_601 : i32 to index
        %get3A_667 = tpu.vector_load %arg8[%get3A_665, %get3A_666] {strides = array<i32>} : memref<48x512xf32, #tpu.memory_space<vmem>>, vector<1x16xf32>,
        %get3A_668 = vector.shape_cast %get3A_667 : vector<1x16xf32> to vector<16xf32>
        %mul3A_669 = arith.mulf %broadcast_in_dim3A_88, %get3A_668 : vector<16xf32>
        %add3A_670 = arith.addf %add3A_663, %mul3A_669 : vector<16xf32>
        %get3A_671 = arith.constant 10 : i32
        %get3A_672 = arith.index_cast %get3A_671 : i32 to index
        %get3A_673 = arith.index_cast %mul3A_601 : i32 to index
        %get3A_674 = tpu.vector_load %arg8[%get3A_672, %get3A_673] {strides = array<i32>} : memref<48x512xf32, #tpu.memory_space<vmem>>, vector<1x16xf32>,
        %get3A_675 = vector.shape_cast %get3A_674 : vector<1x16xf32> to vector<16xf32>
        %mul3A_676 = arith.mulf %broadcast_in_dim3A_91, %get3A_675 : vector<16xf32>
        %add3A_677 = arith.addf %add3A_670, %mul3A_676 : vector<16xf32>
        %get3A_678 = arith.constant 11 : i32
        %get3A_679 = arith.index_cast %get3A_678 : i32 to index
        %get3A_680 = arith.index_cast %mul3A_601 : i32 to index
        %get3A_681 = tpu.vector_load %arg8[%get3A_679, %get3A_680] {strides = array<i32>} : memref<48x512xf32, #tpu.memory_space<vmem>>, vector<1x16xf32>,
        %get3A_682 = vector.shape_cast %get3A_681 : vector<1x16xf32> to vector<16xf32>
        %mul3A_683 = arith.mulf %broadcast_in_dim3A_94, %get3A_682 : vector<16xf32>
        %add3A_684 = arith.addf %add3A_677, %mul3A_683 : vector<16xf32>
        %get3A_685 = arith.constant 12 : i32
        %get3A_686 = arith.index_cast %get3A_685 : i32 to index
        %get3A_687 = arith.index_cast %mul3A_601 : i32 to index
        %get3A_688 = tpu.vector_load %arg8[%get3A_686, %get3A_687] {strides = array<i32>} : memref<48x512xf32, #tpu.memory_space<vmem>>, vector<1x16xf32>,
        %get3A_689 = vector.shape_cast %get3A_688 : vector<1x16xf32> to vector<16xf32>
        %mul3A_690 = arith.mulf %broadcast_in_dim3A_97, %get3A_689 : vector<16xf32>
        %add3A_691 = arith.addf %add3A_684, %mul3A_690 : vector<16xf32>
        %get3A_692 = arith.constant 13 : i32
        %get3A_693 = arith.index_cast %get3A_692 : i32 to index
        %get3A_694 = arith.index_cast %mul3A_601 : i32 to index
        %get3A_695 = tpu.vector_load %arg8[%get3A_693, %get3A_694] {strides = array<i32>} : memref<48x512xf32, #tpu.memory_space<vmem>>, vector<1x16xf32>,
        %get3A_696 = vector.shape_cast %get3A_695 : vector<1x16xf32> to vector<16xf32>
        %mul3A_697 = arith.mulf %broadcast_in_dim3A_100, %get3A_696 : vector<16xf32>
        %add3A_698 = arith.addf %add3A_691, %mul3A_697 : vector<16xf32>
        %get3A_699 = arith.constant 14 : i32
        %get3A_700 = arith.index_cast %get3A_699 : i32 to index
        %get3A_701 = arith.index_cast %mul3A_601 : i32 to index
        %get3A_702 = tpu.vector_load %arg8[%get3A_700, %get3A_701] {strides = array<i32>} : memref<48x512xf32, #tpu.memory_space<vmem>>, vector<1x16xf32>,
        %get3A_703 = vector.shape_cast %get3A_702 : vector<1x16xf32> to vector<16xf32>
        %mul3A_704 = arith.mulf %broadcast_in_dim3A_103, %get3A_703 : vector<16xf32>
        %add3A_705 = arith.addf %add3A_698, %mul3A_704 : vector<16xf32>
        %get3A_706 = arith.constant 15 : i32
        %get3A_707 = arith.index_cast %get3A_706 : i32 to index
        %get3A_708 = arith.index_cast %mul3A_601 : i32 to index
        %get3A_709 = tpu.vector_load %arg8[%get3A_707, %get3A_708] {strides = array<i32>} : memref<48x512xf32, #tpu.memory_space<vmem>>, vector<1x16xf32>,
        %get3A_710 = vector.shape_cast %get3A_709 : vector<1x16xf32> to vector<16xf32>
        %mul3A_711 = arith.mulf %broadcast_in_dim3A_106, %get3A_710 : vector<16xf32>
        %add3A_712 = arith.addf %add3A_705, %mul3A_711 : vector<16xf32>
        %get3A_713 = arith.constant 16 : i32
        %get3A_714 = arith.index_cast %get3A_713 : i32 to index
        %get3A_715 = arith.index_cast %mul3A_601 : i32 to index
        %get3A_716 = tpu.vector_load %arg8[%get3A_714, %get3A_715] {strides = array<i32>} : memref<48x512xf32, #tpu.memory_space<vmem>>, vector<1x16xf32>,
        %get3A_717 = vector.shape_cast %get3A_716 : vector<1x16xf32> to vector<16xf32>
        %mul3A_718 = arith.mulf %broadcast_in_dim3A_109, %get3A_717 : vector<16xf32>
        %add3A_719 = arith.addf %add3A_712, %mul3A_718 : vector<16xf32>
        %get3A_720 = arith.constant 17 : i32
        %get3A_721 = arith.index_cast %get3A_720 : i32 to index
        %get3A_722 = arith.index_cast %mul3A_601 : i32 to index
        %get3A_723 = tpu.vector_load %arg8[%get3A_721, %get3A_722] {strides = array<i32>} : memref<48x512xf32, #tpu.memory_space<vmem>>, vector<1x16xf32>,
        %get3A_724 = vector.shape_cast %get3A_723 : vector<1x16xf32> to vector<16xf32>
        %mul3A_725 = arith.mulf %broadcast_in_dim3A_112, %get3A_724 : vector<16xf32>
        %add3A_726 = arith.addf %add3A_719, %mul3A_725 : vector<16xf32>
        %get3A_727 = arith.constant 18 : i32
        %get3A_728 = arith.index_cast %get3A_727 : i32 to index
        %get3A_729 = arith.index_cast %mul3A_601 : i32 to index
        %get3A_730 = tpu.vector_load %arg8[%get3A_728, %get3A_729] {strides = array<i32>} : memref<48x512xf32, #tpu.memory_space<vmem>>, vector<1x16xf32>,
        %get3A_731 = vector.shape_cast %get3A_730 : vector<1x16xf32> to vector<16xf32>
        %mul3A_732 = arith.mulf %broadcast_in_dim3A_115, %get3A_731 : vector<16xf32>
        %add3A_733 = arith.addf %add3A_726, %mul3A_732 : vector<16xf32>
        %get3A_734 = arith.constant 19 : i32
        %get3A_735 = arith.index_cast %get3A_734 : i32 to index
        %get3A_736 = arith.index_cast %mul3A_601 : i32 to index
        %get3A_737 = tpu.vector_load %arg8[%get3A_735, %get3A_736] {strides = array<i32>} : memref<48x512xf32, #tpu.memory_space<vmem>>, vector<1x16xf32>,
        %get3A_738 = vector.shape_cast %get3A_737 : vector<1x16xf32> to vector<16xf32>
        %mul3A_739 = arith.mulf %broadcast_in_dim3A_118, %get3A_738 : vector<16xf32>
        %add3A_740 = arith.addf %add3A_733, %mul3A_739 : vector<16xf32>
        %get3A_741 = arith.constant 20 : i32
        %get3A_742 = arith.index_cast %get3A_741 : i32 to index
        %get3A_743 = arith.index_cast %mul3A_601 : i32 to index
        %get3A_744 = tpu.vector_load %arg8[%get3A_742, %get3A_743] {strides = array<i32>} : memref<48x512xf32, #tpu.memory_space<vmem>>, vector<1x16xf32>,
        %get3A_745 = vector.shape_cast %get3A_744 : vector<1x16xf32> to vector<16xf32>
        %mul3A_746 = arith.mulf %broadcast_in_dim3A_121, %get3A_745 : vector<16xf32>
        %add3A_747 = arith.addf %add3A_740, %mul3A_746 : vector<16xf32>
        %get3A_748 = arith.constant 21 : i32
        %get3A_749 = arith.index_cast %get3A_748 : i32 to index
        %get3A_750 = arith.index_cast %mul3A_601 : i32 to index
        %get3A_751 = tpu.vector_load %arg8[%get3A_749, %get3A_750] {strides = array<i32>} : memref<48x512xf32, #tpu.memory_space<vmem>>, vector<1x16xf32>,
        %get3A_752 = vector.shape_cast %get3A_751 : vector<1x16xf32> to vector<16xf32>
        %mul3A_753 = arith.mulf %broadcast_in_dim3A_124, %get3A_752 : vector<16xf32>
        %add3A_754 = arith.addf %add3A_747, %mul3A_753 : vector<16xf32>
        %get3A_755 = arith.constant 22 : i32
        %get3A_756 = arith.index_cast %get3A_755 : i32 to index
        %get3A_757 = arith.index_cast %mul3A_601 : i32 to index
        %get3A_758 = tpu.vector_load %arg8[%get3A_756, %get3A_757] {strides = array<i32>} : memref<48x512xf32, #tpu.memory_space<vmem>>, vector<1x16xf32>,
        %get3A_759 = vector.shape_cast %get3A_758 : vector<1x16xf32> to vector<16xf32>
        %mul3A_760 = arith.mulf %broadcast_in_dim3A_127, %get3A_759 : vector<16xf32>
        %add3A_761 = arith.addf %add3A_754, %mul3A_760 : vector<16xf32>
        %get3A_762 = arith.constant 23 : i32
        %get3A_763 = arith.index_cast %get3A_762 : i32 to index
        %get3A_764 = arith.index_cast %mul3A_601 : i32 to index
        %get3A_765 = tpu.vector_load %arg8[%get3A_763, %get3A_764] {strides = array<i32>} : memref<48x512xf32, #tpu.memory_space<vmem>>, vector<1x16xf32>,
        %get3A_766 = vector.shape_cast %get3A_765 : vector<1x16xf32> to vector<16xf32>
        %mul3A_767 = arith.mulf %broadcast_in_dim3A_130, %get3A_766 : vector<16xf32>
        %add3A_768 = arith.addf %add3A_761, %mul3A_767 : vector<16xf32>
        %swap3A_769 = arith.constant 0 : i32
        %swap3A_770 = arith.index_cast %swap3A_769 : i32 to index
        %swap3A_771 = arith.index_cast %mul3A_601 : i32 to index
        %swap3A_772 = tpu.vector_load %arg10[%swap3A_770, %swap3A_771] {strides = array<i32>} : memref<2x512xf32, #tpu.memory_space<vmem>>, vector<1x16xf32>,
        %swap3A_773 = vector.shape_cast %swap3A_772 : vector<1x16xf32> to vector<16xf32>
        %swap3A_774 = vector.shape_cast %add3A_768 : vector<16xf32> to vector<1x16xf32>
        tpu.vector_store %arg10[%swap3A_770, %swap3A_771], %swap3A_774 {strides = array<i32>} : memref<2x512xf32, #tpu.memory_space<vmem>>, vector<1x16xf32>,
      }
      %scan3A_136 = arith.constant 32 : i32
      %slice3A_137 = vector.extract_strided_slice %get3A_54 {offsets = [8], sizes = [1], strides = [1]} : vector<16xf32> to vector<1xf32>
      %squeeze3A_138 = vector.extract %slice3A_137[0] : f32 from vector<1xf32>
      %broadcast_in_dim3A_139 = vector.broadcast %squeeze3A_138 : f32 to vector<16xf32>
      %slice3A_140 = vector.extract_strided_slice %get3A_54 {offsets = [9], sizes = [1], strides = [1]} : vector<16xf32> to vector<1xf32>
      %squeeze3A_141 = vector.extract %slice3A_140[0] : f32 from vector<1xf32>
      %broadcast_in_dim3A_142 = vector.broadcast %squeeze3A_141 : f32 to vector<16xf32>
      %slice3A_143 = vector.extract_strided_slice %get3A_54 {offsets = [10], sizes = [1], strides = [1]} : vector<16xf32> to vector<1xf32>
      %squeeze3A_144 = vector.extract %slice3A_143[0] : f32 from vector<1xf32>
      %broadcast_in_dim3A_145 = vector.broadcast %squeeze3A_144 : f32 to vector<16xf32>
      %slice3A_146 = vector.extract_strided_slice %get3A_54 {offsets = [11], sizes = [1], strides = [1]} : vector<16xf32> to vector<1xf32>
      %squeeze3A_147 = vector.extract %slice3A_146[0] : f32 from vector<1xf32>
      %broadcast_in_dim3A_148 = vector.broadcast %squeeze3A_147 : f32 to vector<16xf32>
      %slice3A_149 = vector.extract_strided_slice %get3A_54 {offsets = [12], sizes = [1], strides = [1]} : vector<16xf32> to vector<1xf32>
      %squeeze3A_150 = vector.extract %slice3A_149[0] : f32 from vector<1xf32>
      %broadcast_in_dim3A_151 = vector.broadcast %squeeze3A_150 : f32 to vector<16xf32>
      %slice3A_152 = vector.extract_strided_slice %get3A_54 {offsets = [13], sizes = [1], strides = [1]} : vector<16xf32> to vector<1xf32>
      %squeeze3A_153 = vector.extract %slice3A_152[0] : f32 from vector<1xf32>
      %broadcast_in_dim3A_154 = vector.broadcast %squeeze3A_153 : f32 to vector<16xf32>
      %slice3A_155 = vector.extract_strided_slice %get3A_54 {offsets = [14], sizes = [1], strides = [1]} : vector<16xf32> to vector<1xf32>
      %squeeze3A_156 = vector.extract %slice3A_155[0] : f32 from vector<1xf32>
      %broadcast_in_dim3A_157 = vector.broadcast %squeeze3A_156 : f32 to vector<16xf32>
      %slice3A_158 = vector.extract_strided_slice %get3A_54 {offsets = [15], sizes = [1], strides = [1]} : vector<16xf32> to vector<1xf32>
      %squeeze3A_159 = vector.extract %slice3A_158[0] : f32 from vector<1xf32>
      %broadcast_in_dim3A_160 = vector.broadcast %squeeze3A_159 : f32 to vector<16xf32>
      %slice3A_161 = vector.extract_strided_slice %get3A_61 {offsets = [0], sizes = [1], strides = [1]} : vector<16xf32> to vector<1xf32>
      %squeeze3A_162 = vector.extract %slice3A_161[0] : f32 from vector<1xf32>
      %broadcast_in_dim3A_163 = vector.broadcast %squeeze3A_162 : f32 to vector<16xf32>
      %slice3A_164 = vector.extract_strided_slice %get3A_61 {offsets = [1], sizes = [1], strides = [1]} : vector<16xf32> to vector<1xf32>
      %squeeze3A_165 = vector.extract %slice3A_164[0] : f32 from vector<1xf32>
      %broadcast_in_dim3A_166 = vector.broadcast %squeeze3A_165 : f32 to vector<16xf32>
      %slice3A_167 = vector.extract_strided_slice %get3A_61 {offsets = [2], sizes = [1], strides = [1]} : vector<16xf32> to vector<1xf32>
      %squeeze3A_168 = vector.extract %slice3A_167[0] : f32 from vector<1xf32>
      %broadcast_in_dim3A_169 = vector.broadcast %squeeze3A_168 : f32 to vector<16xf32>
      %slice3A_170 = vector.extract_strided_slice %get3A_61 {offsets = [3], sizes = [1], strides = [1]} : vector<16xf32> to vector<1xf32>
      %squeeze3A_171 = vector.extract %slice3A_170[0] : f32 from vector<1xf32>
      %broadcast_in_dim3A_172 = vector.broadcast %squeeze3A_171 : f32 to vector<16xf32>
      %slice3A_173 = vector.extract_strided_slice %get3A_61 {offsets = [4], sizes = [1], strides = [1]} : vector<16xf32> to vector<1xf32>
      %squeeze3A_174 = vector.extract %slice3A_173[0] : f32 from vector<1xf32>
      %broadcast_in_dim3A_175 = vector.broadcast %squeeze3A_174 : f32 to vector<16xf32>
      %slice3A_176 = vector.extract_strided_slice %get3A_61 {offsets = [5], sizes = [1], strides = [1]} : vector<16xf32> to vector<1xf32>
      %squeeze3A_177 = vector.extract %slice3A_176[0] : f32 from vector<1xf32>
      %broadcast_in_dim3A_178 = vector.broadcast %squeeze3A_177 : f32 to vector<16xf32>
      %slice3A_179 = vector.extract_strided_slice %get3A_61 {offsets = [6], sizes = [1], strides = [1]} : vector<16xf32> to vector<1xf32>
      %squeeze3A_180 = vector.extract %slice3A_179[0] : f32 from vector<1xf32>
      %broadcast_in_dim3A_181 = vector.broadcast %squeeze3A_180 : f32 to vector<16xf32>
      %slice3A_182 = vector.extract_strided_slice %get3A_61 {offsets = [7], sizes = [1], strides = [1]} : vector<16xf32> to vector<1xf32>
      %squeeze3A_183 = vector.extract %slice3A_182[0] : f32 from vector<1xf32>
      %broadcast_in_dim3A_184 = vector.broadcast %squeeze3A_183 : f32 to vector<16xf32>
      %slice3A_185 = vector.extract_strided_slice %get3A_61 {offsets = [8], sizes = [1], strides = [1]} : vector<16xf32> to vector<1xf32>
      %squeeze3A_186 = vector.extract %slice3A_185[0] : f32 from vector<1xf32>
      %broadcast_in_dim3A_187 = vector.broadcast %squeeze3A_186 : f32 to vector<16xf32>
      %slice3A_188 = vector.extract_strided_slice %get3A_61 {offsets = [9], sizes = [1], strides = [1]} : vector<16xf32> to vector<1xf32>
      %squeeze3A_189 = vector.extract %slice3A_188[0] : f32 from vector<1xf32>
      %broadcast_in_dim3A_190 = vector.broadcast %squeeze3A_189 : f32 to vector<16xf32>
      %slice3A_191 = vector.extract_strided_slice %get3A_61 {offsets = [10], sizes = [1], strides = [1]} : vector<16xf32> to vector<1xf32>
      %squeeze3A_192 = vector.extract %slice3A_191[0] : f32 from vector<1xf32>
      %broadcast_in_dim3A_193 = vector.broadcast %squeeze3A_192 : f32 to vector<16xf32>
      %slice3A_194 = vector.extract_strided_slice %get3A_61 {offsets = [11], sizes = [1], strides = [1]} : vector<16xf32> to vector<1xf32>
      %squeeze3A_195 = vector.extract %slice3A_194[0] : f32 from vector<1xf32>
      %broadcast_in_dim3A_196 = vector.broadcast %squeeze3A_195 : f32 to vector<16xf32>
      %slice3A_197 = vector.extract_strided_slice %get3A_61 {offsets = [12], sizes = [1], strides = [1]} : vector<16xf32> to vector<1xf32>
      %squeeze3A_198 = vector.extract %slice3A_197[0] : f32 from vector<1xf32>
      %broadcast_in_dim3A_199 = vector.broadcast %squeeze3A_198 : f32 to vector<16xf32>
      %slice3A_200 = vector.extract_strided_slice %get3A_61 {offsets = [13], sizes = [1], strides = [1]} : vector<16xf32> to vector<1xf32>
      %squeeze3A_201 = vector.extract %slice3A_200[0] : f32 from vector<1xf32>
      %broadcast_in_dim3A_202 = vector.broadcast %squeeze3A_201 : f32 to vector<16xf32>
      %slice3A_203 = vector.extract_strided_slice %get3A_61 {offsets = [14], sizes = [1], strides = [1]} : vector<16xf32> to vector<1xf32>
      %squeeze3A_204 = vector.extract %slice3A_203[0] : f32 from vector<1xf32>
      %broadcast_in_dim3A_205 = vector.broadcast %squeeze3A_204 : f32 to vector<16xf32>
      %slice3A_206 = vector.extract_strided_slice %get3A_61 {offsets = [15], sizes = [1], strides = [1]} : vector<16xf32> to vector<1xf32>
      %squeeze3A_207 = vector.extract %slice3A_206[0] : f32 from vector<1xf32>
      %broadcast_in_dim3A_208 = vector.broadcast %squeeze3A_207 : f32 to vector<16xf32>
      %scan3A_209 = arith.constant 0 : i32
      %scan3A_210 = arith.constant 0 : i32
      %scan3A_211 = arith.constant 32 : i32
      %scan3A_212 = arith.addi %scan3A_210, %scan3A_211 : i32
      %scan3A_213 = arith.constant 2 : i32
      scf.for %scan3A_423 = %scan3A_210 to %scan3A_212 step %scan3A_213  : i32 {
        %mul3A_424 = arith.constant 16 : i32
        %mul3A_425 = arith.muli %scan3A_423, %mul3A_424 : i32
        %get3A_426 = arith.constant 24 : i32
        %get3A_427 = arith.index_cast %get3A_426 : i32 to index
        %get3A_428 = arith.index_cast %mul3A_425 : i32 to index
        %get3A_429 = tpu.vector_load %arg8[%get3A_427, %get3A_428] {strides = array<i32>} : memref<48x512xf32, #tpu.memory_space<vmem>>, vector<1x16xf32>,
        %get3A_430 = vector.shape_cast %get3A_429 : vector<1x16xf32> to vector<16xf32>
        %mul3A_431 = arith.mulf %broadcast_in_dim3A_139, %get3A_430 : vector<16xf32>
        %get3A_432 = arith.constant 25 : i32
        %get3A_433 = arith.index_cast %get3A_432 : i32 to index
        %get3A_434 = arith.index_cast %mul3A_425 : i32 to index
        %get3A_435 = tpu.vector_load %arg8[%get3A_433, %get3A_434] {strides = array<i32>} : memref<48x512xf32, #tpu.memory_space<vmem>>, vector<1x16xf32>,
        %get3A_436 = vector.shape_cast %get3A_435 : vector<1x16xf32> to vector<16xf32>
        %mul3A_437 = arith.mulf %broadcast_in_dim3A_142, %get3A_436 : vector<16xf32>
        %add3A_438 = arith.addf %mul3A_431, %mul3A_437 : vector<16xf32>
        %get3A_439 = arith.constant 26 : i32
        %get3A_440 = arith.index_cast %get3A_439 : i32 to index
        %get3A_441 = arith.index_cast %mul3A_425 : i32 to index
        %get3A_442 = tpu.vector_load %arg8[%get3A_440, %get3A_441] {strides = array<i32>} : memref<48x512xf32, #tpu.memory_space<vmem>>, vector<1x16xf32>,
        %get3A_443 = vector.shape_cast %get3A_442 : vector<1x16xf32> to vector<16xf32>
        %mul3A_444 = arith.mulf %broadcast_in_dim3A_145, %get3A_443 : vector<16xf32>
        %add3A_445 = arith.addf %add3A_438, %mul3A_444 : vector<16xf32>
        %get3A_446 = arith.constant 27 : i32
        %get3A_447 = arith.index_cast %get3A_446 : i32 to index
        %get3A_448 = arith.index_cast %mul3A_425 : i32 to index
        %get3A_449 = tpu.vector_load %arg8[%get3A_447, %get3A_448] {strides = array<i32>} : memref<48x512xf32, #tpu.memory_space<vmem>>, vector<1x16xf32>,
        %get3A_450 = vector.shape_cast %get3A_449 : vector<1x16xf32> to vector<16xf32>
        %mul3A_451 = arith.mulf %broadcast_in_dim3A_148, %get3A_450 : vector<16xf32>
        %add3A_452 = arith.addf %add3A_445, %mul3A_451 : vector<16xf32>
        %get3A_453 = arith.constant 28 : i32
        %get3A_454 = arith.index_cast %get3A_453 : i32 to index
        %get3A_455 = arith.index_cast %mul3A_425 : i32 to index
        %get3A_456 = tpu.vector_load %arg8[%get3A_454, %get3A_455] {strides = array<i32>} : memref<48x512xf32, #tpu.memory_space<vmem>>, vector<1x16xf32>,
        %get3A_457 = vector.shape_cast %get3A_456 : vector<1x16xf32> to vector<16xf32>
        %mul3A_458 = arith.mulf %broadcast_in_dim3A_151, %get3A_457 : vector<16xf32>
        %add3A_459 = arith.addf %add3A_452, %mul3A_458 : vector<16xf32>
        %get3A_460 = arith.constant 29 : i32
        %get3A_461 = arith.index_cast %get3A_460 : i32 to index
        %get3A_462 = arith.index_cast %mul3A_425 : i32 to index
        %get3A_463 = tpu.vector_load %arg8[%get3A_461, %get3A_462] {strides = array<i32>} : memref<48x512xf32, #tpu.memory_space<vmem>>, vector<1x16xf32>,
        %get3A_464 = vector.shape_cast %get3A_463 : vector<1x16xf32> to vector<16xf32>
        %mul3A_465 = arith.mulf %broadcast_in_dim3A_154, %get3A_464 : vector<16xf32>
        %add3A_466 = arith.addf %add3A_459, %mul3A_465 : vector<16xf32>
        %get3A_467 = arith.constant 30 : i32
        %get3A_468 = arith.index_cast %get3A_467 : i32 to index
        %get3A_469 = arith.index_cast %mul3A_425 : i32 to index
        %get3A_470 = tpu.vector_load %arg8[%get3A_468, %get3A_469] {strides = array<i32>} : memref<48x512xf32, #tpu.memory_space<vmem>>, vector<1x16xf32>,
        %get3A_471 = vector.shape_cast %get3A_470 : vector<1x16xf32> to vector<16xf32>
        %mul3A_472 = arith.mulf %broadcast_in_dim3A_157, %get3A_471 : vector<16xf32>
        %add3A_473 = arith.addf %add3A_466, %mul3A_472 : vector<16xf32>
        %get3A_474 = arith.constant 31 : i32
        %get3A_475 = arith.index_cast %get3A_474 : i32 to index
        %get3A_476 = arith.index_cast %mul3A_425 : i32 to index
        %get3A_477 = tpu.vector_load %arg8[%get3A_475, %get3A_476] {strides = array<i32>} : memref<48x512xf32, #tpu.memory_space<vmem>>, vector<1x16xf32>,
        %get3A_478 = vector.shape_cast %get3A_477 : vector<1x16xf32> to vector<16xf32>
        %mul3A_479 = arith.mulf %broadcast_in_dim3A_160, %get3A_478 : vector<16xf32>
        %add3A_480 = arith.addf %add3A_473, %mul3A_479 : vector<16xf32>
        %get3A_481 = arith.constant 32 : i32
        %get3A_482 = arith.index_cast %get3A_481 : i32 to index
        %get3A_483 = arith.index_cast %mul3A_425 : i32 to index
        %get3A_484 = tpu.vector_load %arg8[%get3A_482, %get3A_483] {strides = array<i32>} : memref<48x512xf32, #tpu.memory_space<vmem>>, vector<1x16xf32>,
        %get3A_485 = vector.shape_cast %get3A_484 : vector<1x16xf32> to vector<16xf32>
        %mul3A_486 = arith.mulf %broadcast_in_dim3A_163, %get3A_485 : vector<16xf32>
        %add3A_487 = arith.addf %add3A_480, %mul3A_486 : vector<16xf32>
        %get3A_488 = arith.constant 33 : i32
        %get3A_489 = arith.index_cast %get3A_488 : i32 to index
        %get3A_490 = arith.index_cast %mul3A_425 : i32 to index
        %get3A_491 = tpu.vector_load %arg8[%get3A_489, %get3A_490] {strides = array<i32>} : memref<48x512xf32, #tpu.memory_space<vmem>>, vector<1x16xf32>,
        %get3A_492 = vector.shape_cast %get3A_491 : vector<1x16xf32> to vector<16xf32>
        %mul3A_493 = arith.mulf %broadcast_in_dim3A_166, %get3A_492 : vector<16xf32>
        %add3A_494 = arith.addf %add3A_487, %mul3A_493 : vector<16xf32>
        %get3A_495 = arith.constant 34 : i32
        %get3A_496 = arith.index_cast %get3A_495 : i32 to index
        %get3A_497 = arith.index_cast %mul3A_425 : i32 to index
        %get3A_498 = tpu.vector_load %arg8[%get3A_496, %get3A_497] {strides = array<i32>} : memref<48x512xf32, #tpu.memory_space<vmem>>, vector<1x16xf32>,
        %get3A_499 = vector.shape_cast %get3A_498 : vector<1x16xf32> to vector<16xf32>
        %mul3A_500 = arith.mulf %broadcast_in_dim3A_169, %get3A_499 : vector<16xf32>
        %add3A_501 = arith.addf %add3A_494, %mul3A_500 : vector<16xf32>
        %get3A_502 = arith.constant 35 : i32
        %get3A_503 = arith.index_cast %get3A_502 : i32 to index
        %get3A_504 = arith.index_cast %mul3A_425 : i32 to index
        %get3A_505 = tpu.vector_load %arg8[%get3A_503, %get3A_504] {strides = array<i32>} : memref<48x512xf32, #tpu.memory_space<vmem>>, vector<1x16xf32>,
        %get3A_506 = vector.shape_cast %get3A_505 : vector<1x16xf32> to vector<16xf32>
        %mul3A_507 = arith.mulf %broadcast_in_dim3A_172, %get3A_506 : vector<16xf32>
        %add3A_508 = arith.addf %add3A_501, %mul3A_507 : vector<16xf32>
        %get3A_509 = arith.constant 36 : i32
        %get3A_510 = arith.index_cast %get3A_509 : i32 to index
        %get3A_511 = arith.index_cast %mul3A_425 : i32 to index
        %get3A_512 = tpu.vector_load %arg8[%get3A_510, %get3A_511] {strides = array<i32>} : memref<48x512xf32, #tpu.memory_space<vmem>>, vector<1x16xf32>,
        %get3A_513 = vector.shape_cast %get3A_512 : vector<1x16xf32> to vector<16xf32>
        %mul3A_514 = arith.mulf %broadcast_in_dim3A_175, %get3A_513 : vector<16xf32>
        %add3A_515 = arith.addf %add3A_508, %mul3A_514 : vector<16xf32>
        %get3A_516 = arith.constant 37 : i32
        %get3A_517 = arith.index_cast %get3A_516 : i32 to index
        %get3A_518 = arith.index_cast %mul3A_425 : i32 to index
        %get3A_519 = tpu.vector_load %arg8[%get3A_517, %get3A_518] {strides = array<i32>} : memref<48x512xf32, #tpu.memory_space<vmem>>, vector<1x16xf32>,
        %get3A_520 = vector.shape_cast %get3A_519 : vector<1x16xf32> to vector<16xf32>
        %mul3A_521 = arith.mulf %broadcast_in_dim3A_178, %get3A_520 : vector<16xf32>
        %add3A_522 = arith.addf %add3A_515, %mul3A_521 : vector<16xf32>
        %get3A_523 = arith.constant 38 : i32
        %get3A_524 = arith.index_cast %get3A_523 : i32 to index
        %get3A_525 = arith.index_cast %mul3A_425 : i32 to index
        %get3A_526 = tpu.vector_load %arg8[%get3A_524, %get3A_525] {strides = array<i32>} : memref<48x512xf32, #tpu.memory_space<vmem>>, vector<1x16xf32>,
        %get3A_527 = vector.shape_cast %get3A_526 : vector<1x16xf32> to vector<16xf32>
        %mul3A_528 = arith.mulf %broadcast_in_dim3A_181, %get3A_527 : vector<16xf32>
        %add3A_529 = arith.addf %add3A_522, %mul3A_528 : vector<16xf32>
        %get3A_530 = arith.constant 39 : i32
        %get3A_531 = arith.index_cast %get3A_530 : i32 to index
        %get3A_532 = arith.index_cast %mul3A_425 : i32 to index
        %get3A_533 = tpu.vector_load %arg8[%get3A_531, %get3A_532] {strides = array<i32>} : memref<48x512xf32, #tpu.memory_space<vmem>>, vector<1x16xf32>,
        %get3A_534 = vector.shape_cast %get3A_533 : vector<1x16xf32> to vector<16xf32>
        %mul3A_535 = arith.mulf %broadcast_in_dim3A_184, %get3A_534 : vector<16xf32>
        %add3A_536 = arith.addf %add3A_529, %mul3A_535 : vector<16xf32>
        %get3A_537 = arith.constant 40 : i32
        %get3A_538 = arith.index_cast %get3A_537 : i32 to index
        %get3A_539 = arith.index_cast %mul3A_425 : i32 to index
        %get3A_540 = tpu.vector_load %arg8[%get3A_538, %get3A_539] {strides = array<i32>} : memref<48x512xf32, #tpu.memory_space<vmem>>, vector<1x16xf32>,
        %get3A_541 = vector.shape_cast %get3A_540 : vector<1x16xf32> to vector<16xf32>
        %mul3A_542 = arith.mulf %broadcast_in_dim3A_187, %get3A_541 : vector<16xf32>
        %add3A_543 = arith.addf %add3A_536, %mul3A_542 : vector<16xf32>
        %get3A_544 = arith.constant 41 : i32
        %get3A_545 = arith.index_cast %get3A_544 : i32 to index
        %get3A_546 = arith.index_cast %mul3A_425 : i32 to index
        %get3A_547 = tpu.vector_load %arg8[%get3A_545, %get3A_546] {strides = array<i32>} : memref<48x512xf32, #tpu.memory_space<vmem>>, vector<1x16xf32>,
        %get3A_548 = vector.shape_cast %get3A_547 : vector<1x16xf32> to vector<16xf32>
        %mul3A_549 = arith.mulf %broadcast_in_dim3A_190, %get3A_548 : vector<16xf32>
        %add3A_550 = arith.addf %add3A_543, %mul3A_549 : vector<16xf32>
        %get3A_551 = arith.constant 42 : i32
        %get3A_552 = arith.index_cast %get3A_551 : i32 to index
        %get3A_553 = arith.index_cast %mul3A_425 : i32 to index
        %get3A_554 = tpu.vector_load %arg8[%get3A_552, %get3A_553] {strides = array<i32>} : memref<48x512xf32, #tpu.memory_space<vmem>>, vector<1x16xf32>,
        %get3A_555 = vector.shape_cast %get3A_554 : vector<1x16xf32> to vector<16xf32>
        %mul3A_556 = arith.mulf %broadcast_in_dim3A_193, %get3A_555 : vector<16xf32>
        %add3A_557 = arith.addf %add3A_550, %mul3A_556 : vector<16xf32>
        %get3A_558 = arith.constant 43 : i32
        %get3A_559 = arith.index_cast %get3A_558 : i32 to index
        %get3A_560 = arith.index_cast %mul3A_425 : i32 to index
        %get3A_561 = tpu.vector_load %arg8[%get3A_559, %get3A_560] {strides = array<i32>} : memref<48x512xf32, #tpu.memory_space<vmem>>, vector<1x16xf32>,
        %get3A_562 = vector.shape_cast %get3A_561 : vector<1x16xf32> to vector<16xf32>
        %mul3A_563 = arith.mulf %broadcast_in_dim3A_196, %get3A_562 : vector<16xf32>
        %add3A_564 = arith.addf %add3A_557, %mul3A_563 : vector<16xf32>
        %get3A_565 = arith.constant 44 : i32
        %get3A_566 = arith.index_cast %get3A_565 : i32 to index
        %get3A_567 = arith.index_cast %mul3A_425 : i32 to index
        %get3A_568 = tpu.vector_load %arg8[%get3A_566, %get3A_567] {strides = array<i32>} : memref<48x512xf32, #tpu.memory_space<vmem>>, vector<1x16xf32>,
        %get3A_569 = vector.shape_cast %get3A_568 : vector<1x16xf32> to vector<16xf32>
        %mul3A_570 = arith.mulf %broadcast_in_dim3A_199, %get3A_569 : vector<16xf32>
        %add3A_571 = arith.addf %add3A_564, %mul3A_570 : vector<16xf32>
        %get3A_572 = arith.constant 45 : i32
        %get3A_573 = arith.index_cast %get3A_572 : i32 to index
        %get3A_574 = arith.index_cast %mul3A_425 : i32 to index
        %get3A_575 = tpu.vector_load %arg8[%get3A_573, %get3A_574] {strides = array<i32>} : memref<48x512xf32, #tpu.memory_space<vmem>>, vector<1x16xf32>,
        %get3A_576 = vector.shape_cast %get3A_575 : vector<1x16xf32> to vector<16xf32>
        %mul3A_577 = arith.mulf %broadcast_in_dim3A_202, %get3A_576 : vector<16xf32>
        %add3A_578 = arith.addf %add3A_571, %mul3A_577 : vector<16xf32>
        %get3A_579 = arith.constant 46 : i32
        %get3A_580 = arith.index_cast %get3A_579 : i32 to index
        %get3A_581 = arith.index_cast %mul3A_425 : i32 to index
        %get3A_582 = tpu.vector_load %arg8[%get3A_580, %get3A_581] {strides = array<i32>} : memref<48x512xf32, #tpu.memory_space<vmem>>, vector<1x16xf32>,
        %get3A_583 = vector.shape_cast %get3A_582 : vector<1x16xf32> to vector<16xf32>
        %mul3A_584 = arith.mulf %broadcast_in_dim3A_205, %get3A_583 : vector<16xf32>
        %add3A_585 = arith.addf %add3A_578, %mul3A_584 : vector<16xf32>
        %get3A_586 = arith.constant 47 : i32
        %get3A_587 = arith.index_cast %get3A_586 : i32 to index
        %get3A_588 = arith.index_cast %mul3A_425 : i32 to index
        %get3A_589 = tpu.vector_load %arg8[%get3A_587, %get3A_588] {strides = array<i32>} : memref<48x512xf32, #tpu.memory_space<vmem>>, vector<1x16xf32>,
        %get3A_590 = vector.shape_cast %get3A_589 : vector<1x16xf32> to vector<16xf32>
        %mul3A_591 = arith.mulf %broadcast_in_dim3A_208, %get3A_590 : vector<16xf32>
        %add3A_592 = arith.addf %add3A_585, %mul3A_591 : vector<16xf32>
        %swap3A = arith.constant 1 : i32
        %swap3A_593 = arith.index_cast %swap3A : i32 to index
        %swap3A_594 = arith.index_cast %mul3A_425 : i32 to index
        %swap3A_595 = tpu.vector_load %arg10[%swap3A_593, %swap3A_594] {strides = array<i32>} : memref<2x512xf32, #tpu.memory_space<vmem>>, vector<1x16xf32>,
        %swap3A_596 = vector.shape_cast %swap3A_595 : vector<1x16xf32> to vector<16xf32>
        %swap3A_597 = vector.shape_cast %add3A_592 : vector<16xf32> to vector<1x16xf32>
        tpu.vector_store %arg10[%swap3A_593, %swap3A_594], %swap3A_597 {strides = array<i32>} : memref<2x512xf32, #tpu.memory_space<vmem>>, vector<1x16xf32>,
        %scan3A_598 = arith.constant 1 : i32
        %scan3A_599 = arith.addi %scan3A_423, %scan3A_598 : i32
        %mul3A_600 = arith.constant 16 : i32
        %mul3A_601 = arith.muli %scan3A_599, %mul3A_600 : i32
        %get3A_602 = arith.constant 24 : i32
        %get3A_603 = arith.index_cast %get3A_602 : i32 to index
        %get3A_604 = arith.index_cast %mul3A_601 : i32 to index
        %get3A_605 = tpu.vector_load %arg8[%get3A_603, %get3A_604] {strides = array<i32>} : memref<48x512xf32, #tpu.memory_space<vmem>>, vector<1x16xf32>,
        %get3A_606 = vector.shape_cast %get3A_605 : vector<1x16xf32> to vector<16xf32>
        %mul3A_607 = arith.mulf %broadcast_in_dim3A_139, %get3A_606 : vector<16xf32>
        %get3A_608 = arith.constant 25 : i32
        %get3A_609 = arith.index_cast %get3A_608 : i32 to index
        %get3A_610 = arith.index_cast %mul3A_601 : i32 to index
        %get3A_611 = tpu.vector_load %arg8[%get3A_609, %get3A_610] {strides = array<i32>} : memref<48x512xf32, #tpu.memory_space<vmem>>, vector<1x16xf32>,
        %get3A_612 = vector.shape_cast %get3A_611 : vector<1x16xf32> to vector<16xf32>
        %mul3A_613 = arith.mulf %broadcast_in_dim3A_142, %get3A_612 : vector<16xf32>
        %add3A_614 = arith.addf %mul3A_607, %mul3A_613 : vector<16xf32>
        %get3A_615 = arith.constant 26 : i32
        %get3A_616 = arith.index_cast %get3A_615 : i32 to index
        %get3A_617 = arith.index_cast %mul3A_601 : i32 to index
        %get3A_618 = tpu.vector_load %arg8[%get3A_616, %get3A_617] {strides = array<i32>} : memref<48x512xf32, #tpu.memory_space<vmem>>, vector<1x16xf32>,
        %get3A_619 = vector.shape_cast %get3A_618 : vector<1x16xf32> to vector<16xf32>
        %mul3A_620 = arith.mulf %broadcast_in_dim3A_145, %get3A_619 : vector<16xf32>
        %add3A_621 = arith.addf %add3A_614, %mul3A_620 : vector<16xf32>
        %get3A_622 = arith.constant 27 : i32
        %get3A_623 = arith.index_cast %get3A_622 : i32 to index
        %get3A_624 = arith.index_cast %mul3A_601 : i32 to index
        %get3A_625 = tpu.vector_load %arg8[%get3A_623, %get3A_624] {strides = array<i32>} : memref<48x512xf32, #tpu.memory_space<vmem>>, vector<1x16xf32>,
        %get3A_626 = vector.shape_cast %get3A_625 : vector<1x16xf32> to vector<16xf32>
        %mul3A_627 = arith.mulf %broadcast_in_dim3A_148, %get3A_626 : vector<16xf32>
        %add3A_628 = arith.addf %add3A_621, %mul3A_627 : vector<16xf32>
        %get3A_629 = arith.constant 28 : i32
        %get3A_630 = arith.index_cast %get3A_629 : i32 to index
        %get3A_631 = arith.index_cast %mul3A_601 : i32 to index
        %get3A_632 = tpu.vector_load %arg8[%get3A_630, %get3A_631] {strides = array<i32>} : memref<48x512xf32, #tpu.memory_space<vmem>>, vector<1x16xf32>,
        %get3A_633 = vector.shape_cast %get3A_632 : vector<1x16xf32> to vector<16xf32>
        %mul3A_634 = arith.mulf %broadcast_in_dim3A_151, %get3A_633 : vector<16xf32>
        %add3A_635 = arith.addf %add3A_628, %mul3A_634 : vector<16xf32>
        %get3A_636 = arith.constant 29 : i32
        %get3A_637 = arith.index_cast %get3A_636 : i32 to index
        %get3A_638 = arith.index_cast %mul3A_601 : i32 to index
        %get3A_639 = tpu.vector_load %arg8[%get3A_637, %get3A_638] {strides = array<i32>} : memref<48x512xf32, #tpu.memory_space<vmem>>, vector<1x16xf32>,
        %get3A_640 = vector.shape_cast %get3A_639 : vector<1x16xf32> to vector<16xf32>
        %mul3A_641 = arith.mulf %broadcast_in_dim3A_154, %get3A_640 : vector<16xf32>
        %add3A_642 = arith.addf %add3A_635, %mul3A_641 : vector<16xf32>
        %get3A_643 = arith.constant 30 : i32
        %get3A_644 = arith.index_cast %get3A_643 : i32 to index
        %get3A_645 = arith.index_cast %mul3A_601 : i32 to index
        %get3A_646 = tpu.vector_load %arg8[%get3A_644, %get3A_645] {strides = array<i32>} : memref<48x512xf32, #tpu.memory_space<vmem>>, vector<1x16xf32>,
        %get3A_647 = vector.shape_cast %get3A_646 : vector<1x16xf32> to vector<16xf32>
        %mul3A_648 = arith.mulf %broadcast_in_dim3A_157, %get3A_647 : vector<16xf32>
        %add3A_649 = arith.addf %add3A_642, %mul3A_648 : vector<16xf32>
        %get3A_650 = arith.constant 31 : i32
        %get3A_651 = arith.index_cast %get3A_650 : i32 to index
        %get3A_652 = arith.index_cast %mul3A_601 : i32 to index
        %get3A_653 = tpu.vector_load %arg8[%get3A_651, %get3A_652] {strides = array<i32>} : memref<48x512xf32, #tpu.memory_space<vmem>>, vector<1x16xf32>,
        %get3A_654 = vector.shape_cast %get3A_653 : vector<1x16xf32> to vector<16xf32>
        %mul3A_655 = arith.mulf %broadcast_in_dim3A_160, %get3A_654 : vector<16xf32>
        %add3A_656 = arith.addf %add3A_649, %mul3A_655 : vector<16xf32>
        %get3A_657 = arith.constant 32 : i32
        %get3A_658 = arith.index_cast %get3A_657 : i32 to index
        %get3A_659 = arith.index_cast %mul3A_601 : i32 to index
        %get3A_660 = tpu.vector_load %arg8[%get3A_658, %get3A_659] {strides = array<i32>} : memref<48x512xf32, #tpu.memory_space<vmem>>, vector<1x16xf32>,
        %get3A_661 = vector.shape_cast %get3A_660 : vector<1x16xf32> to vector<16xf32>
        %mul3A_662 = arith.mulf %broadcast_in_dim3A_163, %get3A_661 : vector<16xf32>
        %add3A_663 = arith.addf %add3A_656, %mul3A_662 : vector<16xf32>
        %get3A_664 = arith.constant 33 : i32
        %get3A_665 = arith.index_cast %get3A_664 : i32 to index
        %get3A_666 = arith.index_cast %mul3A_601 : i32 to index
        %get3A_667 = tpu.vector_load %arg8[%get3A_665, %get3A_666] {strides = array<i32>} : memref<48x512xf32, #tpu.memory_space<vmem>>, vector<1x16xf32>,
        %get3A_668 = vector.shape_cast %get3A_667 : vector<1x16xf32> to vector<16xf32>
        %mul3A_669 = arith.mulf %broadcast_in_dim3A_166, %get3A_668 : vector<16xf32>
        %add3A_670 = arith.addf %add3A_663, %mul3A_669 : vector<16xf32>
        %get3A_671 = arith.constant 34 : i32
        %get3A_672 = arith.index_cast %get3A_671 : i32 to index
        %get3A_673 = arith.index_cast %mul3A_601 : i32 to index
        %get3A_674 = tpu.vector_load %arg8[%get3A_672, %get3A_673] {strides = array<i32>} : memref<48x512xf32, #tpu.memory_space<vmem>>, vector<1x16xf32>,
        %get3A_675 = vector.shape_cast %get3A_674 : vector<1x16xf32> to vector<16xf32>
        %mul3A_676 = arith.mulf %broadcast_in_dim3A_169, %get3A_675 : vector<16xf32>
        %add3A_677 = arith.addf %add3A_670, %mul3A_676 : vector<16xf32>
        %get3A_678 = arith.constant 35 : i32
        %get3A_679 = arith.index_cast %get3A_678 : i32 to index
        %get3A_680 = arith.index_cast %mul3A_601 : i32 to index
        %get3A_681 = tpu.vector_load %arg8[%get3A_679, %get3A_680] {strides = array<i32>} : memref<48x512xf32, #tpu.memory_space<vmem>>, vector<1x16xf32>,
        %get3A_682 = vector.shape_cast %get3A_681 : vector<1x16xf32> to vector<16xf32>
        %mul3A_683 = arith.mulf %broadcast_in_dim3A_172, %get3A_682 : vector<16xf32>
        %add3A_684 = arith.addf %add3A_677, %mul3A_683 : vector<16xf32>
        %get3A_685 = arith.constant 36 : i32
        %get3A_686 = arith.index_cast %get3A_685 : i32 to index
        %get3A_687 = arith.index_cast %mul3A_601 : i32 to index
        %get3A_688 = tpu.vector_load %arg8[%get3A_686, %get3A_687] {strides = array<i32>} : memref<48x512xf32, #tpu.memory_space<vmem>>, vector<1x16xf32>,
        %get3A_689 = vector.shape_cast %get3A_688 : vector<1x16xf32> to vector<16xf32>
        %mul3A_690 = arith.mulf %broadcast_in_dim3A_175, %get3A_689 : vector<16xf32>
        %add3A_691 = arith.addf %add3A_684, %mul3A_690 : vector<16xf32>
        %get3A_692 = arith.constant 37 : i32
        %get3A_693 = arith.index_cast %get3A_692 : i32 to index
        %get3A_694 = arith.index_cast %mul3A_601 : i32 to index
        %get3A_695 = tpu.vector_load %arg8[%get3A_693, %get3A_694] {strides = array<i32>} : memref<48x512xf32, #tpu.memory_space<vmem>>, vector<1x16xf32>,
        %get3A_696 = vector.shape_cast %get3A_695 : vector<1x16xf32> to vector<16xf32>
        %mul3A_697 = arith.mulf %broadcast_in_dim3A_178, %get3A_696 : vector<16xf32>
        %add3A_698 = arith.addf %add3A_691, %mul3A_697 : vector<16xf32>
        %get3A_699 = arith.constant 38 : i32
        %get3A_700 = arith.index_cast %get3A_699 : i32 to index
        %get3A_701 = arith.index_cast %mul3A_601 : i32 to index
        %get3A_702 = tpu.vector_load %arg8[%get3A_700, %get3A_701] {strides = array<i32>} : memref<48x512xf32, #tpu.memory_space<vmem>>, vector<1x16xf32>,
        %get3A_703 = vector.shape_cast %get3A_702 : vector<1x16xf32> to vector<16xf32>
        %mul3A_704 = arith.mulf %broadcast_in_dim3A_181, %get3A_703 : vector<16xf32>
        %add3A_705 = arith.addf %add3A_698, %mul3A_704 : vector<16xf32>
        %get3A_706 = arith.constant 39 : i32
        %get3A_707 = arith.index_cast %get3A_706 : i32 to index
        %get3A_708 = arith.index_cast %mul3A_601 : i32 to index
        %get3A_709 = tpu.vector_load %arg8[%get3A_707, %get3A_708] {strides = array<i32>} : memref<48x512xf32, #tpu.memory_space<vmem>>, vector<1x16xf32>,
        %get3A_710 = vector.shape_cast %get3A_709 : vector<1x16xf32> to vector<16xf32>
        %mul3A_711 = arith.mulf %broadcast_in_dim3A_184, %get3A_710 : vector<16xf32>
        %add3A_712 = arith.addf %add3A_705, %mul3A_711 : vector<16xf32>
        %get3A_713 = arith.constant 40 : i32
        %get3A_714 = arith.index_cast %get3A_713 : i32 to index
        %get3A_715 = arith.index_cast %mul3A_601 : i32 to index
        %get3A_716 = tpu.vector_load %arg8[%get3A_714, %get3A_715] {strides = array<i32>} : memref<48x512xf32, #tpu.memory_space<vmem>>, vector<1x16xf32>,
        %get3A_717 = vector.shape_cast %get3A_716 : vector<1x16xf32> to vector<16xf32>
        %mul3A_718 = arith.mulf %broadcast_in_dim3A_187, %get3A_717 : vector<16xf32>
        %add3A_719 = arith.addf %add3A_712, %mul3A_718 : vector<16xf32>
        %get3A_720 = arith.constant 41 : i32
        %get3A_721 = arith.index_cast %get3A_720 : i32 to index
        %get3A_722 = arith.index_cast %mul3A_601 : i32 to index
        %get3A_723 = tpu.vector_load %arg8[%get3A_721, %get3A_722] {strides = array<i32>} : memref<48x512xf32, #tpu.memory_space<vmem>>, vector<1x16xf32>,
        %get3A_724 = vector.shape_cast %get3A_723 : vector<1x16xf32> to vector<16xf32>
        %mul3A_725 = arith.mulf %broadcast_in_dim3A_190, %get3A_724 : vector<16xf32>
        %add3A_726 = arith.addf %add3A_719, %mul3A_725 : vector<16xf32>
        %get3A_727 = arith.constant 42 : i32
        %get3A_728 = arith.index_cast %get3A_727 : i32 to index
        %get3A_729 = arith.index_cast %mul3A_601 : i32 to index
        %get3A_730 = tpu.vector_load %arg8[%get3A_728, %get3A_729] {strides = array<i32>} : memref<48x512xf32, #tpu.memory_space<vmem>>, vector<1x16xf32>,
        %get3A_731 = vector.shape_cast %get3A_730 : vector<1x16xf32> to vector<16xf32>
        %mul3A_732 = arith.mulf %broadcast_in_dim3A_193, %get3A_731 : vector<16xf32>
        %add3A_733 = arith.addf %add3A_726, %mul3A_732 : vector<16xf32>
        %get3A_734 = arith.constant 43 : i32
        %get3A_735 = arith.index_cast %get3A_734 : i32 to index
        %get3A_736 = arith.index_cast %mul3A_601 : i32 to index
        %get3A_737 = tpu.vector_load %arg8[%get3A_735, %get3A_736] {strides = array<i32>} : memref<48x512xf32, #tpu.memory_space<vmem>>, vector<1x16xf32>,
        %get3A_738 = vector.shape_cast %get3A_737 : vector<1x16xf32> to vector<16xf32>
        %mul3A_739 = arith.mulf %broadcast_in_dim3A_196, %get3A_738 : vector<16xf32>
        %add3A_740 = arith.addf %add3A_733, %mul3A_739 : vector<16xf32>
        %get3A_741 = arith.constant 44 : i32
        %get3A_742 = arith.index_cast %get3A_741 : i32 to index
        %get3A_743 = arith.index_cast %mul3A_601 : i32 to index
        %get3A_744 = tpu.vector_load %arg8[%get3A_742, %get3A_743] {strides = array<i32>} : memref<48x512xf32, #tpu.memory_space<vmem>>, vector<1x16xf32>,
        %get3A_745 = vector.shape_cast %get3A_744 : vector<1x16xf32> to vector<16xf32>
        %mul3A_746 = arith.mulf %broadcast_in_dim3A_199, %get3A_745 : vector<16xf32>
        %add3A_747 = arith.addf %add3A_740, %mul3A_746 : vector<16xf32>
        %get3A_748 = arith.constant 45 : i32
        %get3A_749 = arith.index_cast %get3A_748 : i32 to index
        %get3A_750 = arith.index_cast %mul3A_601 : i32 to index
        %get3A_751 = tpu.vector_load %arg8[%get3A_749, %get3A_750] {strides = array<i32>} : memref<48x512xf32, #tpu.memory_space<vmem>>, vector<1x16xf32>,
        %get3A_752 = vector.shape_cast %get3A_751 : vector<1x16xf32> to vector<16xf32>
        %mul3A_753 = arith.mulf %broadcast_in_dim3A_202, %get3A_752 : vector<16xf32>
        %add3A_754 = arith.addf %add3A_747, %mul3A_753 : vector<16xf32>
        %get3A_755 = arith.constant 46 : i32
        %get3A_756 = arith.index_cast %get3A_755 : i32 to index
        %get3A_757 = arith.index_cast %mul3A_601 : i32 to index
        %get3A_758 = tpu.vector_load %arg8[%get3A_756, %get3A_757] {strides = array<i32>} : memref<48x512xf32, #tpu.memory_space<vmem>>, vector<1x16xf32>,
        %get3A_759 = vector.shape_cast %get3A_758 : vector<1x16xf32> to vector<16xf32>
        %mul3A_760 = arith.mulf %broadcast_in_dim3A_205, %get3A_759 : vector<16xf32>
        %add3A_761 = arith.addf %add3A_754, %mul3A_760 : vector<16xf32>
        %get3A_762 = arith.constant 47 : i32
        %get3A_763 = arith.index_cast %get3A_762 : i32 to index
        %get3A_764 = arith.index_cast %mul3A_601 : i32 to index
        %get3A_765 = tpu.vector_load %arg8[%get3A_763, %get3A_764] {strides = array<i32>} : memref<48x512xf32, #tpu.memory_space<vmem>>, vector<1x16xf32>,
        %get3A_766 = vector.shape_cast %get3A_765 : vector<1x16xf32> to vector<16xf32>
        %mul3A_767 = arith.mulf %broadcast_in_dim3A_208, %get3A_766 : vector<16xf32>
        %add3A_768 = arith.addf %add3A_761, %mul3A_767 : vector<16xf32>
        %swap3A_769 = arith.constant 1 : i32
        %swap3A_770 = arith.index_cast %swap3A_769 : i32 to index
        %swap3A_771 = arith.index_cast %mul3A_601 : i32 to index
        %swap3A_772 = tpu.vector_load %arg10[%swap3A_770, %swap3A_771] {strides = array<i32>} : memref<2x512xf32, #tpu.memory_space<vmem>>, vector<1x16xf32>,
        %swap3A_773 = vector.shape_cast %swap3A_772 : vector<1x16xf32> to vector<16xf32>
        %swap3A_774 = vector.shape_cast %add3A_768 : vector<16xf32> to vector<1x16xf32>
        tpu.vector_store %arg10[%swap3A_770, %swap3A_771], %swap3A_774 {strides = array<i32>} : memref<2x512xf32, #tpu.memory_space<vmem>>, vector<1x16xf32>,
      }
      %scan3A_214 = arith.constant 32 : i32
      %mul3A_215 = arith.constant 2 : i32
      %mul3A_216 = arith.muli %mul3A_25, %mul3A_215 : i32
      %add3A_217 = arith.addi %mul3A_2, %mul3A_216 : i32
      %dma_start3A_218 = arith.constant 0 : i32
      %dma_start3A_219 = tpu.memref_slice %arg5[%add3A_217, %dma_start3A_218] : memref<16384x512xf32, #tpu.memory_space<hbm>> -> memref<2x512xf32, #tpu.memory_space<hbm>>
      %dma_start3A_220 = arith.constant 0 : i32
      %dma_start3A_221 = tpu.memref_slice %arg5[%add3A_217, %dma_start3A_220] : memref<16384x512xf32, #tpu.memory_space<hbm>> -> memref<2x512xf32, #tpu.memory_space<hbm>>
      tpu.enqueue_dma source(%arg10 : memref<2x512xf32, #tpu.memory_space<vmem>>) target(%dma_start3A_221 : memref<2x512xf32, #tpu.memory_space<hbm>>) target_semaphore(%arg14 : memref<!tpu.dma_semaphore, #tpu.memory_space<semaphore_mem>>)
      %add3A_222 = arith.constant 2 : i32
      %add3A_223 = arith.addi %mul3A_25, %add3A_222 : i32
      %lt3A = arith.constant 256 : i32
      %lt3A_224 = arith.cmpi slt, %add3A_223, %lt3A : i32
      %convert_element_type3A_225 = arith.extui %lt3A_224 : i1 to i32
      %cond3A_226 = arith.constant 0 : i32
      %cond3A_227 = arith.cmpi ne, %convert_element_type3A_225, %cond3A_226 : i32
      scf.if %cond3A_227 {
        %add3A_423 = arith.constant 2 : i32
        %add3A_424 = arith.addi %mul3A_25, %add3A_423 : i32
        %mul3A_425 = arith.constant 48 : i32
        %mul3A_426 = arith.muli %add3A_424, %mul3A_425 : i32
        %dma_start3A_427 = tpu.memref_slice %arg6[%mul3A_426] : memref<12288xi32, #tpu.memory_space<vmem>> -> memref<48xi32, #tpu.memory_space<vmem>>
        %dma_start3A_428 = arith.constant 0 : i32
        %dma_start3A_429 = arith.constant 0 : i32
        %dma_start3A_430 = tpu.memref_slice %arg2[%dma_start3A_428, %dma_start3A_429] : memref<30240x512xf32, #tpu.memory_space<hbm>> -> memref<30240x512xf32, #tpu.memory_space<hbm>>
        tpu.enqueue_indirect_dma source(%dma_start3A_430 : memref<30240x512xf32, #tpu.memory_space<hbm>>) target(%arg8 : memref<48x512xf32, #tpu.memory_space<vmem>>) offsets(%dma_start3A_427 : memref<48xi32, #tpu.memory_space<vmem>>) semaphore(%arg12 : memref<!tpu.dma_semaphore, #tpu.memory_space<semaphore_mem>>)
      } else {
      }
      %mul3A_228 = arith.constant 48 : i32
      %mul3A_229 = arith.muli %add3A_27, %mul3A_228 : i32
      %dma_wait3A_230 = tpu.memref_slice %arg6[%mul3A_229] : memref<12288xi32, #tpu.memory_space<vmem>> -> memref<48xi32, #tpu.memory_space<vmem>>
      %dma_wait3A_231 = arith.constant 0 : i32
      %dma_wait3A_232 = arith.constant 0 : i32
      %dma_wait3A_233 = tpu.memref_slice %arg2[%dma_wait3A_231, %dma_wait3A_232] : memref<30240x512xf32, #tpu.memory_space<hbm>> -> memref<30240x512xf32, #tpu.memory_space<hbm>>
      tpu.wait_indirect_dma semaphore(%arg13 : memref<!tpu.dma_semaphore, #tpu.memory_space<semaphore_mem>>) src(%dma_wait3A_233 : memref<30240x512xf32, #tpu.memory_space<hbm>>) dst(%arg9 : memref<48x512xf32, #tpu.memory_space<vmem>>)
      %gt3A_234 = arith.constant 0 : i32
      %gt3A_235 = arith.cmpi sgt, %scan3A_23, %gt3A_234 : i32
      %convert_element_type3A_236 = arith.extui %gt3A_235 : i1 to i32
      %cond3A_237 = arith.constant 0 : i32
      %cond3A_238 = arith.cmpi ne, %convert_element_type3A_236, %cond3A_237 : i32
      scf.if %cond3A_238 {
        %mul3A_423 = arith.constant 2 : i32
        %mul3A_424 = arith.muli %add3A_27, %mul3A_423 : i32
        %add3A_425 = arith.addi %mul3A_2, %mul3A_424 : i32
        %dma_wait3A_426 = arith.constant 0 : i32
        %dma_wait3A_427 = tpu.memref_slice %arg5[%add3A_425, %dma_wait3A_426] : memref<16384x512xf32, #tpu.memory_space<hbm>> -> memref<2x512xf32, #tpu.memory_space<hbm>>
        %dma_wait3A_428 = arith.constant 0 : i32
        %dma_wait3A_429 = tpu.memref_slice %arg5[%add3A_425, %dma_wait3A_428] : memref<16384x512xf32, #tpu.memory_space<hbm>> -> memref<2x512xf32, #tpu.memory_space<hbm>>
        tpu.wait_dma2 semaphore(%arg15 : memref<!tpu.dma_semaphore, #tpu.memory_space<semaphore_mem>>) src(%arg11 : memref<2x512xf32, #tpu.memory_space<vmem>>) dst(%dma_wait3A_429 : memref<2x512xf32, #tpu.memory_space<hbm>>)
      } else {
      }
      %mul3A_239 = arith.constant 48 : i32
      %mul3A_240 = arith.muli %add3A_27, %mul3A_239 : i32
      %add3A_241 = arith.constant 0 : i32
      %add3A_242 = arith.addi %mul3A_240, %add3A_241 : i32
      %get3A_243 = arith.index_cast %add3A_242 : i32 to index
      %get3A_244 = tpu.vector_load %arg7[%get3A_243] {strides = array<i32>} : memref<12288xf32, #tpu.memory_space<vmem>>, vector<16xf32>,
      %get3A_245 = vector.shape_cast %get3A_244 : vector<16xf32> to vector<16xf32>
      %mul3A_246 = arith.constant 48 : i32
      %mul3A_247 = arith.muli %add3A_27, %mul3A_246 : i32
      %add3A_248 = arith.constant 16 : i32
      %add3A_249 = arith.addi %mul3A_247, %add3A_248 : i32
      %get3A_250 = arith.index_cast %add3A_249 : i32 to index
      %get3A_251 = tpu.vector_load %arg7[%get3A_250] {strides = array<i32>} : memref<12288xf32, #tpu.memory_space<vmem>>, vector<16xf32>,
      %get3A_252 = vector.shape_cast %get3A_251 : vector<16xf32> to vector<16xf32>
      %mul3A_253 = arith.constant 48 : i32
      %mul3A_254 = arith.muli %add3A_27, %mul3A_253 : i32
      %add3A_255 = arith.constant 32 : i32
      %add3A_256 = arith.addi %mul3A_254, %add3A_255 : i32
      %get3A_257 = arith.index_cast %add3A_256 : i32 to index
      %get3A_258 = tpu.vector_load %arg7[%get3A_257] {strides = array<i32>} : memref<12288xf32, #tpu.memory_space<vmem>>, vector<16xf32>,
      %get3A_259 = vector.shape_cast %get3A_258 : vector<16xf32> to vector<16xf32>
      %slice3A_260 = vector.extract_strided_slice %get3A_245 {offsets = [0], sizes = [1], strides = [1]} : vector<16xf32> to vector<1xf32>
      %squeeze3A_261 = vector.extract %slice3A_260[0] : f32 from vector<1xf32>
      %broadcast_in_dim3A_262 = vector.broadcast %squeeze3A_261 : f32 to vector<16xf32>
      %slice3A_263 = vector.extract_strided_slice %get3A_245 {offsets = [1], sizes = [1], strides = [1]} : vector<16xf32> to vector<1xf32>
      %squeeze3A_264 = vector.extract %slice3A_263[0] : f32 from vector<1xf32>
      %broadcast_in_dim3A_265 = vector.broadcast %squeeze3A_264 : f32 to vector<16xf32>
      %slice3A_266 = vector.extract_strided_slice %get3A_245 {offsets = [2], sizes = [1], strides = [1]} : vector<16xf32> to vector<1xf32>
      %squeeze3A_267 = vector.extract %slice3A_266[0] : f32 from vector<1xf32>
      %broadcast_in_dim3A_268 = vector.broadcast %squeeze3A_267 : f32 to vector<16xf32>
      %slice3A_269 = vector.extract_strided_slice %get3A_245 {offsets = [3], sizes = [1], strides = [1]} : vector<16xf32> to vector<1xf32>
      %squeeze3A_270 = vector.extract %slice3A_269[0] : f32 from vector<1xf32>
      %broadcast_in_dim3A_271 = vector.broadcast %squeeze3A_270 : f32 to vector<16xf32>
      %slice3A_272 = vector.extract_strided_slice %get3A_245 {offsets = [4], sizes = [1], strides = [1]} : vector<16xf32> to vector<1xf32>
      %squeeze3A_273 = vector.extract %slice3A_272[0] : f32 from vector<1xf32>
      %broadcast_in_dim3A_274 = vector.broadcast %squeeze3A_273 : f32 to vector<16xf32>
      %slice3A_275 = vector.extract_strided_slice %get3A_245 {offsets = [5], sizes = [1], strides = [1]} : vector<16xf32> to vector<1xf32>
      %squeeze3A_276 = vector.extract %slice3A_275[0] : f32 from vector<1xf32>
      %broadcast_in_dim3A_277 = vector.broadcast %squeeze3A_276 : f32 to vector<16xf32>
      %slice3A_278 = vector.extract_strided_slice %get3A_245 {offsets = [6], sizes = [1], strides = [1]} : vector<16xf32> to vector<1xf32>
      %squeeze3A_279 = vector.extract %slice3A_278[0] : f32 from vector<1xf32>
      %broadcast_in_dim3A_280 = vector.broadcast %squeeze3A_279 : f32 to vector<16xf32>
      %slice3A_281 = vector.extract_strided_slice %get3A_245 {offsets = [7], sizes = [1], strides = [1]} : vector<16xf32> to vector<1xf32>
      %squeeze3A_282 = vector.extract %slice3A_281[0] : f32 from vector<1xf32>
      %broadcast_in_dim3A_283 = vector.broadcast %squeeze3A_282 : f32 to vector<16xf32>
      %slice3A_284 = vector.extract_strided_slice %get3A_245 {offsets = [8], sizes = [1], strides = [1]} : vector<16xf32> to vector<1xf32>
      %squeeze3A_285 = vector.extract %slice3A_284[0] : f32 from vector<1xf32>
      %broadcast_in_dim3A_286 = vector.broadcast %squeeze3A_285 : f32 to vector<16xf32>
      %slice3A_287 = vector.extract_strided_slice %get3A_245 {offsets = [9], sizes = [1], strides = [1]} : vector<16xf32> to vector<1xf32>
      %squeeze3A_288 = vector.extract %slice3A_287[0] : f32 from vector<1xf32>
      %broadcast_in_dim3A_289 = vector.broadcast %squeeze3A_288 : f32 to vector<16xf32>
      %slice3A_290 = vector.extract_strided_slice %get3A_245 {offsets = [10], sizes = [1], strides = [1]} : vector<16xf32> to vector<1xf32>
      %squeeze3A_291 = vector.extract %slice3A_290[0] : f32 from vector<1xf32>
      %broadcast_in_dim3A_292 = vector.broadcast %squeeze3A_291 : f32 to vector<16xf32>
      %slice3A_293 = vector.extract_strided_slice %get3A_245 {offsets = [11], sizes = [1], strides = [1]} : vector<16xf32> to vector<1xf32>
      %squeeze3A_294 = vector.extract %slice3A_293[0] : f32 from vector<1xf32>
      %broadcast_in_dim3A_295 = vector.broadcast %squeeze3A_294 : f32 to vector<16xf32>
      %slice3A_296 = vector.extract_strided_slice %get3A_245 {offsets = [12], sizes = [1], strides = [1]} : vector<16xf32> to vector<1xf32>
      %squeeze3A_297 = vector.extract %slice3A_296[0] : f32 from vector<1xf32>
      %broadcast_in_dim3A_298 = vector.broadcast %squeeze3A_297 : f32 to vector<16xf32>
      %slice3A_299 = vector.extract_strided_slice %get3A_245 {offsets = [13], sizes = [1], strides = [1]} : vector<16xf32> to vector<1xf32>
      %squeeze3A_300 = vector.extract %slice3A_299[0] : f32 from vector<1xf32>
      %broadcast_in_dim3A_301 = vector.broadcast %squeeze3A_300 : f32 to vector<16xf32>
      %slice3A_302 = vector.extract_strided_slice %get3A_245 {offsets = [14], sizes = [1], strides = [1]} : vector<16xf32> to vector<1xf32>
      %squeeze3A_303 = vector.extract %slice3A_302[0] : f32 from vector<1xf32>
      %broadcast_in_dim3A_304 = vector.broadcast %squeeze3A_303 : f32 to vector<16xf32>
      %slice3A_305 = vector.extract_strided_slice %get3A_245 {offsets = [15], sizes = [1], strides = [1]} : vector<16xf32> to vector<1xf32>
      %squeeze3A_306 = vector.extract %slice3A_305[0] : f32 from vector<1xf32>
      %broadcast_in_dim3A_307 = vector.broadcast %squeeze3A_306 : f32 to vector<16xf32>
      %slice3A_308 = vector.extract_strided_slice %get3A_252 {offsets = [0], sizes = [1], strides = [1]} : vector<16xf32> to vector<1xf32>
      %squeeze3A_309 = vector.extract %slice3A_308[0] : f32 from vector<1xf32>
      %broadcast_in_dim3A_310 = vector.broadcast %squeeze3A_309 : f32 to vector<16xf32>
      %slice3A_311 = vector.extract_strided_slice %get3A_252 {offsets = [1], sizes = [1], strides = [1]} : vector<16xf32> to vector<1xf32>
      %squeeze3A_312 = vector.extract %slice3A_311[0] : f32 from vector<1xf32>
      %broadcast_in_dim3A_313 = vector.broadcast %squeeze3A_312 : f32 to vector<16xf32>
      %slice3A_314 = vector.extract_strided_slice %get3A_252 {offsets = [2], sizes = [1], strides = [1]} : vector<16xf32> to vector<1xf32>
      %squeeze3A_315 = vector.extract %slice3A_314[0] : f32 from vector<1xf32>
      %broadcast_in_dim3A_316 = vector.broadcast %squeeze3A_315 : f32 to vector<16xf32>
      %slice3A_317 = vector.extract_strided_slice %get3A_252 {offsets = [3], sizes = [1], strides = [1]} : vector<16xf32> to vector<1xf32>
      %squeeze3A_318 = vector.extract %slice3A_317[0] : f32 from vector<1xf32>
      %broadcast_in_dim3A_319 = vector.broadcast %squeeze3A_318 : f32 to vector<16xf32>
      %slice3A_320 = vector.extract_strided_slice %get3A_252 {offsets = [4], sizes = [1], strides = [1]} : vector<16xf32> to vector<1xf32>
      %squeeze3A_321 = vector.extract %slice3A_320[0] : f32 from vector<1xf32>
      %broadcast_in_dim3A_322 = vector.broadcast %squeeze3A_321 : f32 to vector<16xf32>
      %slice3A_323 = vector.extract_strided_slice %get3A_252 {offsets = [5], sizes = [1], strides = [1]} : vector<16xf32> to vector<1xf32>
      %squeeze3A_324 = vector.extract %slice3A_323[0] : f32 from vector<1xf32>
      %broadcast_in_dim3A_325 = vector.broadcast %squeeze3A_324 : f32 to vector<16xf32>
      %slice3A_326 = vector.extract_strided_slice %get3A_252 {offsets = [6], sizes = [1], strides = [1]} : vector<16xf32> to vector<1xf32>
      %squeeze3A_327 = vector.extract %slice3A_326[0] : f32 from vector<1xf32>
      %broadcast_in_dim3A_328 = vector.broadcast %squeeze3A_327 : f32 to vector<16xf32>
      %slice3A_329 = vector.extract_strided_slice %get3A_252 {offsets = [7], sizes = [1], strides = [1]} : vector<16xf32> to vector<1xf32>
      %squeeze3A_330 = vector.extract %slice3A_329[0] : f32 from vector<1xf32>
      %broadcast_in_dim3A_331 = vector.broadcast %squeeze3A_330 : f32 to vector<16xf32>
      %scan3A_332 = arith.constant 0 : i32
      %scan3A_333 = arith.constant 0 : i32
      %scan3A_334 = arith.constant 32 : i32
      %scan3A_335 = arith.addi %scan3A_333, %scan3A_334 : i32
      %scan3A_336 = arith.constant 2 : i32
      scf.for %scan3A_423 = %scan3A_333 to %scan3A_335 step %scan3A_336  : i32 {
        %mul3A_424 = arith.constant 16 : i32
        %mul3A_425 = arith.muli %scan3A_423, %mul3A_424 : i32
        %get3A_426 = arith.constant 0 : i32
        %get3A_427 = arith.index_cast %get3A_426 : i32 to index
        %get3A_428 = arith.index_cast %mul3A_425 : i32 to index
        %get3A_429 = tpu.vector_load %arg9[%get3A_427, %get3A_428] {strides = array<i32>} : memref<48x512xf32, #tpu.memory_space<vmem>>, vector<1x16xf32>,
        %get3A_430 = vector.shape_cast %get3A_429 : vector<1x16xf32> to vector<16xf32>
        %mul3A_431 = arith.mulf %broadcast_in_dim3A_262, %get3A_430 : vector<16xf32>
        %get3A_432 = arith.constant 1 : i32
        %get3A_433 = arith.index_cast %get3A_432 : i32 to index
        %get3A_434 = arith.index_cast %mul3A_425 : i32 to index
        %get3A_435 = tpu.vector_load %arg9[%get3A_433, %get3A_434] {strides = array<i32>} : memref<48x512xf32, #tpu.memory_space<vmem>>, vector<1x16xf32>,
        %get3A_436 = vector.shape_cast %get3A_435 : vector<1x16xf32> to vector<16xf32>
        %mul3A_437 = arith.mulf %broadcast_in_dim3A_265, %get3A_436 : vector<16xf32>
        %add3A_438 = arith.addf %mul3A_431, %mul3A_437 : vector<16xf32>
        %get3A_439 = arith.constant 2 : i32
        %get3A_440 = arith.index_cast %get3A_439 : i32 to index
        %get3A_441 = arith.index_cast %mul3A_425 : i32 to index
        %get3A_442 = tpu.vector_load %arg9[%get3A_440, %get3A_441] {strides = array<i32>} : memref<48x512xf32, #tpu.memory_space<vmem>>, vector<1x16xf32>,
        %get3A_443 = vector.shape_cast %get3A_442 : vector<1x16xf32> to vector<16xf32>
        %mul3A_444 = arith.mulf %broadcast_in_dim3A_268, %get3A_443 : vector<16xf32>
        %add3A_445 = arith.addf %add3A_438, %mul3A_444 : vector<16xf32>
        %get3A_446 = arith.constant 3 : i32
        %get3A_447 = arith.index_cast %get3A_446 : i32 to index
        %get3A_448 = arith.index_cast %mul3A_425 : i32 to index
        %get3A_449 = tpu.vector_load %arg9[%get3A_447, %get3A_448] {strides = array<i32>} : memref<48x512xf32, #tpu.memory_space<vmem>>, vector<1x16xf32>,
        %get3A_450 = vector.shape_cast %get3A_449 : vector<1x16xf32> to vector<16xf32>
        %mul3A_451 = arith.mulf %broadcast_in_dim3A_271, %get3A_450 : vector<16xf32>
        %add3A_452 = arith.addf %add3A_445, %mul3A_451 : vector<16xf32>
        %get3A_453 = arith.constant 4 : i32
        %get3A_454 = arith.index_cast %get3A_453 : i32 to index
        %get3A_455 = arith.index_cast %mul3A_425 : i32 to index
        %get3A_456 = tpu.vector_load %arg9[%get3A_454, %get3A_455] {strides = array<i32>} : memref<48x512xf32, #tpu.memory_space<vmem>>, vector<1x16xf32>,
        %get3A_457 = vector.shape_cast %get3A_456 : vector<1x16xf32> to vector<16xf32>
        %mul3A_458 = arith.mulf %broadcast_in_dim3A_274, %get3A_457 : vector<16xf32>
        %add3A_459 = arith.addf %add3A_452, %mul3A_458 : vector<16xf32>
        %get3A_460 = arith.constant 5 : i32
        %get3A_461 = arith.index_cast %get3A_460 : i32 to index
        %get3A_462 = arith.index_cast %mul3A_425 : i32 to index
        %get3A_463 = tpu.vector_load %arg9[%get3A_461, %get3A_462] {strides = array<i32>} : memref<48x512xf32, #tpu.memory_space<vmem>>, vector<1x16xf32>,
        %get3A_464 = vector.shape_cast %get3A_463 : vector<1x16xf32> to vector<16xf32>
        %mul3A_465 = arith.mulf %broadcast_in_dim3A_277, %get3A_464 : vector<16xf32>
        %add3A_466 = arith.addf %add3A_459, %mul3A_465 : vector<16xf32>
        %get3A_467 = arith.constant 6 : i32
        %get3A_468 = arith.index_cast %get3A_467 : i32 to index
        %get3A_469 = arith.index_cast %mul3A_425 : i32 to index
        %get3A_470 = tpu.vector_load %arg9[%get3A_468, %get3A_469] {strides = array<i32>} : memref<48x512xf32, #tpu.memory_space<vmem>>, vector<1x16xf32>,
        %get3A_471 = vector.shape_cast %get3A_470 : vector<1x16xf32> to vector<16xf32>
        %mul3A_472 = arith.mulf %broadcast_in_dim3A_280, %get3A_471 : vector<16xf32>
        %add3A_473 = arith.addf %add3A_466, %mul3A_472 : vector<16xf32>
        %get3A_474 = arith.constant 7 : i32
        %get3A_475 = arith.index_cast %get3A_474 : i32 to index
        %get3A_476 = arith.index_cast %mul3A_425 : i32 to index
        %get3A_477 = tpu.vector_load %arg9[%get3A_475, %get3A_476] {strides = array<i32>} : memref<48x512xf32, #tpu.memory_space<vmem>>, vector<1x16xf32>,
        %get3A_478 = vector.shape_cast %get3A_477 : vector<1x16xf32> to vector<16xf32>
        %mul3A_479 = arith.mulf %broadcast_in_dim3A_283, %get3A_478 : vector<16xf32>
        %add3A_480 = arith.addf %add3A_473, %mul3A_479 : vector<16xf32>
        %get3A_481 = arith.constant 8 : i32
        %get3A_482 = arith.index_cast %get3A_481 : i32 to index
        %get3A_483 = arith.index_cast %mul3A_425 : i32 to index
        %get3A_484 = tpu.vector_load %arg9[%get3A_482, %get3A_483] {strides = array<i32>} : memref<48x512xf32, #tpu.memory_space<vmem>>, vector<1x16xf32>,
        %get3A_485 = vector.shape_cast %get3A_484 : vector<1x16xf32> to vector<16xf32>
        %mul3A_486 = arith.mulf %broadcast_in_dim3A_286, %get3A_485 : vector<16xf32>
        %add3A_487 = arith.addf %add3A_480, %mul3A_486 : vector<16xf32>
        %get3A_488 = arith.constant 9 : i32
        %get3A_489 = arith.index_cast %get3A_488 : i32 to index
        %get3A_490 = arith.index_cast %mul3A_425 : i32 to index
        %get3A_491 = tpu.vector_load %arg9[%get3A_489, %get3A_490] {strides = array<i32>} : memref<48x512xf32, #tpu.memory_space<vmem>>, vector<1x16xf32>,
        %get3A_492 = vector.shape_cast %get3A_491 : vector<1x16xf32> to vector<16xf32>
        %mul3A_493 = arith.mulf %broadcast_in_dim3A_289, %get3A_492 : vector<16xf32>
        %add3A_494 = arith.addf %add3A_487, %mul3A_493 : vector<16xf32>
        %get3A_495 = arith.constant 10 : i32
        %get3A_496 = arith.index_cast %get3A_495 : i32 to index
        %get3A_497 = arith.index_cast %mul3A_425 : i32 to index
        %get3A_498 = tpu.vector_load %arg9[%get3A_496, %get3A_497] {strides = array<i32>} : memref<48x512xf32, #tpu.memory_space<vmem>>, vector<1x16xf32>,
        %get3A_499 = vector.shape_cast %get3A_498 : vector<1x16xf32> to vector<16xf32>
        %mul3A_500 = arith.mulf %broadcast_in_dim3A_292, %get3A_499 : vector<16xf32>
        %add3A_501 = arith.addf %add3A_494, %mul3A_500 : vector<16xf32>
        %get3A_502 = arith.constant 11 : i32
        %get3A_503 = arith.index_cast %get3A_502 : i32 to index
        %get3A_504 = arith.index_cast %mul3A_425 : i32 to index
        %get3A_505 = tpu.vector_load %arg9[%get3A_503, %get3A_504] {strides = array<i32>} : memref<48x512xf32, #tpu.memory_space<vmem>>, vector<1x16xf32>,
        %get3A_506 = vector.shape_cast %get3A_505 : vector<1x16xf32> to vector<16xf32>
        %mul3A_507 = arith.mulf %broadcast_in_dim3A_295, %get3A_506 : vector<16xf32>
        %add3A_508 = arith.addf %add3A_501, %mul3A_507 : vector<16xf32>
        %get3A_509 = arith.constant 12 : i32
        %get3A_510 = arith.index_cast %get3A_509 : i32 to index
        %get3A_511 = arith.index_cast %mul3A_425 : i32 to index
        %get3A_512 = tpu.vector_load %arg9[%get3A_510, %get3A_511] {strides = array<i32>} : memref<48x512xf32, #tpu.memory_space<vmem>>, vector<1x16xf32>,
        %get3A_513 = vector.shape_cast %get3A_512 : vector<1x16xf32> to vector<16xf32>
        %mul3A_514 = arith.mulf %broadcast_in_dim3A_298, %get3A_513 : vector<16xf32>
        %add3A_515 = arith.addf %add3A_508, %mul3A_514 : vector<16xf32>
        %get3A_516 = arith.constant 13 : i32
        %get3A_517 = arith.index_cast %get3A_516 : i32 to index
        %get3A_518 = arith.index_cast %mul3A_425 : i32 to index
        %get3A_519 = tpu.vector_load %arg9[%get3A_517, %get3A_518] {strides = array<i32>} : memref<48x512xf32, #tpu.memory_space<vmem>>, vector<1x16xf32>,
        %get3A_520 = vector.shape_cast %get3A_519 : vector<1x16xf32> to vector<16xf32>
        %mul3A_521 = arith.mulf %broadcast_in_dim3A_301, %get3A_520 : vector<16xf32>
        %add3A_522 = arith.addf %add3A_515, %mul3A_521 : vector<16xf32>
        %get3A_523 = arith.constant 14 : i32
        %get3A_524 = arith.index_cast %get3A_523 : i32 to index
        %get3A_525 = arith.index_cast %mul3A_425 : i32 to index
        %get3A_526 = tpu.vector_load %arg9[%get3A_524, %get3A_525] {strides = array<i32>} : memref<48x512xf32, #tpu.memory_space<vmem>>, vector<1x16xf32>,
        %get3A_527 = vector.shape_cast %get3A_526 : vector<1x16xf32> to vector<16xf32>
        %mul3A_528 = arith.mulf %broadcast_in_dim3A_304, %get3A_527 : vector<16xf32>
        %add3A_529 = arith.addf %add3A_522, %mul3A_528 : vector<16xf32>
        %get3A_530 = arith.constant 15 : i32
        %get3A_531 = arith.index_cast %get3A_530 : i32 to index
        %get3A_532 = arith.index_cast %mul3A_425 : i32 to index
        %get3A_533 = tpu.vector_load %arg9[%get3A_531, %get3A_532] {strides = array<i32>} : memref<48x512xf32, #tpu.memory_space<vmem>>, vector<1x16xf32>,
        %get3A_534 = vector.shape_cast %get3A_533 : vector<1x16xf32> to vector<16xf32>
        %mul3A_535 = arith.mulf %broadcast_in_dim3A_307, %get3A_534 : vector<16xf32>
        %add3A_536 = arith.addf %add3A_529, %mul3A_535 : vector<16xf32>
        %get3A_537 = arith.constant 16 : i32
        %get3A_538 = arith.index_cast %get3A_537 : i32 to index
        %get3A_539 = arith.index_cast %mul3A_425 : i32 to index
        %get3A_540 = tpu.vector_load %arg9[%get3A_538, %get3A_539] {strides = array<i32>} : memref<48x512xf32, #tpu.memory_space<vmem>>, vector<1x16xf32>,
        %get3A_541 = vector.shape_cast %get3A_540 : vector<1x16xf32> to vector<16xf32>
        %mul3A_542 = arith.mulf %broadcast_in_dim3A_310, %get3A_541 : vector<16xf32>
        %add3A_543 = arith.addf %add3A_536, %mul3A_542 : vector<16xf32>
        %get3A_544 = arith.constant 17 : i32
        %get3A_545 = arith.index_cast %get3A_544 : i32 to index
        %get3A_546 = arith.index_cast %mul3A_425 : i32 to index
        %get3A_547 = tpu.vector_load %arg9[%get3A_545, %get3A_546] {strides = array<i32>} : memref<48x512xf32, #tpu.memory_space<vmem>>, vector<1x16xf32>,
        %get3A_548 = vector.shape_cast %get3A_547 : vector<1x16xf32> to vector<16xf32>
        %mul3A_549 = arith.mulf %broadcast_in_dim3A_313, %get3A_548 : vector<16xf32>
        %add3A_550 = arith.addf %add3A_543, %mul3A_549 : vector<16xf32>
        %get3A_551 = arith.constant 18 : i32
        %get3A_552 = arith.index_cast %get3A_551 : i32 to index
        %get3A_553 = arith.index_cast %mul3A_425 : i32 to index
        %get3A_554 = tpu.vector_load %arg9[%get3A_552, %get3A_553] {strides = array<i32>} : memref<48x512xf32, #tpu.memory_space<vmem>>, vector<1x16xf32>,
        %get3A_555 = vector.shape_cast %get3A_554 : vector<1x16xf32> to vector<16xf32>
        %mul3A_556 = arith.mulf %broadcast_in_dim3A_316, %get3A_555 : vector<16xf32>
        %add3A_557 = arith.addf %add3A_550, %mul3A_556 : vector<16xf32>
        %get3A_558 = arith.constant 19 : i32
        %get3A_559 = arith.index_cast %get3A_558 : i32 to index
        %get3A_560 = arith.index_cast %mul3A_425 : i32 to index
        %get3A_561 = tpu.vector_load %arg9[%get3A_559, %get3A_560] {strides = array<i32>} : memref<48x512xf32, #tpu.memory_space<vmem>>, vector<1x16xf32>,
        %get3A_562 = vector.shape_cast %get3A_561 : vector<1x16xf32> to vector<16xf32>
        %mul3A_563 = arith.mulf %broadcast_in_dim3A_319, %get3A_562 : vector<16xf32>
        %add3A_564 = arith.addf %add3A_557, %mul3A_563 : vector<16xf32>
        %get3A_565 = arith.constant 20 : i32
        %get3A_566 = arith.index_cast %get3A_565 : i32 to index
        %get3A_567 = arith.index_cast %mul3A_425 : i32 to index
        %get3A_568 = tpu.vector_load %arg9[%get3A_566, %get3A_567] {strides = array<i32>} : memref<48x512xf32, #tpu.memory_space<vmem>>, vector<1x16xf32>,
        %get3A_569 = vector.shape_cast %get3A_568 : vector<1x16xf32> to vector<16xf32>
        %mul3A_570 = arith.mulf %broadcast_in_dim3A_322, %get3A_569 : vector<16xf32>
        %add3A_571 = arith.addf %add3A_564, %mul3A_570 : vector<16xf32>
        %get3A_572 = arith.constant 21 : i32
        %get3A_573 = arith.index_cast %get3A_572 : i32 to index
        %get3A_574 = arith.index_cast %mul3A_425 : i32 to index
        %get3A_575 = tpu.vector_load %arg9[%get3A_573, %get3A_574] {strides = array<i32>} : memref<48x512xf32, #tpu.memory_space<vmem>>, vector<1x16xf32>,
        %get3A_576 = vector.shape_cast %get3A_575 : vector<1x16xf32> to vector<16xf32>
        %mul3A_577 = arith.mulf %broadcast_in_dim3A_325, %get3A_576 : vector<16xf32>
        %add3A_578 = arith.addf %add3A_571, %mul3A_577 : vector<16xf32>
        %get3A_579 = arith.constant 22 : i32
        %get3A_580 = arith.index_cast %get3A_579 : i32 to index
        %get3A_581 = arith.index_cast %mul3A_425 : i32 to index
        %get3A_582 = tpu.vector_load %arg9[%get3A_580, %get3A_581] {strides = array<i32>} : memref<48x512xf32, #tpu.memory_space<vmem>>, vector<1x16xf32>,
        %get3A_583 = vector.shape_cast %get3A_582 : vector<1x16xf32> to vector<16xf32>
        %mul3A_584 = arith.mulf %broadcast_in_dim3A_328, %get3A_583 : vector<16xf32>
        %add3A_585 = arith.addf %add3A_578, %mul3A_584 : vector<16xf32>
        %get3A_586 = arith.constant 23 : i32
        %get3A_587 = arith.index_cast %get3A_586 : i32 to index
        %get3A_588 = arith.index_cast %mul3A_425 : i32 to index
        %get3A_589 = tpu.vector_load %arg9[%get3A_587, %get3A_588] {strides = array<i32>} : memref<48x512xf32, #tpu.memory_space<vmem>>, vector<1x16xf32>,
        %get3A_590 = vector.shape_cast %get3A_589 : vector<1x16xf32> to vector<16xf32>
        %mul3A_591 = arith.mulf %broadcast_in_dim3A_331, %get3A_590 : vector<16xf32>
        %add3A_592 = arith.addf %add3A_585, %mul3A_591 : vector<16xf32>
        %swap3A = arith.constant 0 : i32
        %swap3A_593 = arith.index_cast %swap3A : i32 to index
        %swap3A_594 = arith.index_cast %mul3A_425 : i32 to index
        %swap3A_595 = tpu.vector_load %arg11[%swap3A_593, %swap3A_594] {strides = array<i32>} : memref<2x512xf32, #tpu.memory_space<vmem>>, vector<1x16xf32>,
        %swap3A_596 = vector.shape_cast %swap3A_595 : vector<1x16xf32> to vector<16xf32>
        %swap3A_597 = vector.shape_cast %add3A_592 : vector<16xf32> to vector<1x16xf32>
        tpu.vector_store %arg11[%swap3A_593, %swap3A_594], %swap3A_597 {strides = array<i32>} : memref<2x512xf32, #tpu.memory_space<vmem>>, vector<1x16xf32>,
        %scan3A_598 = arith.constant 1 : i32
        %scan3A_599 = arith.addi %scan3A_423, %scan3A_598 : i32
        %mul3A_600 = arith.constant 16 : i32
        %mul3A_601 = arith.muli %scan3A_599, %mul3A_600 : i32
        %get3A_602 = arith.constant 0 : i32
        %get3A_603 = arith.index_cast %get3A_602 : i32 to index
        %get3A_604 = arith.index_cast %mul3A_601 : i32 to index
        %get3A_605 = tpu.vector_load %arg9[%get3A_603, %get3A_604] {strides = array<i32>} : memref<48x512xf32, #tpu.memory_space<vmem>>, vector<1x16xf32>,
        %get3A_606 = vector.shape_cast %get3A_605 : vector<1x16xf32> to vector<16xf32>
        %mul3A_607 = arith.mulf %broadcast_in_dim3A_262, %get3A_606 : vector<16xf32>
        %get3A_608 = arith.constant 1 : i32
        %get3A_609 = arith.index_cast %get3A_608 : i32 to index
        %get3A_610 = arith.index_cast %mul3A_601 : i32 to index
        %get3A_611 = tpu.vector_load %arg9[%get3A_609, %get3A_610] {strides = array<i32>} : memref<48x512xf32, #tpu.memory_space<vmem>>, vector<1x16xf32>,
        %get3A_612 = vector.shape_cast %get3A_611 : vector<1x16xf32> to vector<16xf32>
        %mul3A_613 = arith.mulf %broadcast_in_dim3A_265, %get3A_612 : vector<16xf32>
        %add3A_614 = arith.addf %mul3A_607, %mul3A_613 : vector<16xf32>
        %get3A_615 = arith.constant 2 : i32
        %get3A_616 = arith.index_cast %get3A_615 : i32 to index
        %get3A_617 = arith.index_cast %mul3A_601 : i32 to index
        %get3A_618 = tpu.vector_load %arg9[%get3A_616, %get3A_617] {strides = array<i32>} : memref<48x512xf32, #tpu.memory_space<vmem>>, vector<1x16xf32>,
        %get3A_619 = vector.shape_cast %get3A_618 : vector<1x16xf32> to vector<16xf32>
        %mul3A_620 = arith.mulf %broadcast_in_dim3A_268, %get3A_619 : vector<16xf32>
        %add3A_621 = arith.addf %add3A_614, %mul3A_620 : vector<16xf32>
        %get3A_622 = arith.constant 3 : i32
        %get3A_623 = arith.index_cast %get3A_622 : i32 to index
        %get3A_624 = arith.index_cast %mul3A_601 : i32 to index
        %get3A_625 = tpu.vector_load %arg9[%get3A_623, %get3A_624] {strides = array<i32>} : memref<48x512xf32, #tpu.memory_space<vmem>>, vector<1x16xf32>,
        %get3A_626 = vector.shape_cast %get3A_625 : vector<1x16xf32> to vector<16xf32>
        %mul3A_627 = arith.mulf %broadcast_in_dim3A_271, %get3A_626 : vector<16xf32>
        %add3A_628 = arith.addf %add3A_621, %mul3A_627 : vector<16xf32>
        %get3A_629 = arith.constant 4 : i32
        %get3A_630 = arith.index_cast %get3A_629 : i32 to index
        %get3A_631 = arith.index_cast %mul3A_601 : i32 to index
        %get3A_632 = tpu.vector_load %arg9[%get3A_630, %get3A_631] {strides = array<i32>} : memref<48x512xf32, #tpu.memory_space<vmem>>, vector<1x16xf32>,
        %get3A_633 = vector.shape_cast %get3A_632 : vector<1x16xf32> to vector<16xf32>
        %mul3A_634 = arith.mulf %broadcast_in_dim3A_274, %get3A_633 : vector<16xf32>
        %add3A_635 = arith.addf %add3A_628, %mul3A_634 : vector<16xf32>
        %get3A_636 = arith.constant 5 : i32
        %get3A_637 = arith.index_cast %get3A_636 : i32 to index
        %get3A_638 = arith.index_cast %mul3A_601 : i32 to index
        %get3A_639 = tpu.vector_load %arg9[%get3A_637, %get3A_638] {strides = array<i32>} : memref<48x512xf32, #tpu.memory_space<vmem>>, vector<1x16xf32>,
        %get3A_640 = vector.shape_cast %get3A_639 : vector<1x16xf32> to vector<16xf32>
        %mul3A_641 = arith.mulf %broadcast_in_dim3A_277, %get3A_640 : vector<16xf32>
        %add3A_642 = arith.addf %add3A_635, %mul3A_641 : vector<16xf32>
        %get3A_643 = arith.constant 6 : i32
        %get3A_644 = arith.index_cast %get3A_643 : i32 to index
        %get3A_645 = arith.index_cast %mul3A_601 : i32 to index
        %get3A_646 = tpu.vector_load %arg9[%get3A_644, %get3A_645] {strides = array<i32>} : memref<48x512xf32, #tpu.memory_space<vmem>>, vector<1x16xf32>,
        %get3A_647 = vector.shape_cast %get3A_646 : vector<1x16xf32> to vector<16xf32>
        %mul3A_648 = arith.mulf %broadcast_in_dim3A_280, %get3A_647 : vector<16xf32>
        %add3A_649 = arith.addf %add3A_642, %mul3A_648 : vector<16xf32>
        %get3A_650 = arith.constant 7 : i32
        %get3A_651 = arith.index_cast %get3A_650 : i32 to index
        %get3A_652 = arith.index_cast %mul3A_601 : i32 to index
        %get3A_653 = tpu.vector_load %arg9[%get3A_651, %get3A_652] {strides = array<i32>} : memref<48x512xf32, #tpu.memory_space<vmem>>, vector<1x16xf32>,
        %get3A_654 = vector.shape_cast %get3A_653 : vector<1x16xf32> to vector<16xf32>
        %mul3A_655 = arith.mulf %broadcast_in_dim3A_283, %get3A_654 : vector<16xf32>
        %add3A_656 = arith.addf %add3A_649, %mul3A_655 : vector<16xf32>
        %get3A_657 = arith.constant 8 : i32
        %get3A_658 = arith.index_cast %get3A_657 : i32 to index
        %get3A_659 = arith.index_cast %mul3A_601 : i32 to index
        %get3A_660 = tpu.vector_load %arg9[%get3A_658, %get3A_659] {strides = array<i32>} : memref<48x512xf32, #tpu.memory_space<vmem>>, vector<1x16xf32>,
        %get3A_661 = vector.shape_cast %get3A_660 : vector<1x16xf32> to vector<16xf32>
        %mul3A_662 = arith.mulf %broadcast_in_dim3A_286, %get3A_661 : vector<16xf32>
        %add3A_663 = arith.addf %add3A_656, %mul3A_662 : vector<16xf32>
        %get3A_664 = arith.constant 9 : i32
        %get3A_665 = arith.index_cast %get3A_664 : i32 to index
        %get3A_666 = arith.index_cast %mul3A_601 : i32 to index
        %get3A_667 = tpu.vector_load %arg9[%get3A_665, %get3A_666] {strides = array<i32>} : memref<48x512xf32, #tpu.memory_space<vmem>>, vector<1x16xf32>,
        %get3A_668 = vector.shape_cast %get3A_667 : vector<1x16xf32> to vector<16xf32>
        %mul3A_669 = arith.mulf %broadcast_in_dim3A_289, %get3A_668 : vector<16xf32>
        %add3A_670 = arith.addf %add3A_663, %mul3A_669 : vector<16xf32>
        %get3A_671 = arith.constant 10 : i32
        %get3A_672 = arith.index_cast %get3A_671 : i32 to index
        %get3A_673 = arith.index_cast %mul3A_601 : i32 to index
        %get3A_674 = tpu.vector_load %arg9[%get3A_672, %get3A_673] {strides = array<i32>} : memref<48x512xf32, #tpu.memory_space<vmem>>, vector<1x16xf32>,
        %get3A_675 = vector.shape_cast %get3A_674 : vector<1x16xf32> to vector<16xf32>
        %mul3A_676 = arith.mulf %broadcast_in_dim3A_292, %get3A_675 : vector<16xf32>
        %add3A_677 = arith.addf %add3A_670, %mul3A_676 : vector<16xf32>
        %get3A_678 = arith.constant 11 : i32
        %get3A_679 = arith.index_cast %get3A_678 : i32 to index
        %get3A_680 = arith.index_cast %mul3A_601 : i32 to index
        %get3A_681 = tpu.vector_load %arg9[%get3A_679, %get3A_680] {strides = array<i32>} : memref<48x512xf32, #tpu.memory_space<vmem>>, vector<1x16xf32>,
        %get3A_682 = vector.shape_cast %get3A_681 : vector<1x16xf32> to vector<16xf32>
        %mul3A_683 = arith.mulf %broadcast_in_dim3A_295, %get3A_682 : vector<16xf32>
        %add3A_684 = arith.addf %add3A_677, %mul3A_683 : vector<16xf32>
        %get3A_685 = arith.constant 12 : i32
        %get3A_686 = arith.index_cast %get3A_685 : i32 to index
        %get3A_687 = arith.index_cast %mul3A_601 : i32 to index
        %get3A_688 = tpu.vector_load %arg9[%get3A_686, %get3A_687] {strides = array<i32>} : memref<48x512xf32, #tpu.memory_space<vmem>>, vector<1x16xf32>,
        %get3A_689 = vector.shape_cast %get3A_688 : vector<1x16xf32> to vector<16xf32>
        %mul3A_690 = arith.mulf %broadcast_in_dim3A_298, %get3A_689 : vector<16xf32>
        %add3A_691 = arith.addf %add3A_684, %mul3A_690 : vector<16xf32>
        %get3A_692 = arith.constant 13 : i32
        %get3A_693 = arith.index_cast %get3A_692 : i32 to index
        %get3A_694 = arith.index_cast %mul3A_601 : i32 to index
        %get3A_695 = tpu.vector_load %arg9[%get3A_693, %get3A_694] {strides = array<i32>} : memref<48x512xf32, #tpu.memory_space<vmem>>, vector<1x16xf32>,
        %get3A_696 = vector.shape_cast %get3A_695 : vector<1x16xf32> to vector<16xf32>
        %mul3A_697 = arith.mulf %broadcast_in_dim3A_301, %get3A_696 : vector<16xf32>
        %add3A_698 = arith.addf %add3A_691, %mul3A_697 : vector<16xf32>
        %get3A_699 = arith.constant 14 : i32
        %get3A_700 = arith.index_cast %get3A_699 : i32 to index
        %get3A_701 = arith.index_cast %mul3A_601 : i32 to index
        %get3A_702 = tpu.vector_load %arg9[%get3A_700, %get3A_701] {strides = array<i32>} : memref<48x512xf32, #tpu.memory_space<vmem>>, vector<1x16xf32>,
        %get3A_703 = vector.shape_cast %get3A_702 : vector<1x16xf32> to vector<16xf32>
        %mul3A_704 = arith.mulf %broadcast_in_dim3A_304, %get3A_703 : vector<16xf32>
        %add3A_705 = arith.addf %add3A_698, %mul3A_704 : vector<16xf32>
        %get3A_706 = arith.constant 15 : i32
        %get3A_707 = arith.index_cast %get3A_706 : i32 to index
        %get3A_708 = arith.index_cast %mul3A_601 : i32 to index
        %get3A_709 = tpu.vector_load %arg9[%get3A_707, %get3A_708] {strides = array<i32>} : memref<48x512xf32, #tpu.memory_space<vmem>>, vector<1x16xf32>,
        %get3A_710 = vector.shape_cast %get3A_709 : vector<1x16xf32> to vector<16xf32>
        %mul3A_711 = arith.mulf %broadcast_in_dim3A_307, %get3A_710 : vector<16xf32>
        %add3A_712 = arith.addf %add3A_705, %mul3A_711 : vector<16xf32>
        %get3A_713 = arith.constant 16 : i32
        %get3A_714 = arith.index_cast %get3A_713 : i32 to index
        %get3A_715 = arith.index_cast %mul3A_601 : i32 to index
        %get3A_716 = tpu.vector_load %arg9[%get3A_714, %get3A_715] {strides = array<i32>} : memref<48x512xf32, #tpu.memory_space<vmem>>, vector<1x16xf32>,
        %get3A_717 = vector.shape_cast %get3A_716 : vector<1x16xf32> to vector<16xf32>
        %mul3A_718 = arith.mulf %broadcast_in_dim3A_310, %get3A_717 : vector<16xf32>
        %add3A_719 = arith.addf %add3A_712, %mul3A_718 : vector<16xf32>
        %get3A_720 = arith.constant 17 : i32
        %get3A_721 = arith.index_cast %get3A_720 : i32 to index
        %get3A_722 = arith.index_cast %mul3A_601 : i32 to index
        %get3A_723 = tpu.vector_load %arg9[%get3A_721, %get3A_722] {strides = array<i32>} : memref<48x512xf32, #tpu.memory_space<vmem>>, vector<1x16xf32>,
        %get3A_724 = vector.shape_cast %get3A_723 : vector<1x16xf32> to vector<16xf32>
        %mul3A_725 = arith.mulf %broadcast_in_dim3A_313, %get3A_724 : vector<16xf32>
        %add3A_726 = arith.addf %add3A_719, %mul3A_725 : vector<16xf32>
        %get3A_727 = arith.constant 18 : i32
        %get3A_728 = arith.index_cast %get3A_727 : i32 to index
        %get3A_729 = arith.index_cast %mul3A_601 : i32 to index
        %get3A_730 = tpu.vector_load %arg9[%get3A_728, %get3A_729] {strides = array<i32>} : memref<48x512xf32, #tpu.memory_space<vmem>>, vector<1x16xf32>,
        %get3A_731 = vector.shape_cast %get3A_730 : vector<1x16xf32> to vector<16xf32>
        %mul3A_732 = arith.mulf %broadcast_in_dim3A_316, %get3A_731 : vector<16xf32>
        %add3A_733 = arith.addf %add3A_726, %mul3A_732 : vector<16xf32>
        %get3A_734 = arith.constant 19 : i32
        %get3A_735 = arith.index_cast %get3A_734 : i32 to index
        %get3A_736 = arith.index_cast %mul3A_601 : i32 to index
        %get3A_737 = tpu.vector_load %arg9[%get3A_735, %get3A_736] {strides = array<i32>} : memref<48x512xf32, #tpu.memory_space<vmem>>, vector<1x16xf32>,
        %get3A_738 = vector.shape_cast %get3A_737 : vector<1x16xf32> to vector<16xf32>
        %mul3A_739 = arith.mulf %broadcast_in_dim3A_319, %get3A_738 : vector<16xf32>
        %add3A_740 = arith.addf %add3A_733, %mul3A_739 : vector<16xf32>
        %get3A_741 = arith.constant 20 : i32
        %get3A_742 = arith.index_cast %get3A_741 : i32 to index
        %get3A_743 = arith.index_cast %mul3A_601 : i32 to index
        %get3A_744 = tpu.vector_load %arg9[%get3A_742, %get3A_743] {strides = array<i32>} : memref<48x512xf32, #tpu.memory_space<vmem>>, vector<1x16xf32>,
        %get3A_745 = vector.shape_cast %get3A_744 : vector<1x16xf32> to vector<16xf32>
        %mul3A_746 = arith.mulf %broadcast_in_dim3A_322, %get3A_745 : vector<16xf32>
        %add3A_747 = arith.addf %add3A_740, %mul3A_746 : vector<16xf32>
        %get3A_748 = arith.constant 21 : i32
        %get3A_749 = arith.index_cast %get3A_748 : i32 to index
        %get3A_750 = arith.index_cast %mul3A_601 : i32 to index
        %get3A_751 = tpu.vector_load %arg9[%get3A_749, %get3A_750] {strides = array<i32>} : memref<48x512xf32, #tpu.memory_space<vmem>>, vector<1x16xf32>,
        %get3A_752 = vector.shape_cast %get3A_751 : vector<1x16xf32> to vector<16xf32>
        %mul3A_753 = arith.mulf %broadcast_in_dim3A_325, %get3A_752 : vector<16xf32>
        %add3A_754 = arith.addf %add3A_747, %mul3A_753 : vector<16xf32>
        %get3A_755 = arith.constant 22 : i32
        %get3A_756 = arith.index_cast %get3A_755 : i32 to index
        %get3A_757 = arith.index_cast %mul3A_601 : i32 to index
        %get3A_758 = tpu.vector_load %arg9[%get3A_756, %get3A_757] {strides = array<i32>} : memref<48x512xf32, #tpu.memory_space<vmem>>, vector<1x16xf32>,
        %get3A_759 = vector.shape_cast %get3A_758 : vector<1x16xf32> to vector<16xf32>
        %mul3A_760 = arith.mulf %broadcast_in_dim3A_328, %get3A_759 : vector<16xf32>
        %add3A_761 = arith.addf %add3A_754, %mul3A_760 : vector<16xf32>
        %get3A_762 = arith.constant 23 : i32
        %get3A_763 = arith.index_cast %get3A_762 : i32 to index
        %get3A_764 = arith.index_cast %mul3A_601 : i32 to index
        %get3A_765 = tpu.vector_load %arg9[%get3A_763, %get3A_764] {strides = array<i32>} : memref<48x512xf32, #tpu.memory_space<vmem>>, vector<1x16xf32>,
        %get3A_766 = vector.shape_cast %get3A_765 : vector<1x16xf32> to vector<16xf32>
        %mul3A_767 = arith.mulf %broadcast_in_dim3A_331, %get3A_766 : vector<16xf32>
        %add3A_768 = arith.addf %add3A_761, %mul3A_767 : vector<16xf32>
        %swap3A_769 = arith.constant 0 : i32
        %swap3A_770 = arith.index_cast %swap3A_769 : i32 to index
        %swap3A_771 = arith.index_cast %mul3A_601 : i32 to index
        %swap3A_772 = tpu.vector_load %arg11[%swap3A_770, %swap3A_771] {strides = array<i32>} : memref<2x512xf32, #tpu.memory_space<vmem>>, vector<1x16xf32>,
        %swap3A_773 = vector.shape_cast %swap3A_772 : vector<1x16xf32> to vector<16xf32>
        %swap3A_774 = vector.shape_cast %add3A_768 : vector<16xf32> to vector<1x16xf32>
        tpu.vector_store %arg11[%swap3A_770, %swap3A_771], %swap3A_774 {strides = array<i32>} : memref<2x512xf32, #tpu.memory_space<vmem>>, vector<1x16xf32>,
      }
      %scan3A_337 = arith.constant 32 : i32
      %slice3A_338 = vector.extract_strided_slice %get3A_252 {offsets = [8], sizes = [1], strides = [1]} : vector<16xf32> to vector<1xf32>
      %squeeze3A_339 = vector.extract %slice3A_338[0] : f32 from vector<1xf32>
      %broadcast_in_dim3A_340 = vector.broadcast %squeeze3A_339 : f32 to vector<16xf32>
      %slice3A_341 = vector.extract_strided_slice %get3A_252 {offsets = [9], sizes = [1], strides = [1]} : vector<16xf32> to vector<1xf32>
      %squeeze3A_342 = vector.extract %slice3A_341[0] : f32 from vector<1xf32>
      %broadcast_in_dim3A_343 = vector.broadcast %squeeze3A_342 : f32 to vector<16xf32>
      %slice3A_344 = vector.extract_strided_slice %get3A_252 {offsets = [10], sizes = [1], strides = [1]} : vector<16xf32> to vector<1xf32>
      %squeeze3A_345 = vector.extract %slice3A_344[0] : f32 from vector<1xf32>
      %broadcast_in_dim3A_346 = vector.broadcast %squeeze3A_345 : f32 to vector<16xf32>
      %slice3A_347 = vector.extract_strided_slice %get3A_252 {offsets = [11], sizes = [1], strides = [1]} : vector<16xf32> to vector<1xf32>
      %squeeze3A_348 = vector.extract %slice3A_347[0] : f32 from vector<1xf32>
      %broadcast_in_dim3A_349 = vector.broadcast %squeeze3A_348 : f32 to vector<16xf32>
      %slice3A_350 = vector.extract_strided_slice %get3A_252 {offsets = [12], sizes = [1], strides = [1]} : vector<16xf32> to vector<1xf32>
      %squeeze3A_351 = vector.extract %slice3A_350[0] : f32 from vector<1xf32>
      %broadcast_in_dim3A_352 = vector.broadcast %squeeze3A_351 : f32 to vector<16xf32>
      %slice3A_353 = vector.extract_strided_slice %get3A_252 {offsets = [13], sizes = [1], strides = [1]} : vector<16xf32> to vector<1xf32>
      %squeeze3A_354 = vector.extract %slice3A_353[0] : f32 from vector<1xf32>
      %broadcast_in_dim3A_355 = vector.broadcast %squeeze3A_354 : f32 to vector<16xf32>
      %slice3A_356 = vector.extract_strided_slice %get3A_252 {offsets = [14], sizes = [1], strides = [1]} : vector<16xf32> to vector<1xf32>
      %squeeze3A_357 = vector.extract %slice3A_356[0] : f32 from vector<1xf32>
      %broadcast_in_dim3A_358 = vector.broadcast %squeeze3A_357 : f32 to vector<16xf32>
      %slice3A_359 = vector.extract_strided_slice %get3A_252 {offsets = [15], sizes = [1], strides = [1]} : vector<16xf32> to vector<1xf32>
      %squeeze3A_360 = vector.extract %slice3A_359[0] : f32 from vector<1xf32>
      %broadcast_in_dim3A_361 = vector.broadcast %squeeze3A_360 : f32 to vector<16xf32>
      %slice3A_362 = vector.extract_strided_slice %get3A_259 {offsets = [0], sizes = [1], strides = [1]} : vector<16xf32> to vector<1xf32>
      %squeeze3A_363 = vector.extract %slice3A_362[0] : f32 from vector<1xf32>
      %broadcast_in_dim3A_364 = vector.broadcast %squeeze3A_363 : f32 to vector<16xf32>
      %slice3A_365 = vector.extract_strided_slice %get3A_259 {offsets = [1], sizes = [1], strides = [1]} : vector<16xf32> to vector<1xf32>
      %squeeze3A_366 = vector.extract %slice3A_365[0] : f32 from vector<1xf32>
      %broadcast_in_dim3A_367 = vector.broadcast %squeeze3A_366 : f32 to vector<16xf32>
      %slice3A_368 = vector.extract_strided_slice %get3A_259 {offsets = [2], sizes = [1], strides = [1]} : vector<16xf32> to vector<1xf32>
      %squeeze3A_369 = vector.extract %slice3A_368[0] : f32 from vector<1xf32>
      %broadcast_in_dim3A_370 = vector.broadcast %squeeze3A_369 : f32 to vector<16xf32>
      %slice3A_371 = vector.extract_strided_slice %get3A_259 {offsets = [3], sizes = [1], strides = [1]} : vector<16xf32> to vector<1xf32>
      %squeeze3A_372 = vector.extract %slice3A_371[0] : f32 from vector<1xf32>
      %broadcast_in_dim3A_373 = vector.broadcast %squeeze3A_372 : f32 to vector<16xf32>
      %slice3A_374 = vector.extract_strided_slice %get3A_259 {offsets = [4], sizes = [1], strides = [1]} : vector<16xf32> to vector<1xf32>
      %squeeze3A_375 = vector.extract %slice3A_374[0] : f32 from vector<1xf32>
      %broadcast_in_dim3A_376 = vector.broadcast %squeeze3A_375 : f32 to vector<16xf32>
      %slice3A_377 = vector.extract_strided_slice %get3A_259 {offsets = [5], sizes = [1], strides = [1]} : vector<16xf32> to vector<1xf32>
      %squeeze3A_378 = vector.extract %slice3A_377[0] : f32 from vector<1xf32>
      %broadcast_in_dim3A_379 = vector.broadcast %squeeze3A_378 : f32 to vector<16xf32>
      %slice3A_380 = vector.extract_strided_slice %get3A_259 {offsets = [6], sizes = [1], strides = [1]} : vector<16xf32> to vector<1xf32>
      %squeeze3A_381 = vector.extract %slice3A_380[0] : f32 from vector<1xf32>
      %broadcast_in_dim3A_382 = vector.broadcast %squeeze3A_381 : f32 to vector<16xf32>
      %slice3A_383 = vector.extract_strided_slice %get3A_259 {offsets = [7], sizes = [1], strides = [1]} : vector<16xf32> to vector<1xf32>
      %squeeze3A_384 = vector.extract %slice3A_383[0] : f32 from vector<1xf32>
      %broadcast_in_dim3A_385 = vector.broadcast %squeeze3A_384 : f32 to vector<16xf32>
      %slice3A_386 = vector.extract_strided_slice %get3A_259 {offsets = [8], sizes = [1], strides = [1]} : vector<16xf32> to vector<1xf32>
      %squeeze3A_387 = vector.extract %slice3A_386[0] : f32 from vector<1xf32>
      %broadcast_in_dim3A_388 = vector.broadcast %squeeze3A_387 : f32 to vector<16xf32>
      %slice3A_389 = vector.extract_strided_slice %get3A_259 {offsets = [9], sizes = [1], strides = [1]} : vector<16xf32> to vector<1xf32>
      %squeeze3A_390 = vector.extract %slice3A_389[0] : f32 from vector<1xf32>
      %broadcast_in_dim3A_391 = vector.broadcast %squeeze3A_390 : f32 to vector<16xf32>
      %slice3A_392 = vector.extract_strided_slice %get3A_259 {offsets = [10], sizes = [1], strides = [1]} : vector<16xf32> to vector<1xf32>
      %squeeze3A_393 = vector.extract %slice3A_392[0] : f32 from vector<1xf32>
      %broadcast_in_dim3A_394 = vector.broadcast %squeeze3A_393 : f32 to vector<16xf32>
      %slice3A_395 = vector.extract_strided_slice %get3A_259 {offsets = [11], sizes = [1], strides = [1]} : vector<16xf32> to vector<1xf32>
      %squeeze3A_396 = vector.extract %slice3A_395[0] : f32 from vector<1xf32>
      %broadcast_in_dim3A_397 = vector.broadcast %squeeze3A_396 : f32 to vector<16xf32>
      %slice3A_398 = vector.extract_strided_slice %get3A_259 {offsets = [12], sizes = [1], strides = [1]} : vector<16xf32> to vector<1xf32>
      %squeeze3A_399 = vector.extract %slice3A_398[0] : f32 from vector<1xf32>
      %broadcast_in_dim3A_400 = vector.broadcast %squeeze3A_399 : f32 to vector<16xf32>
      %slice3A_401 = vector.extract_strided_slice %get3A_259 {offsets = [13], sizes = [1], strides = [1]} : vector<16xf32> to vector<1xf32>
      %squeeze3A_402 = vector.extract %slice3A_401[0] : f32 from vector<1xf32>
      %broadcast_in_dim3A_403 = vector.broadcast %squeeze3A_402 : f32 to vector<16xf32>
      %slice3A_404 = vector.extract_strided_slice %get3A_259 {offsets = [14], sizes = [1], strides = [1]} : vector<16xf32> to vector<1xf32>
      %squeeze3A_405 = vector.extract %slice3A_404[0] : f32 from vector<1xf32>
      %broadcast_in_dim3A_406 = vector.broadcast %squeeze3A_405 : f32 to vector<16xf32>
      %slice3A_407 = vector.extract_strided_slice %get3A_259 {offsets = [15], sizes = [1], strides = [1]} : vector<16xf32> to vector<1xf32>
      %squeeze3A_408 = vector.extract %slice3A_407[0] : f32 from vector<1xf32>
      %broadcast_in_dim3A_409 = vector.broadcast %squeeze3A_408 : f32 to vector<16xf32>
      %scan3A_410 = arith.constant 0 : i32
      %scan3A_411 = arith.constant 0 : i32
      %scan3A_412 = arith.constant 32 : i32
      %scan3A_413 = arith.addi %scan3A_411, %scan3A_412 : i32
      %scan3A_414 = arith.constant 2 : i32
      scf.for %scan3A_423 = %scan3A_411 to %scan3A_413 step %scan3A_414  : i32 {
        %mul3A_424 = arith.constant 16 : i32
        %mul3A_425 = arith.muli %scan3A_423, %mul3A_424 : i32
        %get3A_426 = arith.constant 24 : i32
        %get3A_427 = arith.index_cast %get3A_426 : i32 to index
        %get3A_428 = arith.index_cast %mul3A_425 : i32 to index
        %get3A_429 = tpu.vector_load %arg9[%get3A_427, %get3A_428] {strides = array<i32>} : memref<48x512xf32, #tpu.memory_space<vmem>>, vector<1x16xf32>,
        %get3A_430 = vector.shape_cast %get3A_429 : vector<1x16xf32> to vector<16xf32>
        %mul3A_431 = arith.mulf %broadcast_in_dim3A_340, %get3A_430 : vector<16xf32>
        %get3A_432 = arith.constant 25 : i32
        %get3A_433 = arith.index_cast %get3A_432 : i32 to index
        %get3A_434 = arith.index_cast %mul3A_425 : i32 to index
        %get3A_435 = tpu.vector_load %arg9[%get3A_433, %get3A_434] {strides = array<i32>} : memref<48x512xf32, #tpu.memory_space<vmem>>, vector<1x16xf32>,
        %get3A_436 = vector.shape_cast %get3A_435 : vector<1x16xf32> to vector<16xf32>
        %mul3A_437 = arith.mulf %broadcast_in_dim3A_343, %get3A_436 : vector<16xf32>
        %add3A_438 = arith.addf %mul3A_431, %mul3A_437 : vector<16xf32>
        %get3A_439 = arith.constant 26 : i32
        %get3A_440 = arith.index_cast %get3A_439 : i32 to index
        %get3A_441 = arith.index_cast %mul3A_425 : i32 to index
        %get3A_442 = tpu.vector_load %arg9[%get3A_440, %get3A_441] {strides = array<i32>} : memref<48x512xf32, #tpu.memory_space<vmem>>, vector<1x16xf32>,
        %get3A_443 = vector.shape_cast %get3A_442 : vector<1x16xf32> to vector<16xf32>
        %mul3A_444 = arith.mulf %broadcast_in_dim3A_346, %get3A_443 : vector<16xf32>
        %add3A_445 = arith.addf %add3A_438, %mul3A_444 : vector<16xf32>
        %get3A_446 = arith.constant 27 : i32
        %get3A_447 = arith.index_cast %get3A_446 : i32 to index
        %get3A_448 = arith.index_cast %mul3A_425 : i32 to index
        %get3A_449 = tpu.vector_load %arg9[%get3A_447, %get3A_448] {strides = array<i32>} : memref<48x512xf32, #tpu.memory_space<vmem>>, vector<1x16xf32>,
        %get3A_450 = vector.shape_cast %get3A_449 : vector<1x16xf32> to vector<16xf32>
        %mul3A_451 = arith.mulf %broadcast_in_dim3A_349, %get3A_450 : vector<16xf32>
        %add3A_452 = arith.addf %add3A_445, %mul3A_451 : vector<16xf32>
        %get3A_453 = arith.constant 28 : i32
        %get3A_454 = arith.index_cast %get3A_453 : i32 to index
        %get3A_455 = arith.index_cast %mul3A_425 : i32 to index
        %get3A_456 = tpu.vector_load %arg9[%get3A_454, %get3A_455] {strides = array<i32>} : memref<48x512xf32, #tpu.memory_space<vmem>>, vector<1x16xf32>,
        %get3A_457 = vector.shape_cast %get3A_456 : vector<1x16xf32> to vector<16xf32>
        %mul3A_458 = arith.mulf %broadcast_in_dim3A_352, %get3A_457 : vector<16xf32>
        %add3A_459 = arith.addf %add3A_452, %mul3A_458 : vector<16xf32>
        %get3A_460 = arith.constant 29 : i32
        %get3A_461 = arith.index_cast %get3A_460 : i32 to index
        %get3A_462 = arith.index_cast %mul3A_425 : i32 to index
        %get3A_463 = tpu.vector_load %arg9[%get3A_461, %get3A_462] {strides = array<i32>} : memref<48x512xf32, #tpu.memory_space<vmem>>, vector<1x16xf32>,
        %get3A_464 = vector.shape_cast %get3A_463 : vector<1x16xf32> to vector<16xf32>
        %mul3A_465 = arith.mulf %broadcast_in_dim3A_355, %get3A_464 : vector<16xf32>
        %add3A_466 = arith.addf %add3A_459, %mul3A_465 : vector<16xf32>
        %get3A_467 = arith.constant 30 : i32
        %get3A_468 = arith.index_cast %get3A_467 : i32 to index
        %get3A_469 = arith.index_cast %mul3A_425 : i32 to index
        %get3A_470 = tpu.vector_load %arg9[%get3A_468, %get3A_469] {strides = array<i32>} : memref<48x512xf32, #tpu.memory_space<vmem>>, vector<1x16xf32>,
        %get3A_471 = vector.shape_cast %get3A_470 : vector<1x16xf32> to vector<16xf32>
        %mul3A_472 = arith.mulf %broadcast_in_dim3A_358, %get3A_471 : vector<16xf32>
        %add3A_473 = arith.addf %add3A_466, %mul3A_472 : vector<16xf32>
        %get3A_474 = arith.constant 31 : i32
        %get3A_475 = arith.index_cast %get3A_474 : i32 to index
        %get3A_476 = arith.index_cast %mul3A_425 : i32 to index
        %get3A_477 = tpu.vector_load %arg9[%get3A_475, %get3A_476] {strides = array<i32>} : memref<48x512xf32, #tpu.memory_space<vmem>>, vector<1x16xf32>,
        %get3A_478 = vector.shape_cast %get3A_477 : vector<1x16xf32> to vector<16xf32>
        %mul3A_479 = arith.mulf %broadcast_in_dim3A_361, %get3A_478 : vector<16xf32>
        %add3A_480 = arith.addf %add3A_473, %mul3A_479 : vector<16xf32>
        %get3A_481 = arith.constant 32 : i32
        %get3A_482 = arith.index_cast %get3A_481 : i32 to index
        %get3A_483 = arith.index_cast %mul3A_425 : i32 to index
        %get3A_484 = tpu.vector_load %arg9[%get3A_482, %get3A_483] {strides = array<i32>} : memref<48x512xf32, #tpu.memory_space<vmem>>, vector<1x16xf32>,
        %get3A_485 = vector.shape_cast %get3A_484 : vector<1x16xf32> to vector<16xf32>
        %mul3A_486 = arith.mulf %broadcast_in_dim3A_364, %get3A_485 : vector<16xf32>
        %add3A_487 = arith.addf %add3A_480, %mul3A_486 : vector<16xf32>
        %get3A_488 = arith.constant 33 : i32
        %get3A_489 = arith.index_cast %get3A_488 : i32 to index
        %get3A_490 = arith.index_cast %mul3A_425 : i32 to index
        %get3A_491 = tpu.vector_load %arg9[%get3A_489, %get3A_490] {strides = array<i32>} : memref<48x512xf32, #tpu.memory_space<vmem>>, vector<1x16xf32>,
        %get3A_492 = vector.shape_cast %get3A_491 : vector<1x16xf32> to vector<16xf32>
        %mul3A_493 = arith.mulf %broadcast_in_dim3A_367, %get3A_492 : vector<16xf32>
        %add3A_494 = arith.addf %add3A_487, %mul3A_493 : vector<16xf32>
        %get3A_495 = arith.constant 34 : i32
        %get3A_496 = arith.index_cast %get3A_495 : i32 to index
        %get3A_497 = arith.index_cast %mul3A_425 : i32 to index
        %get3A_498 = tpu.vector_load %arg9[%get3A_496, %get3A_497] {strides = array<i32>} : memref<48x512xf32, #tpu.memory_space<vmem>>, vector<1x16xf32>,
        %get3A_499 = vector.shape_cast %get3A_498 : vector<1x16xf32> to vector<16xf32>
        %mul3A_500 = arith.mulf %broadcast_in_dim3A_370, %get3A_499 : vector<16xf32>
        %add3A_501 = arith.addf %add3A_494, %mul3A_500 : vector<16xf32>
        %get3A_502 = arith.constant 35 : i32
        %get3A_503 = arith.index_cast %get3A_502 : i32 to index
        %get3A_504 = arith.index_cast %mul3A_425 : i32 to index
        %get3A_505 = tpu.vector_load %arg9[%get3A_503, %get3A_504] {strides = array<i32>} : memref<48x512xf32, #tpu.memory_space<vmem>>, vector<1x16xf32>,
        %get3A_506 = vector.shape_cast %get3A_505 : vector<1x16xf32> to vector<16xf32>
        %mul3A_507 = arith.mulf %broadcast_in_dim3A_373, %get3A_506 : vector<16xf32>
        %add3A_508 = arith.addf %add3A_501, %mul3A_507 : vector<16xf32>
        %get3A_509 = arith.constant 36 : i32
        %get3A_510 = arith.index_cast %get3A_509 : i32 to index
        %get3A_511 = arith.index_cast %mul3A_425 : i32 to index
        %get3A_512 = tpu.vector_load %arg9[%get3A_510, %get3A_511] {strides = array<i32>} : memref<48x512xf32, #tpu.memory_space<vmem>>, vector<1x16xf32>,
        %get3A_513 = vector.shape_cast %get3A_512 : vector<1x16xf32> to vector<16xf32>
        %mul3A_514 = arith.mulf %broadcast_in_dim3A_376, %get3A_513 : vector<16xf32>
        %add3A_515 = arith.addf %add3A_508, %mul3A_514 : vector<16xf32>
        %get3A_516 = arith.constant 37 : i32
        %get3A_517 = arith.index_cast %get3A_516 : i32 to index
        %get3A_518 = arith.index_cast %mul3A_425 : i32 to index
        %get3A_519 = tpu.vector_load %arg9[%get3A_517, %get3A_518] {strides = array<i32>} : memref<48x512xf32, #tpu.memory_space<vmem>>, vector<1x16xf32>,
        %get3A_520 = vector.shape_cast %get3A_519 : vector<1x16xf32> to vector<16xf32>
        %mul3A_521 = arith.mulf %broadcast_in_dim3A_379, %get3A_520 : vector<16xf32>
        %add3A_522 = arith.addf %add3A_515, %mul3A_521 : vector<16xf32>
        %get3A_523 = arith.constant 38 : i32
        %get3A_524 = arith.index_cast %get3A_523 : i32 to index
        %get3A_525 = arith.index_cast %mul3A_425 : i32 to index
        %get3A_526 = tpu.vector_load %arg9[%get3A_524, %get3A_525] {strides = array<i32>} : memref<48x512xf32, #tpu.memory_space<vmem>>, vector<1x16xf32>,
        %get3A_527 = vector.shape_cast %get3A_526 : vector<1x16xf32> to vector<16xf32>
        %mul3A_528 = arith.mulf %broadcast_in_dim3A_382, %get3A_527 : vector<16xf32>
        %add3A_529 = arith.addf %add3A_522, %mul3A_528 : vector<16xf32>
        %get3A_530 = arith.constant 39 : i32
        %get3A_531 = arith.index_cast %get3A_530 : i32 to index
        %get3A_532 = arith.index_cast %mul3A_425 : i32 to index
        %get3A_533 = tpu.vector_load %arg9[%get3A_531, %get3A_532] {strides = array<i32>} : memref<48x512xf32, #tpu.memory_space<vmem>>, vector<1x16xf32>,
        %get3A_534 = vector.shape_cast %get3A_533 : vector<1x16xf32> to vector<16xf32>
        %mul3A_535 = arith.mulf %broadcast_in_dim3A_385, %get3A_534 : vector<16xf32>
        %add3A_536 = arith.addf %add3A_529, %mul3A_535 : vector<16xf32>
        %get3A_537 = arith.constant 40 : i32
        %get3A_538 = arith.index_cast %get3A_537 : i32 to index
        %get3A_539 = arith.index_cast %mul3A_425 : i32 to index
        %get3A_540 = tpu.vector_load %arg9[%get3A_538, %get3A_539] {strides = array<i32>} : memref<48x512xf32, #tpu.memory_space<vmem>>, vector<1x16xf32>,
        %get3A_541 = vector.shape_cast %get3A_540 : vector<1x16xf32> to vector<16xf32>
        %mul3A_542 = arith.mulf %broadcast_in_dim3A_388, %get3A_541 : vector<16xf32>
        %add3A_543 = arith.addf %add3A_536, %mul3A_542 : vector<16xf32>
        %get3A_544 = arith.constant 41 : i32
        %get3A_545 = arith.index_cast %get3A_544 : i32 to index
        %get3A_546 = arith.index_cast %mul3A_425 : i32 to index
        %get3A_547 = tpu.vector_load %arg9[%get3A_545, %get3A_546] {strides = array<i32>} : memref<48x512xf32, #tpu.memory_space<vmem>>, vector<1x16xf32>,
        %get3A_548 = vector.shape_cast %get3A_547 : vector<1x16xf32> to vector<16xf32>
        %mul3A_549 = arith.mulf %broadcast_in_dim3A_391, %get3A_548 : vector<16xf32>
        %add3A_550 = arith.addf %add3A_543, %mul3A_549 : vector<16xf32>
        %get3A_551 = arith.constant 42 : i32
        %get3A_552 = arith.index_cast %get3A_551 : i32 to index
        %get3A_553 = arith.index_cast %mul3A_425 : i32 to index
        %get3A_554 = tpu.vector_load %arg9[%get3A_552, %get3A_553] {strides = array<i32>} : memref<48x512xf32, #tpu.memory_space<vmem>>, vector<1x16xf32>,
        %get3A_555 = vector.shape_cast %get3A_554 : vector<1x16xf32> to vector<16xf32>
        %mul3A_556 = arith.mulf %broadcast_in_dim3A_394, %get3A_555 : vector<16xf32>
        %add3A_557 = arith.addf %add3A_550, %mul3A_556 : vector<16xf32>
        %get3A_558 = arith.constant 43 : i32
        %get3A_559 = arith.index_cast %get3A_558 : i32 to index
        %get3A_560 = arith.index_cast %mul3A_425 : i32 to index
        %get3A_561 = tpu.vector_load %arg9[%get3A_559, %get3A_560] {strides = array<i32>} : memref<48x512xf32, #tpu.memory_space<vmem>>, vector<1x16xf32>,
        %get3A_562 = vector.shape_cast %get3A_561 : vector<1x16xf32> to vector<16xf32>
        %mul3A_563 = arith.mulf %broadcast_in_dim3A_397, %get3A_562 : vector<16xf32>
        %add3A_564 = arith.addf %add3A_557, %mul3A_563 : vector<16xf32>
        %get3A_565 = arith.constant 44 : i32
        %get3A_566 = arith.index_cast %get3A_565 : i32 to index
        %get3A_567 = arith.index_cast %mul3A_425 : i32 to index
        %get3A_568 = tpu.vector_load %arg9[%get3A_566, %get3A_567] {strides = array<i32>} : memref<48x512xf32, #tpu.memory_space<vmem>>, vector<1x16xf32>,
        %get3A_569 = vector.shape_cast %get3A_568 : vector<1x16xf32> to vector<16xf32>
        %mul3A_570 = arith.mulf %broadcast_in_dim3A_400, %get3A_569 : vector<16xf32>
        %add3A_571 = arith.addf %add3A_564, %mul3A_570 : vector<16xf32>
        %get3A_572 = arith.constant 45 : i32
        %get3A_573 = arith.index_cast %get3A_572 : i32 to index
        %get3A_574 = arith.index_cast %mul3A_425 : i32 to index
        %get3A_575 = tpu.vector_load %arg9[%get3A_573, %get3A_574] {strides = array<i32>} : memref<48x512xf32, #tpu.memory_space<vmem>>, vector<1x16xf32>,
        %get3A_576 = vector.shape_cast %get3A_575 : vector<1x16xf32> to vector<16xf32>
        %mul3A_577 = arith.mulf %broadcast_in_dim3A_403, %get3A_576 : vector<16xf32>
        %add3A_578 = arith.addf %add3A_571, %mul3A_577 : vector<16xf32>
        %get3A_579 = arith.constant 46 : i32
        %get3A_580 = arith.index_cast %get3A_579 : i32 to index
        %get3A_581 = arith.index_cast %mul3A_425 : i32 to index
        %get3A_582 = tpu.vector_load %arg9[%get3A_580, %get3A_581] {strides = array<i32>} : memref<48x512xf32, #tpu.memory_space<vmem>>, vector<1x16xf32>,
        %get3A_583 = vector.shape_cast %get3A_582 : vector<1x16xf32> to vector<16xf32>
        %mul3A_584 = arith.mulf %broadcast_in_dim3A_406, %get3A_583 : vector<16xf32>
        %add3A_585 = arith.addf %add3A_578, %mul3A_584 : vector<16xf32>
        %get3A_586 = arith.constant 47 : i32
        %get3A_587 = arith.index_cast %get3A_586 : i32 to index
        %get3A_588 = arith.index_cast %mul3A_425 : i32 to index
        %get3A_589 = tpu.vector_load %arg9[%get3A_587, %get3A_588] {strides = array<i32>} : memref<48x512xf32, #tpu.memory_space<vmem>>, vector<1x16xf32>,
        %get3A_590 = vector.shape_cast %get3A_589 : vector<1x16xf32> to vector<16xf32>
        %mul3A_591 = arith.mulf %broadcast_in_dim3A_409, %get3A_590 : vector<16xf32>
        %add3A_592 = arith.addf %add3A_585, %mul3A_591 : vector<16xf32>
        %swap3A = arith.constant 1 : i32
        %swap3A_593 = arith.index_cast %swap3A : i32 to index
        %swap3A_594 = arith.index_cast %mul3A_425 : i32 to index
        %swap3A_595 = tpu.vector_load %arg11[%swap3A_593, %swap3A_594] {strides = array<i32>} : memref<2x512xf32, #tpu.memory_space<vmem>>, vector<1x16xf32>,
        %swap3A_596 = vector.shape_cast %swap3A_595 : vector<1x16xf32> to vector<16xf32>
        %swap3A_597 = vector.shape_cast %add3A_592 : vector<16xf32> to vector<1x16xf32>
        tpu.vector_store %arg11[%swap3A_593, %swap3A_594], %swap3A_597 {strides = array<i32>} : memref<2x512xf32, #tpu.memory_space<vmem>>, vector<1x16xf32>,
        %scan3A_598 = arith.constant 1 : i32
        %scan3A_599 = arith.addi %scan3A_423, %scan3A_598 : i32
        %mul3A_600 = arith.constant 16 : i32
        %mul3A_601 = arith.muli %scan3A_599, %mul3A_600 : i32
        %get3A_602 = arith.constant 24 : i32
        %get3A_603 = arith.index_cast %get3A_602 : i32 to index
        %get3A_604 = arith.index_cast %mul3A_601 : i32 to index
        %get3A_605 = tpu.vector_load %arg9[%get3A_603, %get3A_604] {strides = array<i32>} : memref<48x512xf32, #tpu.memory_space<vmem>>, vector<1x16xf32>,
        %get3A_606 = vector.shape_cast %get3A_605 : vector<1x16xf32> to vector<16xf32>
        %mul3A_607 = arith.mulf %broadcast_in_dim3A_340, %get3A_606 : vector<16xf32>
        %get3A_608 = arith.constant 25 : i32
        %get3A_609 = arith.index_cast %get3A_608 : i32 to index
        %get3A_610 = arith.index_cast %mul3A_601 : i32 to index
        %get3A_611 = tpu.vector_load %arg9[%get3A_609, %get3A_610] {strides = array<i32>} : memref<48x512xf32, #tpu.memory_space<vmem>>, vector<1x16xf32>,
        %get3A_612 = vector.shape_cast %get3A_611 : vector<1x16xf32> to vector<16xf32>
        %mul3A_613 = arith.mulf %broadcast_in_dim3A_343, %get3A_612 : vector<16xf32>
        %add3A_614 = arith.addf %mul3A_607, %mul3A_613 : vector<16xf32>
        %get3A_615 = arith.constant 26 : i32
        %get3A_616 = arith.index_cast %get3A_615 : i32 to index
        %get3A_617 = arith.index_cast %mul3A_601 : i32 to index
        %get3A_618 = tpu.vector_load %arg9[%get3A_616, %get3A_617] {strides = array<i32>} : memref<48x512xf32, #tpu.memory_space<vmem>>, vector<1x16xf32>,
        %get3A_619 = vector.shape_cast %get3A_618 : vector<1x16xf32> to vector<16xf32>
        %mul3A_620 = arith.mulf %broadcast_in_dim3A_346, %get3A_619 : vector<16xf32>
        %add3A_621 = arith.addf %add3A_614, %mul3A_620 : vector<16xf32>
        %get3A_622 = arith.constant 27 : i32
        %get3A_623 = arith.index_cast %get3A_622 : i32 to index
        %get3A_624 = arith.index_cast %mul3A_601 : i32 to index
        %get3A_625 = tpu.vector_load %arg9[%get3A_623, %get3A_624] {strides = array<i32>} : memref<48x512xf32, #tpu.memory_space<vmem>>, vector<1x16xf32>,
        %get3A_626 = vector.shape_cast %get3A_625 : vector<1x16xf32> to vector<16xf32>
        %mul3A_627 = arith.mulf %broadcast_in_dim3A_349, %get3A_626 : vector<16xf32>
        %add3A_628 = arith.addf %add3A_621, %mul3A_627 : vector<16xf32>
        %get3A_629 = arith.constant 28 : i32
        %get3A_630 = arith.index_cast %get3A_629 : i32 to index
        %get3A_631 = arith.index_cast %mul3A_601 : i32 to index
        %get3A_632 = tpu.vector_load %arg9[%get3A_630, %get3A_631] {strides = array<i32>} : memref<48x512xf32, #tpu.memory_space<vmem>>, vector<1x16xf32>,
        %get3A_633 = vector.shape_cast %get3A_632 : vector<1x16xf32> to vector<16xf32>
        %mul3A_634 = arith.mulf %broadcast_in_dim3A_352, %get3A_633 : vector<16xf32>
        %add3A_635 = arith.addf %add3A_628, %mul3A_634 : vector<16xf32>
        %get3A_636 = arith.constant 29 : i32
        %get3A_637 = arith.index_cast %get3A_636 : i32 to index
        %get3A_638 = arith.index_cast %mul3A_601 : i32 to index
        %get3A_639 = tpu.vector_load %arg9[%get3A_637, %get3A_638] {strides = array<i32>} : memref<48x512xf32, #tpu.memory_space<vmem>>, vector<1x16xf32>,
        %get3A_640 = vector.shape_cast %get3A_639 : vector<1x16xf32> to vector<16xf32>
        %mul3A_641 = arith.mulf %broadcast_in_dim3A_355, %get3A_640 : vector<16xf32>
        %add3A_642 = arith.addf %add3A_635, %mul3A_641 : vector<16xf32>
        %get3A_643 = arith.constant 30 : i32
        %get3A_644 = arith.index_cast %get3A_643 : i32 to index
        %get3A_645 = arith.index_cast %mul3A_601 : i32 to index
        %get3A_646 = tpu.vector_load %arg9[%get3A_644, %get3A_645] {strides = array<i32>} : memref<48x512xf32, #tpu.memory_space<vmem>>, vector<1x16xf32>,
        %get3A_647 = vector.shape_cast %get3A_646 : vector<1x16xf32> to vector<16xf32>
        %mul3A_648 = arith.mulf %broadcast_in_dim3A_358, %get3A_647 : vector<16xf32>
        %add3A_649 = arith.addf %add3A_642, %mul3A_648 : vector<16xf32>
        %get3A_650 = arith.constant 31 : i32
        %get3A_651 = arith.index_cast %get3A_650 : i32 to index
        %get3A_652 = arith.index_cast %mul3A_601 : i32 to index
        %get3A_653 = tpu.vector_load %arg9[%get3A_651, %get3A_652] {strides = array<i32>} : memref<48x512xf32, #tpu.memory_space<vmem>>, vector<1x16xf32>,
        %get3A_654 = vector.shape_cast %get3A_653 : vector<1x16xf32> to vector<16xf32>
        %mul3A_655 = arith.mulf %broadcast_in_dim3A_361, %get3A_654 : vector<16xf32>
        %add3A_656 = arith.addf %add3A_649, %mul3A_655 : vector<16xf32>
        %get3A_657 = arith.constant 32 : i32
        %get3A_658 = arith.index_cast %get3A_657 : i32 to index
        %get3A_659 = arith.index_cast %mul3A_601 : i32 to index
        %get3A_660 = tpu.vector_load %arg9[%get3A_658, %get3A_659] {strides = array<i32>} : memref<48x512xf32, #tpu.memory_space<vmem>>, vector<1x16xf32>,
        %get3A_661 = vector.shape_cast %get3A_660 : vector<1x16xf32> to vector<16xf32>
        %mul3A_662 = arith.mulf %broadcast_in_dim3A_364, %get3A_661 : vector<16xf32>
        %add3A_663 = arith.addf %add3A_656, %mul3A_662 : vector<16xf32>
        %get3A_664 = arith.constant 33 : i32
        %get3A_665 = arith.index_cast %get3A_664 : i32 to index
        %get3A_666 = arith.index_cast %mul3A_601 : i32 to index
        %get3A_667 = tpu.vector_load %arg9[%get3A_665, %get3A_666] {strides = array<i32>} : memref<48x512xf32, #tpu.memory_space<vmem>>, vector<1x16xf32>,
        %get3A_668 = vector.shape_cast %get3A_667 : vector<1x16xf32> to vector<16xf32>
        %mul3A_669 = arith.mulf %broadcast_in_dim3A_367, %get3A_668 : vector<16xf32>
        %add3A_670 = arith.addf %add3A_663, %mul3A_669 : vector<16xf32>
        %get3A_671 = arith.constant 34 : i32
        %get3A_672 = arith.index_cast %get3A_671 : i32 to index
        %get3A_673 = arith.index_cast %mul3A_601 : i32 to index
        %get3A_674 = tpu.vector_load %arg9[%get3A_672, %get3A_673] {strides = array<i32>} : memref<48x512xf32, #tpu.memory_space<vmem>>, vector<1x16xf32>,
        %get3A_675 = vector.shape_cast %get3A_674 : vector<1x16xf32> to vector<16xf32>
        %mul3A_676 = arith.mulf %broadcast_in_dim3A_370, %get3A_675 : vector<16xf32>
        %add3A_677 = arith.addf %add3A_670, %mul3A_676 : vector<16xf32>
        %get3A_678 = arith.constant 35 : i32
        %get3A_679 = arith.index_cast %get3A_678 : i32 to index
        %get3A_680 = arith.index_cast %mul3A_601 : i32 to index
        %get3A_681 = tpu.vector_load %arg9[%get3A_679, %get3A_680] {strides = array<i32>} : memref<48x512xf32, #tpu.memory_space<vmem>>, vector<1x16xf32>,
        %get3A_682 = vector.shape_cast %get3A_681 : vector<1x16xf32> to vector<16xf32>
        %mul3A_683 = arith.mulf %broadcast_in_dim3A_373, %get3A_682 : vector<16xf32>
        %add3A_684 = arith.addf %add3A_677, %mul3A_683 : vector<16xf32>
        %get3A_685 = arith.constant 36 : i32
        %get3A_686 = arith.index_cast %get3A_685 : i32 to index
        %get3A_687 = arith.index_cast %mul3A_601 : i32 to index
        %get3A_688 = tpu.vector_load %arg9[%get3A_686, %get3A_687] {strides = array<i32>} : memref<48x512xf32, #tpu.memory_space<vmem>>, vector<1x16xf32>,
        %get3A_689 = vector.shape_cast %get3A_688 : vector<1x16xf32> to vector<16xf32>
        %mul3A_690 = arith.mulf %broadcast_in_dim3A_376, %get3A_689 : vector<16xf32>
        %add3A_691 = arith.addf %add3A_684, %mul3A_690 : vector<16xf32>
        %get3A_692 = arith.constant 37 : i32
        %get3A_693 = arith.index_cast %get3A_692 : i32 to index
        %get3A_694 = arith.index_cast %mul3A_601 : i32 to index
        %get3A_695 = tpu.vector_load %arg9[%get3A_693, %get3A_694] {strides = array<i32>} : memref<48x512xf32, #tpu.memory_space<vmem>>, vector<1x16xf32>,
        %get3A_696 = vector.shape_cast %get3A_695 : vector<1x16xf32> to vector<16xf32>
        %mul3A_697 = arith.mulf %broadcast_in_dim3A_379, %get3A_696 : vector<16xf32>
        %add3A_698 = arith.addf %add3A_691, %mul3A_697 : vector<16xf32>
        %get3A_699 = arith.constant 38 : i32
        %get3A_700 = arith.index_cast %get3A_699 : i32 to index
        %get3A_701 = arith.index_cast %mul3A_601 : i32 to index
        %get3A_702 = tpu.vector_load %arg9[%get3A_700, %get3A_701] {strides = array<i32>} : memref<48x512xf32, #tpu.memory_space<vmem>>, vector<1x16xf32>,
        %get3A_703 = vector.shape_cast %get3A_702 : vector<1x16xf32> to vector<16xf32>
        %mul3A_704 = arith.mulf %broadcast_in_dim3A_382, %get3A_703 : vector<16xf32>
        %add3A_705 = arith.addf %add3A_698, %mul3A_704 : vector<16xf32>
        %get3A_706 = arith.constant 39 : i32
        %get3A_707 = arith.index_cast %get3A_706 : i32 to index
        %get3A_708 = arith.index_cast %mul3A_601 : i32 to index
        %get3A_709 = tpu.vector_load %arg9[%get3A_707, %get3A_708] {strides = array<i32>} : memref<48x512xf32, #tpu.memory_space<vmem>>, vector<1x16xf32>,
        %get3A_710 = vector.shape_cast %get3A_709 : vector<1x16xf32> to vector<16xf32>
        %mul3A_711 = arith.mulf %broadcast_in_dim3A_385, %get3A_710 : vector<16xf32>
        %add3A_712 = arith.addf %add3A_705, %mul3A_711 : vector<16xf32>
        %get3A_713 = arith.constant 40 : i32
        %get3A_714 = arith.index_cast %get3A_713 : i32 to index
        %get3A_715 = arith.index_cast %mul3A_601 : i32 to index
        %get3A_716 = tpu.vector_load %arg9[%get3A_714, %get3A_715] {strides = array<i32>} : memref<48x512xf32, #tpu.memory_space<vmem>>, vector<1x16xf32>,
        %get3A_717 = vector.shape_cast %get3A_716 : vector<1x16xf32> to vector<16xf32>
        %mul3A_718 = arith.mulf %broadcast_in_dim3A_388, %get3A_717 : vector<16xf32>
        %add3A_719 = arith.addf %add3A_712, %mul3A_718 : vector<16xf32>
        %get3A_720 = arith.constant 41 : i32
        %get3A_721 = arith.index_cast %get3A_720 : i32 to index
        %get3A_722 = arith.index_cast %mul3A_601 : i32 to index
        %get3A_723 = tpu.vector_load %arg9[%get3A_721, %get3A_722] {strides = array<i32>} : memref<48x512xf32, #tpu.memory_space<vmem>>, vector<1x16xf32>,
        %get3A_724 = vector.shape_cast %get3A_723 : vector<1x16xf32> to vector<16xf32>
        %mul3A_725 = arith.mulf %broadcast_in_dim3A_391, %get3A_724 : vector<16xf32>
        %add3A_726 = arith.addf %add3A_719, %mul3A_725 : vector<16xf32>
        %get3A_727 = arith.constant 42 : i32
        %get3A_728 = arith.index_cast %get3A_727 : i32 to index
        %get3A_729 = arith.index_cast %mul3A_601 : i32 to index
        %get3A_730 = tpu.vector_load %arg9[%get3A_728, %get3A_729] {strides = array<i32>} : memref<48x512xf32, #tpu.memory_space<vmem>>, vector<1x16xf32>,
        %get3A_731 = vector.shape_cast %get3A_730 : vector<1x16xf32> to vector<16xf32>
        %mul3A_732 = arith.mulf %broadcast_in_dim3A_394, %get3A_731 : vector<16xf32>
        %add3A_733 = arith.addf %add3A_726, %mul3A_732 : vector<16xf32>
        %get3A_734 = arith.constant 43 : i32
        %get3A_735 = arith.index_cast %get3A_734 : i32 to index
        %get3A_736 = arith.index_cast %mul3A_601 : i32 to index
        %get3A_737 = tpu.vector_load %arg9[%get3A_735, %get3A_736] {strides = array<i32>} : memref<48x512xf32, #tpu.memory_space<vmem>>, vector<1x16xf32>,
        %get3A_738 = vector.shape_cast %get3A_737 : vector<1x16xf32> to vector<16xf32>
        %mul3A_739 = arith.mulf %broadcast_in_dim3A_397, %get3A_738 : vector<16xf32>
        %add3A_740 = arith.addf %add3A_733, %mul3A_739 : vector<16xf32>
        %get3A_741 = arith.constant 44 : i32
        %get3A_742 = arith.index_cast %get3A_741 : i32 to index
        %get3A_743 = arith.index_cast %mul3A_601 : i32 to index
        %get3A_744 = tpu.vector_load %arg9[%get3A_742, %get3A_743] {strides = array<i32>} : memref<48x512xf32, #tpu.memory_space<vmem>>, vector<1x16xf32>,
        %get3A_745 = vector.shape_cast %get3A_744 : vector<1x16xf32> to vector<16xf32>
        %mul3A_746 = arith.mulf %broadcast_in_dim3A_400, %get3A_745 : vector<16xf32>
        %add3A_747 = arith.addf %add3A_740, %mul3A_746 : vector<16xf32>
        %get3A_748 = arith.constant 45 : i32
        %get3A_749 = arith.index_cast %get3A_748 : i32 to index
        %get3A_750 = arith.index_cast %mul3A_601 : i32 to index
        %get3A_751 = tpu.vector_load %arg9[%get3A_749, %get3A_750] {strides = array<i32>} : memref<48x512xf32, #tpu.memory_space<vmem>>, vector<1x16xf32>,
        %get3A_752 = vector.shape_cast %get3A_751 : vector<1x16xf32> to vector<16xf32>
        %mul3A_753 = arith.mulf %broadcast_in_dim3A_403, %get3A_752 : vector<16xf32>
        %add3A_754 = arith.addf %add3A_747, %mul3A_753 : vector<16xf32>
        %get3A_755 = arith.constant 46 : i32
        %get3A_756 = arith.index_cast %get3A_755 : i32 to index
        %get3A_757 = arith.index_cast %mul3A_601 : i32 to index
        %get3A_758 = tpu.vector_load %arg9[%get3A_756, %get3A_757] {strides = array<i32>} : memref<48x512xf32, #tpu.memory_space<vmem>>, vector<1x16xf32>,
        %get3A_759 = vector.shape_cast %get3A_758 : vector<1x16xf32> to vector<16xf32>
        %mul3A_760 = arith.mulf %broadcast_in_dim3A_406, %get3A_759 : vector<16xf32>
        %add3A_761 = arith.addf %add3A_754, %mul3A_760 : vector<16xf32>
        %get3A_762 = arith.constant 47 : i32
        %get3A_763 = arith.index_cast %get3A_762 : i32 to index
        %get3A_764 = arith.index_cast %mul3A_601 : i32 to index
        %get3A_765 = tpu.vector_load %arg9[%get3A_763, %get3A_764] {strides = array<i32>} : memref<48x512xf32, #tpu.memory_space<vmem>>, vector<1x16xf32>,
        %get3A_766 = vector.shape_cast %get3A_765 : vector<1x16xf32> to vector<16xf32>
        %mul3A_767 = arith.mulf %broadcast_in_dim3A_409, %get3A_766 : vector<16xf32>
        %add3A_768 = arith.addf %add3A_761, %mul3A_767 : vector<16xf32>
        %swap3A_769 = arith.constant 1 : i32
        %swap3A_770 = arith.index_cast %swap3A_769 : i32 to index
        %swap3A_771 = arith.index_cast %mul3A_601 : i32 to index
        %swap3A_772 = tpu.vector_load %arg11[%swap3A_770, %swap3A_771] {strides = array<i32>} : memref<2x512xf32, #tpu.memory_space<vmem>>, vector<1x16xf32>,
        %swap3A_773 = vector.shape_cast %swap3A_772 : vector<1x16xf32> to vector<16xf32>
        %swap3A_774 = vector.shape_cast %add3A_768 : vector<16xf32> to vector<1x16xf32>
        tpu.vector_store %arg11[%swap3A_770, %swap3A_771], %swap3A_774 {strides = array<i32>} : memref<2x512xf32, #tpu.memory_space<vmem>>, vector<1x16xf32>,
      }
      %scan3A_415 = arith.constant 32 : i32
      %mul3A_416 = arith.constant 2 : i32
      %mul3A_417 = arith.muli %add3A_27, %mul3A_416 : i32
      %add3A_418 = arith.addi %mul3A_2, %mul3A_417 : i32
      %dma_start3A_419 = arith.constant 0 : i32
      %dma_start3A_420 = tpu.memref_slice %arg5[%add3A_418, %dma_start3A_419] : memref<16384x512xf32, #tpu.memory_space<hbm>> -> memref<2x512xf32, #tpu.memory_space<hbm>>
      %dma_start3A_421 = arith.constant 0 : i32
      %dma_start3A_422 = tpu.memref_slice %arg5[%add3A_418, %dma_start3A_421] : memref<16384x512xf32, #tpu.memory_space<hbm>> -> memref<2x512xf32, #tpu.memory_space<hbm>>
      tpu.enqueue_dma source(%arg11 : memref<2x512xf32, #tpu.memory_space<vmem>>) target(%dma_start3A_422 : memref<2x512xf32, #tpu.memory_space<hbm>>) target_semaphore(%arg15 : memref<!tpu.dma_semaphore, #tpu.memory_space<semaphore_mem>>)
    }
    %scan3A_11 = arith.constant 128 : i32
    %add3A_12 = arith.constant 508 : i32
    %add3A_13 = arith.addi %mul3A_2, %add3A_12 : i32
    %dma_wait3A = arith.constant 0 : i32
    %dma_wait3A_14 = tpu.memref_slice %arg5[%add3A_13, %dma_wait3A] : memref<16384x512xf32, #tpu.memory_space<hbm>> -> memref<2x512xf32, #tpu.memory_space<hbm>>
    %dma_wait3A_15 = arith.constant 0 : i32
    %dma_wait3A_16 = tpu.memref_slice %arg5[%add3A_13, %dma_wait3A_15] : memref<16384x512xf32, #tpu.memory_space<hbm>> -> memref<2x512xf32, #tpu.memory_space<hbm>>
    tpu.wait_dma2 semaphore(%arg14 : memref<!tpu.dma_semaphore, #tpu.memory_space<semaphore_mem>>) src(%arg10 : memref<2x512xf32, #tpu.memory_space<vmem>>) dst(%dma_wait3A_16 : memref<2x512xf32, #tpu.memory_space<hbm>>)
    %add3A_17 = arith.constant 510 : i32
    %add3A_18 = arith.addi %mul3A_2, %add3A_17 : i32
    %dma_wait3A_19 = arith.constant 0 : i32
    %dma_wait3A_20 = tpu.memref_slice %arg5[%add3A_18, %dma_wait3A_19] : memref<16384x512xf32, #tpu.memory_space<hbm>> -> memref<2x512xf32, #tpu.memory_space<hbm>>
    %dma_wait3A_21 = arith.constant 0 : i32
    %dma_wait3A_22 = tpu.memref_slice %arg5[%add3A_18, %dma_wait3A_21] : memref<16384x512xf32, #tpu.memory_space<hbm>> -> memref<2x512xf32, #tpu.memory_space<hbm>>
    tpu.wait_dma2 semaphore(%arg15 : memref<!tpu.dma_semaphore, #tpu.memory_space<semaphore_mem>>) src(%arg11 : memref<2x512xf32, #tpu.memory_space<vmem>>) dst(%dma_wait3A_22 : memref<2x512xf32, #tpu.memory_space<hbm>>)
    return
  }
}

module attributes {stable_mosaic.version = 14 : i64} {
  func.func @_proj_body(%arg0: i32, %arg1: memref<640x256xf32, #tpu.memory_space<vmem>>, %arg2: memref<256x128xf32, #tpu.memory_space<vmem>>, %arg3: memref<1x128xf32, #tpu.memory_space<vmem>>, %arg4: memref<640x128xf32, #tpu.memory_space<vmem>>) attributes {dimension_semantics = [#tpu.dimension_semantics<arbitrary>], iteration_bounds = array<i64: 27>, scalar_prefetch = 0 : i64, scratch_operands = 0 : i64, tpu.core_type = #tpu.core_type<tc>, window_params = [{transform_indices = @transform_0, window_bounds = array<i64: 640, 256>}, {pipeline_mode = #tpu.pipeline_mode<synchronous>, transform_indices = @transform_1, window_bounds = array<i64: 256, 128>}, {pipeline_mode = #tpu.pipeline_mode<synchronous>, transform_indices = @transform_2, window_bounds = array<i64: 1, 128>}, {transform_indices = @transform_3, window_bounds = array<i64: 640, 128>}]} {
    %get3A = arith.constant 0 : index
    %get3A_0 = arith.constant 0 : index
    %get3A_1 = vector.load %arg1[%get3A, %get3A_0] : memref<640x256xf32, #tpu.memory_space<vmem>>, vector<640x256xf32>
    %get3A_2 = arith.constant 0 : index
    %get3A_3 = arith.constant 0 : index
    %get3A_4 = vector.load %arg2[%get3A_2, %get3A_3] : memref<256x128xf32, #tpu.memory_space<vmem>>, vector<256x128xf32>
    %dot_general3A = arith.constant dense<0.000000e+00> : vector<640x128xf32>
    %dot_general3A_5 = tpu.matmul %get3A_1, %get3A_4, %dot_general3A {dimension_numbers = #tpu.dot_dimension_numbers<[1], [0], [0], [1], [0, 0, 1, 1], [], []>, transpose_lhs_hint = false} : vector<640x256xf32>, vector<256x128xf32>, vector<640x128xf32> -> vector<640x128xf32>
    %get3A_6 = arith.constant 0 : index
    %get3A_7 = arith.constant 0 : index
    %get3A_8 = vector.load %arg3[%get3A_6, %get3A_7] : memref<1x128xf32, #tpu.memory_space<vmem>>, vector<1x128xf32>
    %add3A = vector.broadcast %get3A_8 : vector<1x128xf32> to vector<640x128xf32>
    %add3A_9 = arith.addf %dot_general3A_5, %add3A : vector<640x128xf32>
    %swap3A = arith.constant 0 : index
    %swap3A_10 = arith.constant 0 : index
    %swap3A_11 = vector.load %arg4[%swap3A, %swap3A_10] : memref<640x128xf32, #tpu.memory_space<vmem>>, vector<640x128xf32>
    tpu.vector_store %arg4[%swap3A, %swap3A_10], %add3A_9 {strides = array<i32>} : memref<640x128xf32, #tpu.memory_space<vmem>>, vector<640x128xf32>,
    return
  }
  func.func @transform_0(%arg0: i32) -> (i32, i32) {
    %c0_i32 = arith.constant 0 : i32
    %c0_i32_0 = arith.constant 0 : i32
    return %arg0, %c0_i32 : i32, i32
  }
  func.func @transform_1(%arg0: i32) -> (i32, i32) {
    %c0_i32 = arith.constant 0 : i32
    %c0_i32_0 = arith.constant 0 : i32
    %c0_i32_1 = arith.constant 0 : i32
    return %c0_i32, %c0_i32_0 : i32, i32
  }
  func.func @transform_2(%arg0: i32) -> (i32, i32) {
    %c0_i32 = arith.constant 0 : i32
    %c0_i32_0 = arith.constant 0 : i32
    %c0_i32_1 = arith.constant 0 : i32
    return %c0_i32, %c0_i32_0 : i32, i32
  }
  func.func @transform_3(%arg0: i32) -> (i32, i32) {
    %c0_i32 = arith.constant 0 : i32
    %c0_i32_0 = arith.constant 0 : i32
    return %arg0, %c0_i32 : i32, i32
  }
}

module attributes {stable_mosaic.version = 14 : i64} {
  func.func @_proj_body(%arg0: i32, %arg1: memref<640x128xf32, #tpu.memory_space<vmem>>, %arg2: memref<128x128xf32, #tpu.memory_space<vmem>>, %arg3: memref<1x128xf32, #tpu.memory_space<vmem>>, %arg4: memref<640x128xf32, #tpu.memory_space<vmem>>) attributes {dimension_semantics = [#tpu.dimension_semantics<arbitrary>], iteration_bounds = array<i64: 54>, scalar_prefetch = 0 : i64, scratch_operands = 0 : i64, tpu.core_type = #tpu.core_type<tc>, window_params = [{transform_indices = @transform_0, window_bounds = array<i64: 640, 128>}, {pipeline_mode = #tpu.pipeline_mode<synchronous>, transform_indices = @transform_1, window_bounds = array<i64: 128, 128>}, {pipeline_mode = #tpu.pipeline_mode<synchronous>, transform_indices = @transform_2, window_bounds = array<i64: 1, 128>}, {transform_indices = @transform_3, window_bounds = array<i64: 640, 128>}]} {
    %get3A = arith.constant 0 : index
    %get3A_0 = arith.constant 0 : index
    %get3A_1 = vector.load %arg1[%get3A, %get3A_0] : memref<640x128xf32, #tpu.memory_space<vmem>>, vector<640x128xf32>
    %get3A_2 = arith.constant 0 : index
    %get3A_3 = arith.constant 0 : index
    %get3A_4 = vector.load %arg2[%get3A_2, %get3A_3] : memref<128x128xf32, #tpu.memory_space<vmem>>, vector<128x128xf32>
    %dot_general3A = arith.constant dense<0.000000e+00> : vector<640x128xf32>
    %dot_general3A_5 = tpu.matmul %get3A_1, %get3A_4, %dot_general3A {dimension_numbers = #tpu.dot_dimension_numbers<[1], [0], [0], [1], [0, 0, 1, 1], [], []>, transpose_lhs_hint = false} : vector<640x128xf32>, vector<128x128xf32>, vector<640x128xf32> -> vector<640x128xf32>
    %get3A_6 = arith.constant 0 : index
    %get3A_7 = arith.constant 0 : index
    %get3A_8 = vector.load %arg3[%get3A_6, %get3A_7] : memref<1x128xf32, #tpu.memory_space<vmem>>, vector<1x128xf32>
    %add3A = vector.broadcast %get3A_8 : vector<1x128xf32> to vector<640x128xf32>
    %add3A_9 = arith.addf %dot_general3A_5, %add3A : vector<640x128xf32>
    %swap3A = arith.constant 0 : index
    %swap3A_10 = arith.constant 0 : index
    %swap3A_11 = vector.load %arg4[%swap3A, %swap3A_10] : memref<640x128xf32, #tpu.memory_space<vmem>>, vector<640x128xf32>
    tpu.vector_store %arg4[%swap3A, %swap3A_10], %add3A_9 {strides = array<i32>} : memref<640x128xf32, #tpu.memory_space<vmem>>, vector<640x128xf32>,
    return
  }
  func.func @transform_0(%arg0: i32) -> (i32, i32) {
    %c0_i32 = arith.constant 0 : i32
    %c0_i32_0 = arith.constant 0 : i32
    return %arg0, %c0_i32 : i32, i32
  }
  func.func @transform_1(%arg0: i32) -> (i32, i32) {
    %c0_i32 = arith.constant 0 : i32
    %c0_i32_0 = arith.constant 0 : i32
    %c0_i32_1 = arith.constant 0 : i32
    return %c0_i32, %c0_i32_0 : i32, i32
  }
  func.func @transform_2(%arg0: i32) -> (i32, i32) {
    %c0_i32 = arith.constant 0 : i32
    %c0_i32_0 = arith.constant 0 : i32
    %c0_i32_1 = arith.constant 0 : i32
    return %c0_i32, %c0_i32_0 : i32, i32
  }
  func.func @transform_3(%arg0: i32) -> (i32, i32) {
    %c0_i32 = arith.constant 0 : i32
    %c0_i32_0 = arith.constant 0 : i32
    return %arg0, %c0_i32 : i32, i32
  }
}

module attributes {stable_mosaic.version = 14 : i64} {
  func.func @_proj_body(%arg0: i32, %arg1: memref<640x64xf32, #tpu.memory_space<vmem>>, %arg2: memref<64x128xf32, #tpu.memory_space<vmem>>, %arg3: memref<1x128xf32, #tpu.memory_space<vmem>>, %arg4: memref<640x128xf32, #tpu.memory_space<vmem>>) attributes {dimension_semantics = [#tpu.dimension_semantics<arbitrary>], iteration_bounds = array<i64: 108>, scalar_prefetch = 0 : i64, scratch_operands = 0 : i64, tpu.core_type = #tpu.core_type<tc>, window_params = [{transform_indices = @transform_0, window_bounds = array<i64: 640, 64>}, {pipeline_mode = #tpu.pipeline_mode<synchronous>, transform_indices = @transform_1, window_bounds = array<i64: 64, 128>}, {pipeline_mode = #tpu.pipeline_mode<synchronous>, transform_indices = @transform_2, window_bounds = array<i64: 1, 128>}, {transform_indices = @transform_3, window_bounds = array<i64: 640, 128>}]} {
    %get3A = arith.constant 0 : index
    %get3A_0 = arith.constant 0 : index
    %get3A_1 = vector.load %arg1[%get3A, %get3A_0] : memref<640x64xf32, #tpu.memory_space<vmem>>, vector<640x64xf32>
    %get3A_2 = arith.constant 0 : index
    %get3A_3 = arith.constant 0 : index
    %get3A_4 = vector.load %arg2[%get3A_2, %get3A_3] : memref<64x128xf32, #tpu.memory_space<vmem>>, vector<64x128xf32>
    %dot_general3A = arith.constant dense<0.000000e+00> : vector<640x128xf32>
    %dot_general3A_5 = tpu.matmul %get3A_1, %get3A_4, %dot_general3A {dimension_numbers = #tpu.dot_dimension_numbers<[1], [0], [0], [1], [0, 0, 1, 1], [], []>, transpose_lhs_hint = false} : vector<640x64xf32>, vector<64x128xf32>, vector<640x128xf32> -> vector<640x128xf32>
    %get3A_6 = arith.constant 0 : index
    %get3A_7 = arith.constant 0 : index
    %get3A_8 = vector.load %arg3[%get3A_6, %get3A_7] : memref<1x128xf32, #tpu.memory_space<vmem>>, vector<1x128xf32>
    %add3A = vector.broadcast %get3A_8 : vector<1x128xf32> to vector<640x128xf32>
    %add3A_9 = arith.addf %dot_general3A_5, %add3A : vector<640x128xf32>
    %swap3A = arith.constant 0 : index
    %swap3A_10 = arith.constant 0 : index
    %swap3A_11 = vector.load %arg4[%swap3A, %swap3A_10] : memref<640x128xf32, #tpu.memory_space<vmem>>, vector<640x128xf32>
    tpu.vector_store %arg4[%swap3A, %swap3A_10], %add3A_9 {strides = array<i32>} : memref<640x128xf32, #tpu.memory_space<vmem>>, vector<640x128xf32>,
    return
  }
  func.func @transform_0(%arg0: i32) -> (i32, i32) {
    %c0_i32 = arith.constant 0 : i32
    %c0_i32_0 = arith.constant 0 : i32
    return %arg0, %c0_i32 : i32, i32
  }
  func.func @transform_1(%arg0: i32) -> (i32, i32) {
    %c0_i32 = arith.constant 0 : i32
    %c0_i32_0 = arith.constant 0 : i32
    %c0_i32_1 = arith.constant 0 : i32
    return %c0_i32, %c0_i32_0 : i32, i32
  }
  func.func @transform_2(%arg0: i32) -> (i32, i32) {
    %c0_i32 = arith.constant 0 : i32
    %c0_i32_0 = arith.constant 0 : i32
    %c0_i32_1 = arith.constant 0 : i32
    return %c0_i32, %c0_i32_0 : i32, i32
  }
  func.func @transform_3(%arg0: i32) -> (i32, i32) {
    %c0_i32 = arith.constant 0 : i32
    %c0_i32_0 = arith.constant 0 : i32
    return %arg0, %c0_i32 : i32, i32
  }
}

</mosaic_0001>

<sc_bundles>
// kernel: kernel.6.cloned.1.call-start
scs
__scs_entry_jumppad:
0x0: {  	(pc) =	sbr.rel $0x88, $3  }
0x1: {  	(tag) =	ssettag $0x0;
	lr =	simm.s32 $0x1  }
0x2: {  	[smem:$0x3F99] =	sst lr;
	_ =	strace $0xD0000000  }
0x3: {  	_ = 	snop  }
0x4: {  	_ = 	snop  }
0x5: {  	_ = 	snop  }
0x6: {  	_ = 	snop  }
0x7: {  	_ = 	snop  }
__scs_overlays_trampoline_lowered:
0x8: {  	[smem:$0x3FA8] =	sst s0  }
0x9: {  	[smem:$0x3FA9] =	sst s1  }
0xa: {  	[smem:$0x3FAA] =	sst s2  }
0xb: {  	[smem:$0x3FAB] =	sst s3  }
0xc: {  	[smem:$0x3FAC] =	sst s4  }
0xd: {  	[smem:$0x3FAD] =	sst s5  }
0xe: {  	[smem:$0x3FAE] =	sst s6  }
0xf: {  	[smem:$0x3FAF] =	sst s7  }
0x10: {  	[smem:$0x3FB0] =	sst s8  }
0x11: {  	[smem:$0x3FB1] =	sst s9;
	s0 =	simm.s32 @!p0 $0x0  }
0x12: {  	s1 =	sld [smem:$0x3F97];
	s0 =	simm.s32 @p0 $0x1  }
0x13: {  	[smem:$0x3FB2] =	sst s0;
	s0 =	simm.s32 @!p1 $0x0  }
0x14: {  	s2 =	sld [smem:$0x3F96];
	s0 =	simm.s32 @p1 $0x1  }
0x15: {  	[smem:$0x3FB3] =	sst s0;
	s0 =	simm.s32 @!p2 $0x0  }
0x16: {  	s3 =	sld [smem:$0x3FDB];
	s0 =	simm.s32 @p2 $0x1  }
0x17: {  	s4 =	simm.s32 $0x1BF5;
	[smem:$0x3FB5] =	sst s0  }
0x18: {  	s0 =	sld [smem:$0x3F98];
	_ =	swait.ge [sflag:s4], $0x0  }
0x19: {  	s7 =	sld [smem:$0x3F99]  }
0x1a: {  	s8 =	sadd.s32 $0xFFFFE003, lr  }
0x1b: {  	s9 =	sadd.s32 $0xFFFFFEF7, lr;
	s5 =	simm.s32 $0xFFFFFFFF;
	p2 =	slt.u32 s8, $0xFFFFF086  }
0x1c: {  	p1 =	slt.u32 s9, $0xF7A;
	s5 =	simm.s32 @!p2 $0x0  }
0x1d: {  	s5 =	simm.s32 @p1 $0x1;
	p0 =	seq.s32 s7, s2  }
0x1e: {  	s7 =	smul.u32 @!p0 $0xF7A, s2;
	p2 =	seq.s32 @!p0 s5, $0x0  }
0x1f: {  	s9 =	smul.u32 $0xF7A, s1;
	s8 =	simm.s32 @!p0 $0x1BF5;
	p2 =	por !p2, p0  }
0x20: {  	[sflag:s8] =	ssyncset.s32 @!p0 $0xFFFFF086;
	s6 =	sadd.s32 @!p0 s3, s7;
	s7 =	simm.s32 @!p0 $0x108  }
0x21: {  	s3 =	sadd.s32 s3, s9;
	s6 =	sadd.s32 @!p0 $0x88, s6;
	s7 =	simm.s32 @p2 $0x1082  }
0x22: {  	[simem:s7], [sflag:s8] =	dma.local @!p0 [hbm:s6], $0xF7A  }
0x23: {  	s9 =	sor.u32 $0xD0000000, s2;
	s6 =	simm.s32 $0x108;
	_ =	swait.ge @!p0 [sflag:s8], $0x0  }
0x24: {  	s3 =	sadd.s32 $0x88, s3;
	s6 =	simm.s32 @!p1 $0x1082;
	[sflag:s4] =	ssyncset.s32 $0xFFFFF086  }
0x25: {  	[simem:s6], [sflag:s4] =	dma.local [hbm:s3], $0xF7A  }
0x26: {  	[smem:$0x3F99] =	sst s1;
	(tag) =	ssettag s2;
	_ =	strace s9  }
0x27: {  	s1 =	sld [smem:$0x3FA9]  }
0x28: {  	s2 =	sld [smem:$0x3FAA]  }
0x29: {  	s4 =	sld [smem:$0x3FAC]  }
0x2a: {  	p0 =	seq.s32 s5, $0x0;
	s5 =	sld [smem:$0x3FAD]  }
0x2b: {  	s6 =	sld [smem:$0x3FAE]  }
0x2c: {  	s7 =	sld [smem:$0x3FAF]  }
0x2d: {  	s3 =	simm.s32 $0x108;
	s8 =	sld [smem:$0x3FB0]  }
0x2e: {  	s3 =	simm.s32 @!p0 $0x1082;
	s9 =	sld [smem:$0x3FB1]  }
0x2f: {  	lr =	sadd.s32 s0, s3;
	s0 =	sld [smem:$0x3FA8]  }
0x30: {  	s3 =	sld [smem:$0x3FAB]  }
0x31: {  	[smem:$0x3FB4] =	sst s10  }
0x32: {  	s10 =	sld [smem:$0x3FB2];
	_ =	sdelay $0x3  }
0x33: {  	p0 =	seq.s32 s10, $0x1;
	s10 =	sld [smem:$0x3FB4];
	_ =	sdelay $0x3  }
0x34: {  	[smem:$0x3FB4] =	sst s10  }
0x35: {  	s10 =	sld [smem:$0x3FB3];
	_ =	sdelay $0x3  }
0x36: {  	p1 =	seq.s32 s10, $0x1;
	s10 =	sld [smem:$0x3FB4];
	_ =	sdelay $0x3  }
0x37: {  	[smem:$0x3FB4] =	sst s10  }
0x38: {  	s10 =	sld [smem:$0x3FB5]  }
0x39: {  	_ = 	snop;
	(pc) =	sbr.ind lr, $3  }
0x3a: {  	_ = 	snop  }
0x3b: {  	_ = 	snop  }
0x3c: {  	p2 =	seq.s32 s10, $0x1;
	s10 =	sld [smem:$0x3FB4]  }
0x3d: {  	_ =	shalt  }
0x3e: {  	_ =	shalt  }
0x3f: {  	_ =	shalt  }
0x40: {  	_ =	shalt  }
0x41: {  	_ =	shalt  }
0x42: {  	_ =	shalt  }
0x43: {  	_ =	shalt  }
0x44: {  	_ =	shalt  }
0x45: {  	_ =	shalt  }
0x46: {  	_ =	shalt  }
0x47: {  	_ =	shalt  }
0x48: {  	_ =	shalt  }
0x49: {  	_ =	shalt  }
0x4a: {  	_ =	shalt  }
0x4b: {  	_ =	shalt  }
0x4c: {  	_ =	shalt  }
0x4d: {  	_ =	shalt  }
0x4e: {  	_ =	shalt  }
0x4f: {  	_ =	shalt  }
0x50: {  	_ =	shalt  }
0x51: {  	_ =	shalt  }
0x52: {  	_ =	shalt  }
0x53: {  	_ =	shalt  }
0x54: {  	_ =	shalt  }
0x55: {  	_ =	shalt  }
0x56: {  	_ =	shalt  }
0x57: {  	_ =	shalt  }
0x58: {  	_ =	shalt  }
0x59: {  	_ =	shalt  }
0x5a: {  	_ =	shalt  }
0x5b: {  	_ =	shalt  }
0x5c: {  	_ =	shalt  }
0x5d: {  	_ =	shalt  }
0x5e: {  	_ =	shalt  }
0x5f: {  	_ =	shalt  }
0x60: {  	_ =	shalt  }
0x61: {  	_ =	shalt  }
0x62: {  	_ =	shalt  }
0x63: {  	_ =	shalt  }
0x64: {  	_ =	shalt  }
0x65: {  	_ =	shalt  }
0x66: {  	_ =	shalt  }
0x67: {  	_ =	shalt  }
0x68: {  	_ =	shalt  }
0x69: {  	_ =	shalt  }
0x6a: {  	_ =	shalt  }
0x6b: {  	_ =	shalt  }
0x6c: {  	_ =	shalt  }
0x6d: {  	_ =	shalt  }
0x6e: {  	_ =	shalt  }
0x6f: {  	_ =	shalt  }
0x70: {  	_ =	shalt  }
0x71: {  	_ =	shalt  }
0x72: {  	_ =	shalt  }
0x73: {  	_ =	shalt  }
0x74: {  	_ =	shalt  }
0x75: {  	_ =	shalt  }
0x76: {  	_ =	shalt  }
0x77: {  	_ =	shalt  }
0x78: {  	_ =	shalt  }
0x79: {  	_ =	shalt  }
0x7a: {  	_ =	shalt  }
0x7b: {  	_ =	shalt  }
0x7c: {  	_ =	shalt  }
0x7d: {  	_ =	shalt  }
0x7e: {  	_ =	shalt  }
0x7f: {  	_ =	shalt  }
0x80: {  	_ =	shalt  }
0x81: {  	_ =	shalt  }
0x82: {  	_ =	shalt  }
0x83: {  	_ =	shalt  }
0x84: {  	_ =	shalt  }
0x85: {  	_ =	shalt  }
0x86: {  	_ =	shalt  }
0x87: {  	_ =	shalt  }
.Lfunc_end0:
.L_simem_size_0:
called_computation_lowered:
.L_overlay_start_0:
0x88: {  	s2 =	sld [smem:$0x3FD9]  }
0x89: {  	s3 =	sld [smem:$0x3FFE];
	_ =	sdelay $0x1  }
0x8a: {  	s1 =	srdreg.scid  }
0x8b: {  	s0 =	sand.u32 $0x1, s1  }
0x8c: {  	s16 =	sshll.u32 s0, $0xA;
	s2 =	sadd.s32 s3, s2  }
0x8d: {  	s2 =	sadd.s32 s2, s16  }
0x8e: {  	[smem:$0x3FC0] =	sst s2  }
0x8f: {  	_ = 	snop  }
0x90: {  	(tm) =	ssettm $0x1  }
0x91: {  	s17 =	sld [smem:$0x3FFB];
	_ =	sdelay $0x3  }
0x92: {  	_ =	strace s17  }
0x93: {  	s2 =	sld [smem:$0x3FFC];
	_ =	sdelay $0x3  }
0x94: {  	_ =	strace s2  }
0x95: {  	s2 =	sld [smem:$0x3FFD];
	_ =	sdelay $0x3  }
0x96: {  	_ =	strace s2  }
0x97: {  	_ =	strace $0x8FFFFFFF  }
0x98: {  	s18 =	sld [smem:$0x3FDB];
	_ =	sdelay $0x1  }
0x99: {  	s19 =	simm.s32 $_scs_section_size  }
0x9a: {  	s4 =	simm.s32 $_size__tile_overlayer_lowered;
	s5 =	simm.s32 $_tile_overlayer_lowered  }
0x9b: {  	s22 =	simm.s32 $0x1BFF;
	s21 =	sshll.u32 s5, $0x1;
	s2 =	sadd.s32 s19, s18  }
0x9c: {  	s6 =	simm.s32 $0x0;
	s20 =	sshll.u32 s4, $0x1;
	s4 =	sadd.s32 s21, s2  }
0x9d: {  	[timem:s6], [sflag:s22] =	dma.local [hbm:s4], s20  }
0x9e: {  	_ =	swait.ge [sflag:s22], s20  }
0x9f: {  	s3 =	ssub.s32 $0x0, s20;
	[sflag:s22] =	ssyncset.done $0x0  }
0xa0: {  	[sflag:s22] =	ssyncadd.s32 s3;
	_ =	sdelay $0x1  }
0xa1: {  	s23 =	simm.s32 $0x1B8B  }
0xa2: {  	_ =	swait.ge [sflag:s23], $0x1  }
0xa3: {  	[sflag:s23] =	ssyncset.done $0x0  }
0xa4: {  	s25 =	simm.s32 $0x1B8E;
	s24 =	sld [smem:$0x3FFE];
	[sflag:s23] =	ssyncadd.s32 $0xFFFFFFFF  }
0xa5: {  	s26 =	simm.s32 $execute0_lowered;
	[smem:$0x3FD2] =	sst s25  }
0xa6: {  	s4 =	sshll.u32 s26, $0x1;
	_ =	strace $0x80000046;
	[dreg:$0x1] =	wrdreg $0xFFFFFFFF  }
0xa7: {  	s28 =	simm.s32 $_size_execute0_lowered;
	s2 =	sadd.s32 s2, s4;
	[dreg:$0x0] =	wrdreg $0x0  }
0xa8: {  	s4 =	sshll.u32 s28, $0x1;
	[dreg:$0x2] =	wrdreg s2  }
0xa9: {  	[dreg:$0x3] =	wrdreg s4  }
0xaa: {  	[dreg:$0x4] =	wrdreg $0xC0  }
0xab: {  	_ =	task [dreg:s6], $0x5FFFF  }
0xac: {  	[dreg:$0x1] =	wrdreg $0xFFFFFFFF  }
0xad: {  	[dreg:$0x0] =	wrdreg $0x60  }
0xae: {  	[dreg:$0x2] =	wrdreg s24  }
0xaf: {  	[dreg:$0x3] =	wrdreg $0x9  }
0xb0: {  	_ =	task.clear_ibuf [dreg:s6], $0x4FFFF;
	_ =	strace $0x90000046  }
0xb1: {  	s29 =	simm.s32 $0x9;
	_ =	strace $0x80000048  }
0xb2: {  	_ =	swait.ge [sflag:s29], $0x1  }
0xb3: {  	[sflag:s29] =	ssyncadd.s32 $0xFFFFFFFF  }
0xb4: {  	_ =	strace $0x90000048  }
0xb5: {  	_ =	sfence  }
0xb6: {  	s30 =	sld [smem:$0x0];
	_ =	sdelay $0x2  }
0xb7: {  	s31 =	sshll.u32 s1, $0xD;
	s1 =	sshrl.u32 s1, $0x2  }
0xb8: {  	s3 =	sand.u32 $0x4000, s31;
	s1 =	sadd.s32 s1, s30  }
0xb9: {  	s0 =	sor.u32 s3, s0;
	s1 =	sshll.u32 s1, $0x11  }
0xba: {  	s0 =	sor.u32 s1, s0  }
0xbb: {  	s0 =	sadd.s32 $0x8F2B, s0  }
0xbc: {  	[sflag:s0] =	ssyncadd.remote.s32 $0x1  }
0xbd: {  	_ =	sfence.sel $0xFFFF  }
0xbe: {  	[dreg:$0x0] =	wrdreg $0xFFFFFFFF;
	(pc) =	sbr.abs _section_cstart, $3  }
0xbf: {  	[dreg:$0x1] =	wrdreg $0xFFFFFFFF  }
0xc0: {  	_ =	task.clear_ibuf [dreg:s6], $0x2FFFF;
	_ =	strace $0x9FFFFFFF  }
0xc1: {  	(tm) =	ssettm $0x7FFFFFFF  }
tec
execute0_lowered:
.L_overlay_start_1:
0x0: {  	(tag) =	ssettag $0x1  }
0x1: {  	s0 =	srdreg.scid  }
0x2: {  	s3 =	stileid.u32;
	s1 =	rddreg [dreg:$0x0];
	s5 =	simm.s32 $0x0  }
0x3: {  	s0 =	sand.u32 $0x1, s0;
	s2 =	sshll.u32 s3, $0x1;
	s3 =	sshrl.u32 s3, $0x2  }
0x4: {  	[smem:$0x7FF] =	sst s5;
	s26 =	sadd.s32 $0x16DE00, s1;
	s28 =	sadd.s32 $0x4600, s1  }
0x5: {  	s2 =	sor.u32 s0, s2;
	s3 =	smul.u32 $0x18000, s3;
	_ =	strace $0x80000047  }
0x6: {  	[dreg:$0x2] =	wrdreg s26;
	s0 =	ssub.s32 $0x2, s0;
	s4 =	sshll.u32 s2, $0x7  }
0x7: {  	[dreg:$0x3] =	wrdreg s28;
	s29 =	sshrl.u32 s0, $0x1;
	s4 =	sand.u32 $0x380, s4  }
0x8: {  	s2 =	sshll.u32 s2, $0xF;
	s0 =	ssub.s32 s0, s29;
	s3 =	sor.u32 s3, s4  }
0x9: {  	[dreg:$0x4] =	wrdreg s2;
	s0 =	smax.u32 s0, $0x1;
	s3 =	sshrl.u32 s3, $0x3  }
0xa: {  	[dreg:$0x8] =	wrdreg s0;
	s3 =	sadd.s32 s3, s1;
	s1 =	sadd.s32 $0x16DF00, s1  }
0xb: {  	v2 =	vlaneseq.u32;
	s30 =	sadd.s32 $0x155E00, s3;
	[dreg:$0x7] =	wrdreg s1  }
0xc: {  	vm0 =	vmmov $0xffff;
	v1 =	vshrl.u32 v2, $0x3;
	s31 =	sadd.s32 $0x161E00, s3;
	[dreg:$0x5] =	wrdreg s30  }
0xd: {  	v0 =	vand.u32 $0x7, v2;
	v2 =	vor.u32 $0x8, v2;
	v1 =	vmul.u32 $0x8, v1;
	s2 =	simm.s32 $0x0;
	[dreg:$0x6] =	wrdreg s31  }
.LBB2_1:
0xe: {  	[dreg:$0x9] =	wrdreg s2  }
0xf: {  	s0 =	simm.s32 $0x0;
	s1 =	rddreg [dreg:$0x5]  }
0x10: {  	s15 =	simm.s32 $0x80;
	s3 =	simm.s32 $0x400;
	s4 =	simm.s32 $0x5  }
0x11: {  	[tilespmem:s0], [sflag:$0x5] =	stream.strided.gather [hbm4b:s1+s15], $0x3000, s3, s15, $0x38;
	[tilespmem:$0x12800] =	vst v63  }
0x12: {  	_ =	swait.ge [sflag:s4], $0x3000  }
0x13: {  	[sflag:s4] =	ssyncset.done $0x0  }
0x14: {  	s5 =	simm.s32 $0x3000;
	s16 =	rddreg [dreg:$0x6];
	[sflag:s4] =	ssyncadd.s32 $0xFFFFD000  }
0x15: {  	[tilespmem:s5], [sflag:$0x5] =	stream.strided.gather [hbm4b:s16+s15], $0x3000, s3, s15, $0x38;
	[tilespmem:$0x12800] =	vst v63  }
0x16: {  	_ =	swait.ge [sflag:s4], $0x3000  }
0x17: {  	[sflag:s4] =	ssyncset.done $0x0  }
0x18: {  	[sflag:s4] =	ssyncadd.s32 $0xFFFFD000  }
0x19: {  	v3 =	vld [tilespmem:$0x0];
	_ =	sdelay $0x4  }
0x1a: {  	v4 =	vshll.u32 v3, $0x2  }
0x1b: {  	v3 =	vand.u32 $0x7, v3;
	v4 =	vand.u32 $0xFFFFFFE0, v4  }
0x1c: {  	v3 =	vor.u32 v3, v4  }
0x1d: {  	v4 =	vperm.xlane v3, v0;
	_ =	sdelay $0x1  }
0x1e: {  	v4 =	vadd.s32 v1, v4;
	_ =	sdelay $0x1  }
0x1f: {  	v3 =	vperm.xlane v3, v2;
	_ =	sdelay $0x1  }
0x20: {  	s18 =	simm.s32 $0x6000;
	s17 =	rddreg [dreg:$0x2];
	v3 =	vadd.s32 v1, v3  }
0x21: {  	[tilespmem:s18], [sflag:$0x1] =	stream.indirect_vreg.gather [hbm4b:s17+s0], $0x80, v4, vm0, $0xb8;
	[tilespmem:$0x12800] =	vst v63  }
0x22: {  	s20 =	simm.s32 $0x6800;
	s19 =	rddreg [dreg:$0x7]  }
0x23: {  	[tilespmem:s20], [sflag:$0x1] =	stream.indirect_vreg.gather [hbm4b:s19+s0], $0x80, v4, vm0, $0xb8;
	[tilespmem:$0x12800] =	vst v63  }
0x24: {  	s21 =	simm.s32 $0x7000  }
0x25: {  	[tilespmem:s21], [sflag:$0x1] =	stream.indirect_vreg.gather [hbm4b:s17+s0], $0x80, v3, vm0, $0xb8;
	[tilespmem:$0x12800] =	vst v63  }
0x26: {  	s22 =	simm.s32 $0x7800  }
0x27: {  	[tilespmem:s22], [sflag:$0x1] =	stream.indirect_vreg.gather [hbm4b:s19+s0], $0x80, v3, vm0, $0xb8;
	[tilespmem:$0x12800] =	vst v63  }
0x28: {  	v3 =	vld [tilespmem:$0x10];
	_ =	sdelay $0x4  }
0x29: {  	v62 =	vshll.u32 v3, $0x2  }
0x2a: {  	v3 =	vand.u32 $0x7, v3;
	v4 =	vand.u32 $0xFFFFFFE0, v62  }
0x2b: {  	v3 =	vor.u32 v3, v4  }
0x2c: {  	v4 =	vperm.xlane v3, v0;
	_ =	sdelay $0x1  }
0x2d: {  	v4 =	vadd.s32 v1, v4;
	_ =	sdelay $0x1  }
0x2e: {  	v3 =	vperm.xlane v3, v2;
	_ =	sdelay $0x1  }
0x2f: {  	s23 =	simm.s32 $0x8000;
	v3 =	vadd.s32 v1, v3  }
0x30: {  	[tilespmem:s23], [sflag:$0x1] =	stream.indirect_vreg.gather [hbm4b:s17+s0], $0x80, v4, vm0, $0xb8;
	[tilespmem:$0x12800] =	vst v63  }
0x31: {  	s24 =	simm.s32 $0x8800  }
0x32: {  	[tilespmem:s24], [sflag:$0x1] =	stream.indirect_vreg.gather [hbm4b:s19+s0], $0x80, v4, vm0, $0xb8;
	[tilespmem:$0x12800] =	vst v63  }
0x33: {  	s25 =	simm.s32 $0x9000  }
0x34: {  	[tilespmem:s25], [sflag:$0x1] =	stream.indirect_vreg.gather [hbm4b:s17+s0], $0x80, v3, vm0, $0xb8;
	[tilespmem:$0x12800] =	vst v63  }
0x35: {  	s26 =	simm.s32 $0x9800  }
0x36: {  	[tilespmem:s26], [sflag:$0x1] =	stream.indirect_vreg.gather [hbm4b:s19+s0], $0x80, v3, vm0, $0xb8;
	[tilespmem:$0x12800] =	vst v63  }
0x37: {  	v3 =	vld [tilespmem:$0x20];
	_ =	sdelay $0x4  }
0x38: {  	v63 =	vshll.u32 v3, $0x2  }
0x39: {  	v3 =	vand.u32 $0x7, v3;
	v4 =	vand.u32 $0xFFFFFFE0, v63  }
0x3a: {  	v3 =	vor.u32 v3, v4  }
0x3b: {  	v4 =	vperm.xlane v3, v0;
	_ =	sdelay $0x1  }
0x3c: {  	v4 =	vadd.s32 v1, v4;
	_ =	sdelay $0x1  }
0x3d: {  	v3 =	vperm.xlane v3, v2;
	_ =	sdelay $0x1  }
0x3e: {  	s28 =	simm.s32 $0xA000;
	v3 =	vadd.s32 v1, v3  }
0x3f: {  	[tilespmem:s28], [sflag:$0x1] =	stream.indirect_vreg.gather [hbm4b:s17+s0], $0x80, v4, vm0, $0xb8;
	[tilespmem:$0x12800] =	vst v63  }
0x40: {  	s29 =	simm.s32 $0xA800  }
0x41: {  	[tilespmem:s29], [sflag:$0x1] =	stream.indirect_vreg.gather [hbm4b:s19+s0], $0x80, v4, vm0, $0xb8;
	[tilespmem:$0x12800] =	vst v63  }
0x42: {  	s30 =	simm.s32 $0xB000  }
0x43: {  	[tilespmem:s30], [sflag:$0x1] =	stream.indirect_vreg.gather [hbm4b:s17+s0], $0x80, v3, vm0, $0xb8;
	[tilespmem:$0x12800] =	vst v63  }
0x44: {  	s31 =	simm.s32 $0xB800;
	s4 =	simm.s32 $0x0  }
0x45: {  	[tilespmem:s31], [sflag:$0x1] =	stream.indirect_vreg.gather [hbm4b:s19+s0], $0x80, v3, vm0, $0xb8;
	[tilespmem:$0x12800] =	vst v63  }
.LBB2_2:
0x46: {  	s0 =	sshllo.u32 s4, $0x1  }
0x47: {  	s5 =	smul.u32 $0x30, s0;
	_ =	sdelay $0x1  }
0x48: {  	v3 =	vld [tilespmem:s5+$0x0];
	_ =	sdelay $0x4  }
0x49: {  	v4 =	vshll.u32 v3, $0x2  }
0x4a: {  	v3 =	vand.u32 $0x7, v3;
	v4 =	vand.u32 $0xFFFFFFE0, v4  }
0x4b: {  	v3 =	vor.u32 v3, v4  }
0x4c: {  	v4 =	vperm.xlane v3, v0;
	_ =	sdelay $0x1  }
0x4d: {  	v4 =	vadd.s32 v1, v4;
	_ =	sdelay $0x1  }
0x4e: {  	v3 =	vperm.xlane v3, v2;
	_ =	sdelay $0x1  }
0x4f: {  	s29 =	simm.s32 $0x0;
	s1 =	rddreg [dreg:$0x2];
	s2 =	simm.s32 $0xC000;
	v3 =	vadd.s32 v1, v3  }
0x50: {  	[tilespmem:s2], [sflag:$0x2] =	stream.indirect_vreg.gather [hbm4b:s1+s29], $0x80, v4, vm0, $0xb8;
	[tilespmem:$0x12800] =	vst v63  }
0x51: {  	s30 =	rddreg [dreg:$0x7];
	s3 =	simm.s32 $0xC800  }
0x52: {  	[tilespmem:s3], [sflag:$0x2] =	stream.indirect_vreg.gather [hbm4b:s30+s29], $0x80, v4, vm0, $0xb8;
	[tilespmem:$0x12800] =	vst v63  }
0x53: {  	s31 =	simm.s32 $0xD000  }
0x54: {  	[tilespmem:s31], [sflag:$0x2] =	stream.indirect_vreg.gather [hbm4b:s1+s29], $0x80, v3, vm0, $0xb8;
	[tilespmem:$0x12800] =	vst v63  }
0x55: {  	s6 =	simm.s32 $0xD800  }
0x56: {  	[tilespmem:s6], [sflag:$0x2] =	stream.indirect_vreg.gather [hbm4b:s30+s29], $0x80, v3, vm0, $0xb8;
	[tilespmem:$0x12800] =	vst v63  }
0x57: {  	v3 =	vld [tilespmem:s5+$0x10];
	_ =	sdelay $0x4  }
0x58: {  	v4 =	vshll.u32 v3, $0x2  }
0x59: {  	v3 =	vand.u32 $0x7, v3;
	v4 =	vand.u32 $0xFFFFFFE0, v4  }
0x5a: {  	v3 =	vor.u32 v3, v4  }
0x5b: {  	v4 =	vperm.xlane v3, v0;
	_ =	sdelay $0x1  }
0x5c: {  	v4 =	vadd.s32 v1, v4;
	_ =	sdelay $0x1  }
0x5d: {  	v3 =	vperm.xlane v3, v2;
	_ =	sdelay $0x1  }
0x5e: {  	s7 =	simm.s32 $0xE000;
	v3 =	vadd.s32 v1, v3  }
0x5f: {  	[tilespmem:s7], [sflag:$0x2] =	stream.indirect_vreg.gather [hbm4b:s1+s29], $0x80, v4, vm0, $0xb8;
	[tilespmem:$0x12800] =	vst v63  }
0x60: {  	s8 =	simm.s32 $0xE800  }
0x61: {  	[tilespmem:s8], [sflag:$0x2] =	stream.indirect_vreg.gather [hbm4b:s30+s29], $0x80, v4, vm0, $0xb8;
	[tilespmem:$0x12800] =	vst v63  }
0x62: {  	s9 =	simm.s32 $0xF000  }
0x63: {  	[tilespmem:s9], [sflag:$0x2] =	stream.indirect_vreg.gather [hbm4b:s1+s29], $0x80, v3, vm0, $0xb8;
	[tilespmem:$0x12800] =	vst v63  }
0x64: {  	s10 =	simm.s32 $0xF800  }
0x65: {  	[tilespmem:s10], [sflag:$0x2] =	stream.indirect_vreg.gather [hbm4b:s30+s29], $0x80, v3, vm0, $0xb8;
	[tilespmem:$0x12800] =	vst v63  }
0x66: {  	v3 =	vld [tilespmem:s5+$0x20];
	_ =	sdelay $0x4  }
0x67: {  	v4 =	vshll.u32 v3, $0x2  }
0x68: {  	v3 =	vand.u32 $0x7, v3;
	v4 =	vand.u32 $0xFFFFFFE0, v4  }
0x69: {  	v3 =	vor.u32 v3, v4  }
0x6a: {  	v4 =	vperm.xlane v3, v0;
	_ =	sdelay $0x1  }
0x6b: {  	v4 =	vadd.s32 v1, v4;
	_ =	sdelay $0x1  }
0x6c: {  	v3 =	vperm.xlane v3, v2;
	_ =	sdelay $0x1  }
0x6d: {  	s11 =	simm.s32 $0x10000;
	v3 =	vadd.s32 v1, v3  }
0x6e: {  	[tilespmem:s11], [sflag:$0x2] =	stream.indirect_vreg.gather [hbm4b:s1+s29], $0x80, v4, vm0, $0xb8;
	[tilespmem:$0x12800] =	vst v63  }
0x6f: {  	s12 =	simm.s32 $0x10800  }
0x70: {  	[tilespmem:s12], [sflag:$0x2] =	stream.indirect_vreg.gather [hbm4b:s30+s29], $0x80, v4, vm0, $0xb8;
	[tilespmem:$0x12800] =	vst v63  }
0x71: {  	s13 =	simm.s32 $0x11000;
	[dreg:$0xb] =	wrdreg s0  }
0x72: {  	[tilespmem:s13], [sflag:$0x2] =	stream.indirect_vreg.gather [hbm4b:s1+s29], $0x80, v3, vm0, $0xb8;
	[tilespmem:$0x12800] =	vst v63  }
0x73: {  	s14 =	simm.s32 $0x11800;
	s15 =	simm.s32 $0x1;
	[dreg:$0xc] =	wrdreg s5  }
0x74: {  	[tilespmem:s14], [sflag:$0x2] =	stream.indirect_vreg.gather [hbm4b:s30+s29], $0x80, v3, vm0, $0xb8;
	[tilespmem:$0x12800] =	vst v63  }
0x75: {  	_ =	swait.ge [sflag:s15], $0x6000  }
0x76: {  	p0 =	seq.s32 s4, $0x0;
	[sflag:s15] =	ssyncset.done $0x0  }
0x77: {  	s16 =	smul.u32 $0x180, s4;
	s0 =	simm.s32 @!p0 $0x3;
	[sflag:s15] =	ssyncadd.s32 $0xFFFFA000  }
0x78: {  	s17 =	simm.s32 $0x0;
	_ =	swait.ge @!p0 [sflag:s0], $0x400  }
0x79: {  	s19 =	sshra.s32 s16, $0x2;
	s2 =	sand.u32 $0xC00, s17;
	[sflag:s0] =	ssyncset.done @!p0 $0x0  }
0x7a: {  	s1 =	sand.u32 $0x60, s17;
	[sflag:s0] =	ssyncadd.s32 @!p0 $0xFFFFFC00;
	s0 =	sor.u32 $0x6000, s2  }
0x7b: {  	v3 =	vld [tilespmem:s19+$0x3000];
	s18 =	sor.u32 s1, s0  }
0x7c: {  	v4 =	vld [tilespmem:s18+$0x0]  }
0x7d: {  	v8 =	vld [tilespmem:s18+$0x80];
	_ =	sdelay $0x1  }
0x7e: {  	v9 =	vld [tilespmem:s18+$0x100]  }
0x7f: {  	v6 =	vbroadcast v3, $0x0;
	v7 =	vbroadcast v3, $0x1  }
0x80: {  	v10 =	vld [tilespmem:s18+$0x180];
	v5 =	vbroadcast v3, $0x2  }
0x81: {  	v4 =	vmul.f32 v4, v6;
	v11 =	vmul.f32 v8, v7  }
0x82: {  	v12 =	vld [tilespmem:s18+$0x200]  }
0x83: {  	v8 =	vbroadcast v3, $0x3;
	v4 =	vadd.f32 v11, v4;
	v11 =	vmul.f32 v9, v5  }
0x84: {  	v13 =	vld [tilespmem:s18+$0x280]  }
0x85: {  	v9 =	vbroadcast v3, $0x4;
	v4 =	vadd.f32 v11, v4;
	v11 =	vmul.f32 v10, v8  }
0x86: {  	v14 =	vld [tilespmem:s18+$0x300]  }
0x87: {  	v10 =	vbroadcast v3, $0x5;
	v12 =	vmul.f32 v12, v9;
	v4 =	vadd.f32 v11, v4  }
0x88: {  	s3 =	sor.u32 $0x7000, s2;
	v15 =	vld [tilespmem:s18+$0x380]  }
0x89: {  	s20 =	sor.u32 s1, s3;
	v11 =	vbroadcast v3, $0x6;
	v13 =	vmul.f32 v13, v10;
	v4 =	vadd.f32 v12, v4  }
0x8a: {  	[dreg:$0xa] =	wrdreg s4;
	s4 =	sor.u32 $0x7080, s2;
	v16 =	vld [tilespmem:s20+$0x0]  }
0x8b: {  	s6 =	sor.u32 s1, s4;
	v12 =	vbroadcast v3, $0x7;
	v14 =	vmul.f32 v14, v11;
	v4 =	vadd.f32 v13, v4  }
0x8c: {  	s5 =	sor.u32 $0x7100, s2;
	v17 =	vld [tilespmem:s6+$0x0]  }
0x8d: {  	s7 =	sor.u32 s1, s5;
	v13 =	vbroadcast v3, $0x8;
	v15 =	vmul.f32 v15, v12;
	v4 =	vadd.f32 v14, v4  }
0x8e: {  	s6 =	sor.u32 $0x7180, s2;
	v18 =	vld [tilespmem:s7+$0x0]  }
0x8f: {  	s8 =	sor.u32 s1, s6;
	v14 =	vbroadcast v3, $0x9;
	v16 =	vmul.f32 v16, v13;
	v4 =	vadd.f32 v15, v4  }
0x90: {  	s7 =	sor.u32 $0x7200, s2;
	v19 =	vld [tilespmem:s8+$0x0]  }
0x91: {  	s9 =	sor.u32 s1, s7;
	v15 =	vbroadcast v3, $0xA;
	v17 =	vmul.f32 v17, v14;
	v4 =	vadd.f32 v16, v4  }
0x92: {  	s8 =	sor.u32 $0x7280, s2;
	v20 =	vld [tilespmem:s9+$0x0]  }
0x93: {  	s10 =	sor.u32 s1, s8;
	v16 =	vbroadcast v3, $0xB;
	v18 =	vmul.f32 v18, v15;
	v4 =	vadd.f32 v17, v4  }
0x94: {  	s9 =	sor.u32 $0x7300, s2;
	v21 =	vld [tilespmem:s10+$0x0]  }
0x95: {  	s11 =	sor.u32 $0x7380, s2;
	s21 =	sor.u32 s1, s9;
	v17 =	vbroadcast v3, $0xC;
	v19 =	vmul.f32 v19, v16;
	v22 =	vadd.f32 v18, v4  }
0x96: {  	s22 =	sor.u32 s1, s11;
	v23 =	vld [tilespmem:s21+$0x0]  }
0x97: {  	v24 =	vld [tilespmem:s22+$0x0];
	v18 =	vbroadcast v3, $0xD;
	v20 =	vmul.f32 v20, v17;
	v22 =	vadd.f32 v19, v22  }
0x98: {  	s12 =	sor.u32 $0x8000, s2;
	v4 =	vld [tilespmem:s19+$0x3010]  }
0x99: {  	s23 =	sor.u32 s1, s12;
	v19 =	vbroadcast v3, $0xE;
	v21 =	vmul.f32 v21, v18;
	v22 =	vadd.f32 v20, v22  }
0x9a: {  	s13 =	sor.u32 $0x8080, s2;
	v25 =	vld [tilespmem:s23+$0x0]  }
0x9b: {  	s24 =	sor.u32 s1, s13;
	v20 =	vbroadcast v3, $0xF;
	v3 =	vadd.f32 v21, v22;
	v22 =	vmul.f32 v23, v19  }
0x9c: {  	s14 =	sor.u32 $0x8100, s2;
	v26 =	vld [tilespmem:s24+$0x0]  }
0x9d: {  	s25 =	sor.u32 s1, s14;
	v21 =	vbroadcast v4, $0x0;
	v23 =	vmul.f32 v24, v20;
	v3 =	vadd.f32 v22, v3  }
0x9e: {  	s15 =	sor.u32 $0x8180, s2;
	v27 =	vld [tilespmem:s25+$0x0]  }
0x9f: {  	s26 =	sor.u32 s1, s15;
	v22 =	vbroadcast v4, $0x1;
	v24 =	vmul.f32 v25, v21;
	v3 =	vadd.f32 v23, v3  }
0xa0: {  	s16 =	sor.u32 $0x8200, s2;
	v28 =	vld [tilespmem:s26+$0x0]  }
0xa1: {  	s28 =	sor.u32 s1, s16;
	v23 =	vbroadcast v4, $0x2;
	v25 =	vmul.f32 v26, v22;
	v3 =	vadd.f32 v24, v3  }
0xa2: {  	s17 =	sor.u32 $0x8280, s2;
	v29 =	vld [tilespmem:s28+$0x0]  }
0xa3: {  	s29 =	sor.u32 s1, s17;
	v24 =	vbroadcast v4, $0x3;
	v26 =	vmul.f32 v27, v23;
	v3 =	vadd.f32 v25, v3  }
0xa4: {  	v30 =	vld [tilespmem:s29+$0x0];
	s18 =	sor.u32 $0x8300, s2  }
0xa5: {  	s30 =	sor.u32 s1, s18;
	v25 =	vbroadcast v4, $0x4;
	v27 =	vmul.f32 v28, v24;
	v3 =	vadd.f32 v26, v3  }
0xa6: {  	s20 =	sor.u32 $0x8380, s2;
	v31 =	vld [tilespmem:s30+$0x0]  }
0xa7: {  	s31 =	sor.u32 s1, s20;
	v26 =	vbroadcast v4, $0x5;
	v28 =	vmul.f32 v29, v25;
	v3 =	vadd.f32 v27, v3  }
0xa8: {  	v29 =	vld [tilespmem:s31+$0x0]  }
0xa9: {  	v27 =	vbroadcast v4, $0x6;
	v30 =	vmul.f32 v30, v26;
	v3 =	vadd.f32 v28, v3;
	_ =	sdelay $0x1  }
0xaa: {  	v28 =	vbroadcast v4, $0x7;
	v3 =	vadd.f32 v30, v3;
	v30 =	vmul.f32 v31, v27;
	_ =	sdelay $0x1  }
0xab: {  	v29 =	vmul.f32 v29, v28;
	v3 =	vadd.f32 v30, v3  }
0xac: {  	s2 =	sshrl.u32 s2, $0x2  }
0xad: {  	s22 =	sor.u32 $0x12000, s2;
	v29 =	vadd.f32 v29, v3  }
0xae: {  	s2 =	sor.u32 s1, s22;
	s10 =	sor.u32 $0x10, s1  }
0xaf: {  	s0 =	sor.u32 s10, s0;
	v3 =	vld [tilespmem:s19+$0x3020];
	[tilespmem:s2+$0x0] =	vst v29  }
0xb0: {  	v29 =	vld [tilespmem:s0+$0x0]  }
0xb1: {  	v30 =	vld [tilespmem:s0+$0x80];
	_ =	sdelay $0x1  }
0xb2: {  	v31 =	vld [tilespmem:s0+$0x100];
	_ =	sdelay $0x1  }
0xb3: {  	v32 =	vld [tilespmem:s0+$0x180]  }
0xb4: {  	v29 =	vmul.f32 v29, v6;
	v30 =	vmul.f32 v30, v7  }
0xb5: {  	v33 =	vld [tilespmem:s0+$0x200]  }
0xb6: {  	v31 =	vmul.f32 v31, v5;
	v29 =	vadd.f32 v30, v29  }
0xb7: {  	v30 =	vld [tilespmem:s0+$0x280]  }
0xb8: {  	v32 =	vmul.f32 v32, v8;
	v29 =	vadd.f32 v31, v29  }
0xb9: {  	v31 =	vld [tilespmem:s0+$0x300]  }
0xba: {  	v33 =	vmul.f32 v33, v9;
	v29 =	vadd.f32 v32, v29  }
0xbb: {  	v55 =	vld [tilespmem:s0+$0x380]  }
0xbc: {  	s3 =	sor.u32 s10, s3;
	v30 =	vmul.f32 v30, v10;
	v29 =	vadd.f32 v33, v29  }
0xbd: {  	v56 =	vld [tilespmem:s3+$0x0]  }
0xbe: {  	s4 =	sor.u32 s10, s4;
	v31 =	vmul.f32 v31, v11;
	v29 =	vadd.f32 v30, v29  }
0xbf: {  	v30 =	vld [tilespmem:s4+$0x0]  }
0xc0: {  	s5 =	sor.u32 s10, s5;
	v32 =	vmul.f32 v55, v12;
	v29 =	vadd.f32 v31, v29  }
0xc1: {  	v31 =	vld [tilespmem:s5+$0x0]  }
0xc2: {  	s6 =	sor.u32 s10, s6;
	v33 =	vmul.f32 v56, v13;
	v29 =	vadd.f32 v32, v29  }
0xc3: {  	v57 =	vld [tilespmem:s6+$0x0]  }
0xc4: {  	s7 =	sor.u32 s10, s7;
	v30 =	vmul.f32 v30, v14;
	v29 =	vadd.f32 v33, v29  }
0xc5: {  	v58 =	vld [tilespmem:s7+$0x0]  }
0xc6: {  	s8 =	sor.u32 s10, s8;
	v31 =	vmul.f32 v31, v15;
	v29 =	vadd.f32 v30, v29  }
0xc7: {  	v30 =	vld [tilespmem:s8+$0x0]  }
0xc8: {  	[dreg:$0xe] =	wrdreg s19;
	s19 =	sor.u32 s10, s9;
	v32 =	vmul.f32 v57, v16;
	v29 =	vadd.f32 v31, v29  }
0xc9: {  	v31 =	vld [tilespmem:s19+$0x0]  }
0xca: {  	s21 =	sor.u32 s10, s11;
	v33 =	vmul.f32 v58, v17;
	v29 =	vadd.f32 v32, v29  }
0xcb: {  	v59 =	vld [tilespmem:s21+$0x0]  }
0xcc: {  	s23 =	sor.u32 s10, s12;
	v30 =	vmul.f32 v30, v18;
	v29 =	vadd.f32 v33, v29  }
0xcd: {  	v60 =	vld [tilespmem:s23+$0x0]  }
0xce: {  	s24 =	sor.u32 s10, s13;
	v31 =	vmul.f32 v31, v19;
	v29 =	vadd.f32 v30, v29  }
0xcf: {  	v30 =	vld [tilespmem:s24+$0x0]  }
0xd0: {  	s25 =	sor.u32 s10, s14;
	v32 =	vmul.f32 v59, v20;
	v29 =	vadd.f32 v31, v29  }
0xd1: {  	v31 =	vld [tilespmem:s25+$0x0]  }
0xd2: {  	s26 =	sor.u32 s10, s15;
	v33 =	vmul.f32 v60, v21;
	v29 =	vadd.f32 v32, v29  }
0xd3: {  	v61 =	vld [tilespmem:s26+$0x0]  }
0xd4: {  	s28 =	sor.u32 s10, s16;
	v30 =	vmul.f32 v30, v22;
	v29 =	vadd.f32 v33, v29  }
0xd5: {  	v62 =	vld [tilespmem:s28+$0x0]  }
0xd6: {  	s29 =	sor.u32 s10, s17;
	v31 =	vmul.f32 v31, v23;
	v29 =	vadd.f32 v30, v29  }
0xd7: {  	v30 =	vld [tilespmem:s29+$0x0]  }
0xd8: {  	s30 =	sor.u32 s10, s18;
	v32 =	vmul.f32 v61, v24;
	v29 =	vadd.f32 v31, v29  }
0xd9: {  	v31 =	vld [tilespmem:s30+$0x0]  }
0xda: {  	s31 =	sor.u32 s10, s20;
	v33 =	vmul.f32 v62, v25;
	v29 =	vadd.f32 v32, v29  }
0xdb: {  	v63 =	vld [tilespmem:s31+$0x0]  }
0xdc: {  	v30 =	vmul.f32 v30, v26;
	v29 =	vadd.f32 v33, v29;
	_ =	sdelay $0x1  }
0xdd: {  	v31 =	vmul.f32 v31, v27;
	v30 =	vadd.f32 v30, v29;
	_ =	sdelay $0x1  }
0xde: {  	s26 =	simm.s32 $0x100;
	s24 =	simm.s32 $0x20;
	s25 =	simm.s32 $0x2;
	v29 =	vmul.f32 v63, v28;
	v30 =	vadd.f32 v31, v30  }
.LBB2_3:
0xdf: {  	s2 =	sand.u32 $0x60, s24;
	s4 =	sand.u32 $0xC00, s26;
	s0 =	sor.u32 s10, s22  }
0xe0: {  	s3 =	sor.u32 $0x6000, s4;
	s12 =	sor.u32 $0x7000, s4;
	s17 =	sor.u32 $0x7080, s4;
	v29 =	vadd.f32 v29, v30  }
0xe1: {  	s11 =	sor.u32 $0x7100, s4;
	s14 =	sor.u32 $0x7180, s4;
	s8 =	sor.u32 s2, s3  }
0xe2: {  	s5 =	sor.u32 $0x7200, s4;
	s18 =	sor.u32 $0x7280, s4;
	s15 =	sor.u32 $0x7300, s4;
	[tilespmem:s0+$0x0] =	vst v29  }
0xe3: {  	s9 =	sor.u32 $0x7380, s4;
	s7 =	sor.u32 $0x8000, s4;
	s6 =	sor.u32 $0x8080, s4;
	v29 =	vld [tilespmem:s8+$0x0]  }
0xe4: {  	s30 =	sor.u32 $0x8100, s4;
	s13 =	sor.u32 $0x8180, s4;
	s0 =	sor.u32 $0x8200, s4;
	v30 =	vld [tilespmem:s8+$0x80]  }
0xe5: {  	s1 =	sor.u32 $0x8280, s4;
	s29 =	sor.u32 $0x8300, s4;
	s28 =	sor.u32 $0x8380, s4  }
0xe6: {  	s25 =	sadd.s32 $0x2, s25;
	s4 =	sshrl.u32 s4, $0x2;
	v31 =	vld [tilespmem:s8+$0x100]  }
0xe7: {  	p1 =	slt.u32 s25, $0x1E;
	s22 =	sor.u32 $0x12000, s4  }
0xe8: {  	v32 =	vld [tilespmem:s8+$0x180]  }
0xe9: {  	v29 =	vmul.f32 v29, v6;
	v30 =	vmul.f32 v30, v7  }
0xea: {  	v33 =	vld [tilespmem:s8+$0x200]  }
0xeb: {  	v29 =	vadd.f32 v30, v29;
	v30 =	vmul.f32 v31, v5  }
0xec: {  	v31 =	vld [tilespmem:s8+$0x280]  }
0xed: {  	v29 =	vadd.f32 v30, v29;
	v30 =	vmul.f32 v32, v8  }
0xee: {  	v32 =	vld [tilespmem:s8+$0x300]  }
0xef: {  	v29 =	vadd.f32 v30, v29;
	v30 =	vmul.f32 v33, v9  }
0xf0: {  	v33 =	vld [tilespmem:s8+$0x380]  }
0xf1: {  	s4 =	sor.u32 s2, s12;
	v29 =	vadd.f32 v30, v29;
	v30 =	vmul.f32 v31, v10  }
0xf2: {  	v31 =	vld [tilespmem:s4+$0x0]  }
0xf3: {  	s4 =	sor.u32 s2, s17;
	v29 =	vadd.f32 v30, v29;
	v30 =	vmul.f32 v32, v11  }
0xf4: {  	v32 =	vld [tilespmem:s4+$0x0]  }
0xf5: {  	s4 =	sor.u32 s2, s11;
	v29 =	vadd.f32 v30, v29;
	v30 =	vmul.f32 v33, v12  }
0xf6: {  	v33 =	vld [tilespmem:s4+$0x0]  }
0xf7: {  	s4 =	sor.u32 s2, s14;
	v29 =	vadd.f32 v30, v29;
	v30 =	vmul.f32 v31, v13  }
0xf8: {  	v31 =	vld [tilespmem:s4+$0x0]  }
0xf9: {  	s4 =	sor.u32 s2, s5;
	v29 =	vadd.f32 v30, v29;
	v30 =	vmul.f32 v32, v14  }
0xfa: {  	v32 =	vld [tilespmem:s4+$0x0]  }
0xfb: {  	s4 =	sor.u32 s2, s18;
	v29 =	vadd.f32 v30, v29;
	v30 =	vmul.f32 v33, v15  }
0xfc: {  	v33 =	vld [tilespmem:s4+$0x0]  }
0xfd: {  	s4 =	sor.u32 s2, s15;
	v29 =	vadd.f32 v30, v29;
	v30 =	vmul.f32 v31, v16  }
0xfe: {  	v31 =	vld [tilespmem:s4+$0x0]  }
0xff: {  	s4 =	sor.u32 s2, s9;
	v29 =	vadd.f32 v30, v29;
	v30 =	vmul.f32 v32, v17  }
0x100: {  	v32 =	vld [tilespmem:s4+$0x0]  }
0x101: {  	s4 =	sor.u32 s2, s7;
	v29 =	vadd.f32 v30, v29;
	v30 =	vmul.f32 v33, v18  }
0x102: {  	v33 =	vld [tilespmem:s4+$0x0]  }
0x103: {  	s4 =	sor.u32 s2, s6;
	v29 =	vadd.f32 v30, v29;
	v30 =	vmul.f32 v31, v19  }
0x104: {  	v31 =	vld [tilespmem:s4+$0x0]  }
0x105: {  	s4 =	sor.u32 s2, s30;
	v29 =	vadd.f32 v30, v29;
	v30 =	vmul.f32 v32, v20  }
0x106: {  	v32 =	vld [tilespmem:s4+$0x0]  }
0x107: {  	s4 =	sor.u32 s2, s13;
	v29 =	vadd.f32 v30, v29;
	v30 =	vmul.f32 v33, v21  }
0x108: {  	v33 =	vld [tilespmem:s4+$0x0]  }
0x109: {  	s4 =	sor.u32 s2, s0;
	v29 =	vadd.f32 v30, v29;
	v30 =	vmul.f32 v31, v22  }
0x10a: {  	v31 =	vld [tilespmem:s4+$0x0]  }
0x10b: {  	s4 =	sor.u32 s2, s1;
	v29 =	vadd.f32 v30, v29;
	v30 =	vmul.f32 v32, v23  }
0x10c: {  	v32 =	vld [tilespmem:s4+$0x0]  }
0x10d: {  	s4 =	sor.u32 s2, s29;
	v29 =	vadd.f32 v30, v29;
	v30 =	vmul.f32 v33, v24  }
0x10e: {  	v33 =	vld [tilespmem:s4+$0x0]  }
0x10f: {  	s4 =	sor.u32 s2, s28;
	v29 =	vadd.f32 v30, v29;
	v30 =	vmul.f32 v31, v25  }
0x110: {  	v31 =	vld [tilespmem:s4+$0x0]  }
0x111: {  	v29 =	vadd.f32 v30, v29;
	v30 =	vmul.f32 v32, v26;
	_ =	sdelay $0x1  }
0x112: {  	v29 =	vadd.f32 v30, v29;
	v30 =	vmul.f32 v33, v27;
	_ =	sdelay $0x1  }
0x113: {  	v29 =	vadd.f32 v30, v29;
	v30 =	vmul.f32 v31, v28;
	_ =	sdelay $0x1  }
0x114: {  	v29 =	vadd.f32 v30, v29  }
0x115: {  	s10 =	sor.u32 $0x10, s2;
	s4 =	sor.u32 s2, s22  }
0x116: {  	s2 =	sor.u32 s10, s3;
	[tilespmem:s4+$0x0] =	vst v29  }
0x117: {  	v29 =	vld [tilespmem:s2+$0x0]  }
0x118: {  	v30 =	vld [tilespmem:s2+$0x80]  }
0x119: {  	v31 =	vld [tilespmem:s2+$0x100];
	_ =	sdelay $0x1  }
0x11a: {  	v32 =	vld [tilespmem:s2+$0x180]  }
0x11b: {  	v29 =	vmul.f32 v29, v6  }
0x11c: {  	v30 =	vmul.f32 v30, v7;
	v33 =	vld [tilespmem:s2+$0x200]  }
0x11d: {  	v31 =	vmul.f32 v31, v5  }
0x11e: {  	v29 =	vadd.f32 v30, v29;
	v30 =	vld [tilespmem:s2+$0x280]  }
0x11f: {  	v32 =	vmul.f32 v32, v8  }
0x120: {  	v29 =	vadd.f32 v31, v29;
	v31 =	vld [tilespmem:s2+$0x300]  }
0x121: {  	v33 =	vmul.f32 v33, v9  }
0x122: {  	v29 =	vadd.f32 v32, v29;
	v32 =	vld [tilespmem:s2+$0x380]  }
0x123: {  	s2 =	sor.u32 s10, s12;
	v30 =	vmul.f32 v30, v10  }
0x124: {  	v29 =	vadd.f32 v33, v29;
	v33 =	vld [tilespmem:s2+$0x0]  }
0x125: {  	s2 =	sor.u32 s10, s17;
	v31 =	vmul.f32 v31, v11  }
0x126: {  	v29 =	vadd.f32 v30, v29;
	v30 =	vld [tilespmem:s2+$0x0]  }
0x127: {  	s2 =	sor.u32 s10, s11;
	v32 =	vmul.f32 v32, v12  }
0x128: {  	v29 =	vadd.f32 v31, v29;
	v31 =	vld [tilespmem:s2+$0x0]  }
0x129: {  	s2 =	sor.u32 s10, s14;
	v33 =	vmul.f32 v33, v13  }
0x12a: {  	v29 =	vadd.f32 v32, v29;
	v32 =	vld [tilespmem:s2+$0x0]  }
0x12b: {  	s2 =	sor.u32 s10, s5;
	v30 =	vmul.f32 v30, v14  }
0x12c: {  	v29 =	vadd.f32 v33, v29;
	v33 =	vld [tilespmem:s2+$0x0]  }
0x12d: {  	s2 =	sor.u32 s10, s18;
	v31 =	vmul.f32 v31, v15  }
0x12e: {  	v29 =	vadd.f32 v30, v29;
	v30 =	vld [tilespmem:s2+$0x0]  }
0x12f: {  	s2 =	sor.u32 s10, s15;
	v32 =	vmul.f32 v32, v16  }
0x130: {  	v29 =	vadd.f32 v31, v29;
	v31 =	vld [tilespmem:s2+$0x0]  }
0x131: {  	s2 =	sor.u32 s10, s9;
	v33 =	vmul.f32 v33, v17  }
0x132: {  	v29 =	vadd.f32 v32, v29;
	v32 =	vld [tilespmem:s2+$0x0]  }
0x133: {  	s2 =	sor.u32 s10, s7;
	v30 =	vmul.f32 v30, v18  }
0x134: {  	v29 =	vadd.f32 v33, v29;
	v33 =	vld [tilespmem:s2+$0x0]  }
0x135: {  	s2 =	sor.u32 s10, s6;
	v31 =	vmul.f32 v31, v19  }
0x136: {  	v29 =	vadd.f32 v30, v29;
	v30 =	vld [tilespmem:s2+$0x0]  }
0x137: {  	s2 =	sor.u32 s10, s30;
	v32 =	vmul.f32 v32, v20  }
0x138: {  	v29 =	vadd.f32 v31, v29;
	v31 =	vld [tilespmem:s2+$0x0]  }
0x139: {  	s2 =	sor.u32 s10, s13;
	v33 =	vmul.f32 v33, v21  }
0x13a: {  	v29 =	vadd.f32 v32, v29;
	v32 =	vld [tilespmem:s2+$0x0]  }
0x13b: {  	s0 =	sor.u32 s10, s0;
	v30 =	vmul.f32 v30, v22  }
0x13c: {  	v29 =	vadd.f32 v33, v29;
	v33 =	vld [tilespmem:s0+$0x0]  }
0x13d: {  	s0 =	sor.u32 s10, s1;
	v31 =	vmul.f32 v31, v23  }
0x13e: {  	v29 =	vadd.f32 v30, v29;
	v30 =	vld [tilespmem:s0+$0x0]  }
0x13f: {  	s0 =	sor.u32 s10, s29;
	v32 =	vmul.f32 v32, v24  }
0x140: {  	v29 =	vadd.f32 v31, v29;
	v31 =	vld [tilespmem:s0+$0x0]  }
0x141: {  	s0 =	sor.u32 s10, s28;
	v33 =	vmul.f32 v33, v25  }
0x142: {  	v29 =	vadd.f32 v32, v29;
	v32 =	vld [tilespmem:s0+$0x0]  }
0x143: {  	v30 =	vmul.f32 v30, v26  }
.Ltmp0:
0x144: {  	v29 =	vadd.f32 v33, v29;
	(pc) =	sbr.rel @p1 .LBB2_3-.Ltmp0, $4  }
0x145: {  	v31 =	vmul.f32 v31, v27  }
0x146: {  	v30 =	vadd.f32 v30, v29  }
0x147: {  	v29 =	vmul.f32 v32, v28  }
0x148: {  	s24 =	sadd.s32 $0x20, s24;
	s26 =	sadd.s32 $0x100, s26;
	v30 =	vadd.f32 v31, v30  }
0x149: {  	_ = 	snop  }
0x14a: {  	s4 =	sand.u32 $0xC00, s26;
	v29 =	vadd.f32 v29, v30  }
0x14b: {  	s0 =	sand.u32 $0x60, s24;
	s2 =	sor.u32 s10, s22;
	s1 =	sor.u32 $0x6000, s4  }
0x14c: {  	s3 =	sor.u32 s0, s1;
	[tilespmem:s2+$0x0] =	vst v29  }
0x14d: {  	v29 =	vld [tilespmem:s3+$0x0]  }
0x14e: {  	v30 =	vld [tilespmem:s3+$0x80];
	_ =	sdelay $0x1  }
0x14f: {  	v31 =	vld [tilespmem:s3+$0x100];
	_ =	sdelay $0x1  }
0x150: {  	v32 =	vld [tilespmem:s3+$0x180]  }
0x151: {  	v29 =	vmul.f32 v29, v6;
	v30 =	vmul.f32 v30, v7  }
0x152: {  	v33 =	vld [tilespmem:s3+$0x200]  }
0x153: {  	v29 =	vadd.f32 v30, v29;
	v30 =	vmul.f32 v31, v5  }
0x154: {  	v31 =	vld [tilespmem:s3+$0x280]  }
0x155: {  	v29 =	vadd.f32 v30, v29;
	v30 =	vmul.f32 v32, v8  }
0x156: {  	v51 =	vld [tilespmem:s3+$0x300]  }
0x157: {  	v29 =	vadd.f32 v30, v29;
	v30 =	vmul.f32 v33, v9  }
0x158: {  	s25 =	sor.u32 $0x7000, s4;
	v52 =	vld [tilespmem:s3+$0x380]  }
0x159: {  	s5 =	sor.u32 s0, s25;
	v29 =	vadd.f32 v30, v29;
	v30 =	vmul.f32 v31, v10  }
0x15a: {  	s26 =	sor.u32 $0x7080, s4;
	v31 =	vld [tilespmem:s5+$0x0]  }
0x15b: {  	s6 =	sor.u32 s0, s26;
	v29 =	vadd.f32 v30, v29;
	v30 =	vmul.f32 v51, v11  }
0x15c: {  	s28 =	sor.u32 $0x7100, s4;
	v53 =	vld [tilespmem:s6+$0x0]  }
0x15d: {  	s7 =	sor.u32 s0, s28;
	v29 =	vadd.f32 v30, v29;
	v30 =	vmul.f32 v52, v12  }
0x15e: {  	s29 =	sor.u32 $0x7180, s4;
	v54 =	vld [tilespmem:s7+$0x0]  }
0x15f: {  	s8 =	sor.u32 s0, s29;
	v29 =	vadd.f32 v30, v29;
	v30 =	vmul.f32 v31, v13  }
0x160: {  	s30 =	sor.u32 $0x7200, s4;
	v31 =	vld [tilespmem:s8+$0x0]  }
0x161: {  	s9 =	sor.u32 s0, s30;
	v29 =	vadd.f32 v30, v29;
	v30 =	vmul.f32 v53, v14  }
0x162: {  	v55 =	vld [tilespmem:s9+$0x0];
	s8 =	sor.u32 $0x7280, s4  }
0x163: {  	s18 =	sor.u32 s0, s8;
	v29 =	vadd.f32 v30, v29;
	v30 =	vmul.f32 v54, v15  }
0x164: {  	s9 =	sor.u32 $0x7300, s4;
	v56 =	vld [tilespmem:s18+$0x0]  }
0x165: {  	s11 =	sor.u32 s0, s9;
	v29 =	vadd.f32 v30, v29;
	v30 =	vmul.f32 v31, v16  }
0x166: {  	s10 =	sor.u32 $0x7380, s4;
	v31 =	vld [tilespmem:s11+$0x0]  }
0x167: {  	s12 =	sor.u32 s0, s10;
	v29 =	vadd.f32 v30, v29;
	v30 =	vmul.f32 v55, v17  }
0x168: {  	v57 =	vld [tilespmem:s12+$0x0];
	s11 =	sor.u32 $0x8000, s4  }
0x169: {  	s13 =	sor.u32 s0, s11;
	v29 =	vadd.f32 v30, v29;
	v30 =	vmul.f32 v56, v18  }
0x16a: {  	s12 =	sor.u32 $0x8080, s4;
	v58 =	vld [tilespmem:s13+$0x0]  }
0x16b: {  	s14 =	sor.u32 s0, s12;
	v29 =	vadd.f32 v30, v29;
	v30 =	vmul.f32 v31, v19  }
0x16c: {  	s13 =	sor.u32 $0x8100, s4;
	v31 =	vld [tilespmem:s14+$0x0]  }
0x16d: {  	s15 =	sor.u32 s0, s13;
	v29 =	vadd.f32 v30, v29;
	v30 =	vmul.f32 v57, v20  }
0x16e: {  	v59 =	vld [tilespmem:s15+$0x0];
	s14 =	sor.u32 $0x8180, s4  }
0x16f: {  	s16 =	sor.u32 s0, s14;
	v29 =	vadd.f32 v30, v29;
	v30 =	vmul.f32 v58, v21  }
0x170: {  	s15 =	sor.u32 $0x8200, s4;
	v60 =	vld [tilespmem:s16+$0x0]  }
0x171: {  	s17 =	sor.u32 s0, s15;
	v29 =	vadd.f32 v30, v29;
	v30 =	vmul.f32 v31, v22  }
0x172: {  	s19 =	sor.u32 $0x8280, s4;
	v31 =	vld [tilespmem:s17+$0x0]  }
0x173: {  	s18 =	sor.u32 s0, s19;
	v29 =	vadd.f32 v30, v29;
	v30 =	vmul.f32 v59, v23  }
0x174: {  	s21 =	sor.u32 $0x8300, s4;
	v61 =	vld [tilespmem:s18+$0x0]  }
0x175: {  	s20 =	sor.u32 s0, s21;
	v29 =	vadd.f32 v30, v29;
	v30 =	vmul.f32 v60, v24  }
0x176: {  	s22 =	sor.u32 $0x8380, s4;
	v62 =	vld [tilespmem:s20+$0x0]  }
0x177: {  	s23 =	sor.u32 s0, s22;
	v29 =	vadd.f32 v30, v29;
	v30 =	vmul.f32 v31, v25  }
0x178: {  	v31 =	vld [tilespmem:s23+$0x0]  }
0x179: {  	v29 =	vadd.f32 v30, v29;
	v30 =	vmul.f32 v61, v26;
	_ =	sdelay $0x1  }
0x17a: {  	v29 =	vadd.f32 v30, v29;
	v30 =	vmul.f32 v62, v27;
	_ =	sdelay $0x1  }
0x17b: {  	v29 =	vadd.f32 v30, v29;
	v30 =	vmul.f32 v31, v28  }
0x17c: {  	s4 =	sshrl.u32 s4, $0x2  }
0x17d: {  	s24 =	sor.u32 $0x12000, s4;
	v29 =	vadd.f32 v30, v29  }
0x17e: {  	s4 =	sor.u32 s0, s24;
	s0 =	sor.u32 $0x10, s0  }
0x17f: {  	s1 =	sor.u32 s0, s1;
	[tilespmem:s4+$0x0] =	vst v29  }
0x180: {  	v29 =	vld [tilespmem:s1+$0x0]  }
0x181: {  	v30 =	vld [tilespmem:s1+$0x80];
	_ =	sdelay $0x1  }
0x182: {  	v31 =	vld [tilespmem:s1+$0x100];
	_ =	sdelay $0x1  }
0x183: {  	v63 =	vld [tilespmem:s1+$0x180]  }
0x184: {  	v6 =	vmul.f32 v29, v6;
	v7 =	vmul.f32 v30, v7  }
0x185: {  	v29 =	vld [tilespmem:s1+$0x200]  }
0x186: {  	v5 =	vmul.f32 v31, v5;
	v6 =	vadd.f32 v7, v6  }
0x187: {  	v7 =	vld [tilespmem:s1+$0x280]  }
0x188: {  	v8 =	vmul.f32 v63, v8;
	v5 =	vadd.f32 v5, v6  }
0x189: {  	v6 =	vld [tilespmem:s1+$0x300]  }
0x18a: {  	v9 =	vmul.f32 v29, v9;
	v5 =	vadd.f32 v8, v5  }
0x18b: {  	v8 =	vld [tilespmem:s1+$0x380]  }
0x18c: {  	s25 =	sor.u32 s0, s25;
	v7 =	vmul.f32 v7, v10;
	v5 =	vadd.f32 v9, v5  }
0x18d: {  	v9 =	vld [tilespmem:s25+$0x0]  }
0x18e: {  	s26 =	sor.u32 s0, s26;
	v6 =	vmul.f32 v6, v11;
	v5 =	vadd.f32 v7, v5  }
0x18f: {  	v7 =	vld [tilespmem:s26+$0x0]  }
0x190: {  	s28 =	sor.u32 s0, s28;
	v8 =	vmul.f32 v8, v12;
	v5 =	vadd.f32 v6, v5  }
0x191: {  	v6 =	vld [tilespmem:s28+$0x0]  }
0x192: {  	s29 =	sor.u32 s0, s29;
	v9 =	vmul.f32 v9, v13;
	v5 =	vadd.f32 v8, v5  }
0x193: {  	v8 =	vld [tilespmem:s29+$0x0]  }
0x194: {  	s30 =	sor.u32 s0, s30;
	v7 =	vmul.f32 v7, v14;
	v5 =	vadd.f32 v9, v5  }
0x195: {  	v9 =	vld [tilespmem:s30+$0x0]  }
0x196: {  	s2 =	sor.u32 s0, s8;
	v6 =	vmul.f32 v6, v15;
	v5 =	vadd.f32 v7, v5  }
0x197: {  	v7 =	vld [tilespmem:s2+$0x0]  }
0x198: {  	s3 =	sor.u32 s0, s9;
	v8 =	vmul.f32 v8, v16;
	v5 =	vadd.f32 v6, v5  }
0x199: {  	v6 =	vld [tilespmem:s3+$0x0]  }
0x19a: {  	s4 =	sor.u32 s0, s10;
	v9 =	vmul.f32 v9, v17;
	v5 =	vadd.f32 v8, v5  }
0x19b: {  	v8 =	vld [tilespmem:s4+$0x0]  }
0x19c: {  	s5 =	sor.u32 s0, s11;
	v7 =	vmul.f32 v7, v18;
	v5 =	vadd.f32 v9, v5  }
0x19d: {  	v9 =	vld [tilespmem:s5+$0x0]  }
0x19e: {  	s6 =	sor.u32 s0, s12;
	v6 =	vmul.f32 v6, v19;
	v5 =	vadd.f32 v7, v5  }
0x19f: {  	v7 =	vld [tilespmem:s6+$0x0]  }
0x1a0: {  	s7 =	sor.u32 s0, s13;
	v8 =	vmul.f32 v8, v20;
	v5 =	vadd.f32 v6, v5  }
0x1a1: {  	v6 =	vld [tilespmem:s7+$0x0]  }
0x1a2: {  	s8 =	sor.u32 s0, s14;
	v9 =	vmul.f32 v9, v21;
	v5 =	vadd.f32 v8, v5  }
0x1a3: {  	v8 =	vld [tilespmem:s8+$0x0]  }
0x1a4: {  	s9 =	sor.u32 s0, s15;
	v7 =	vmul.f32 v7, v22;
	v5 =	vadd.f32 v9, v5  }
0x1a5: {  	v9 =	vld [tilespmem:s9+$0x0]  }
0x1a6: {  	s10 =	sor.u32 s0, s19;
	v6 =	vmul.f32 v6, v23;
	v5 =	vadd.f32 v7, v5  }
0x1a7: {  	v7 =	vld [tilespmem:s10+$0x0]  }
0x1a8: {  	s11 =	sor.u32 s0, s21;
	v8 =	vmul.f32 v8, v24;
	v5 =	vadd.f32 v6, v5  }
0x1a9: {  	v6 =	vld [tilespmem:s11+$0x0]  }
0x1aa: {  	s12 =	sor.u32 s0, s22;
	v9 =	vmul.f32 v9, v25;
	v5 =	vadd.f32 v8, v5  }
0x1ab: {  	v8 =	vld [tilespmem:s12+$0x0]  }
0x1ac: {  	v7 =	vmul.f32 v7, v26;
	v5 =	vadd.f32 v9, v5;
	_ =	sdelay $0x1  }
0x1ad: {  	v6 =	vmul.f32 v6, v27;
	v5 =	vadd.f32 v7, v5;
	_ =	sdelay $0x1  }
0x1ae: {  	v7 =	vmul.f32 v8, v28;
	v5 =	vadd.f32 v6, v5  }
0x1af: {  	s13 =	simm.s32 $0x0  }
0x1b0: {  	s4 =	sand.u32 $0xC00, s13;
	v5 =	vadd.f32 v7, v5  }
0x1b1: {  	s14 =	sor.u32 s0, s24;
	s2 =	sand.u32 $0x60, s13;
	s0 =	sor.u32 $0x9000, s4  }
0x1b2: {  	s1 =	sor.u32 $0x9080, s4;
	s15 =	sor.u32 s2, s0;
	[tilespmem:s14+$0x0] =	vst v5  }
0x1b3: {  	s16 =	sor.u32 s2, s1;
	v8 =	vld [tilespmem:s15+$0x0]  }
0x1b4: {  	s3 =	sor.u32 $0x9100, s4;
	v9 =	vld [tilespmem:s16+$0x0]  }
0x1b5: {  	s17 =	sor.u32 s2, s3  }
0x1b6: {  	s5 =	sor.u32 $0x9180, s4;
	v10 =	vld [tilespmem:s17+$0x0]  }
0x1b7: {  	s18 =	sor.u32 s2, s5;
	v7 =	vbroadcast v4, $0x8;
	v5 =	vbroadcast v4, $0x9  }
0x1b8: {  	s6 =	sor.u32 $0x9200, s4;
	v6 =	vbroadcast v4, $0xA;
	v11 =	vld [tilespmem:s18+$0x0]  }
0x1b9: {  	s19 =	sor.u32 s2, s6;
	v12 =	vmul.f32 v8, v7;
	v9 =	vmul.f32 v9, v5  }
0x1ba: {  	s7 =	sor.u32 $0x9280, s4;
	v13 =	vld [tilespmem:s19+$0x0]  }
0x1bb: {  	s20 =	sor.u32 s2, s7;
	v8 =	vbroadcast v4, $0xB;
	v10 =	vmul.f32 v10, v6;
	v12 =	vadd.f32 v9, v12  }
0x1bc: {  	s8 =	sor.u32 $0x9300, s4;
	v14 =	vld [tilespmem:s20+$0x0]  }
0x1bd: {  	s21 =	sor.u32 s2, s8;
	v9 =	vbroadcast v4, $0xC;
	v11 =	vmul.f32 v11, v8;
	v12 =	vadd.f32 v10, v12  }
0x1be: {  	s9 =	sor.u32 $0x9380, s4;
	v15 =	vld [tilespmem:s21+$0x0]  }
0x1bf: {  	s22 =	sor.u32 s2, s9;
	v10 =	vbroadcast v4, $0xD;
	v13 =	vmul.f32 v13, v9;
	v12 =	vadd.f32 v11, v12  }
0x1c0: {  	s10 =	sor.u32 $0xA000, s4;
	v16 =	vld [tilespmem:s22+$0x0]  }
0x1c1: {  	s23 =	sor.u32 s2, s10;
	v11 =	vbroadcast v4, $0xE;
	v12 =	vadd.f32 v13, v12;
	v13 =	vmul.f32 v14, v10  }
0x1c2: {  	s11 =	sor.u32 $0xA080, s4;
	v14 =	vld [tilespmem:s23+$0x0]  }
0x1c3: {  	s24 =	sor.u32 s2, s11;
	v4 =	vbroadcast v4, $0xF;
	v15 =	vmul.f32 v15, v11;
	v13 =	vadd.f32 v13, v12  }
0x1c4: {  	s12 =	sor.u32 $0xA100, s4;
	v17 =	vld [tilespmem:s24+$0x0]  }
0x1c5: {  	s25 =	sor.u32 s2, s12;
	v16 =	vmul.f32 v16, v4;
	v12 =	vbroadcast v3, $0x0;
	v15 =	vadd.f32 v15, v13  }
0x1c6: {  	s13 =	sor.u32 $0xA180, s4;
	v18 =	vld [tilespmem:s25+$0x0]  }
0x1c7: {  	s26 =	sor.u32 s2, s13;
	v13 =	vbroadcast v3, $0x1;
	v15 =	vadd.f32 v16, v15;
	v16 =	vmul.f32 v14, v12  }
0x1c8: {  	s14 =	sor.u32 $0xA200, s4;
	v19 =	vld [tilespmem:s26+$0x0]  }
0x1c9: {  	s28 =	sor.u32 s2, s14;
	v14 =	vbroadcast v3, $0x2;
	v17 =	vmul.f32 v17, v13;
	v16 =	vadd.f32 v16, v15  }
0x1ca: {  	s15 =	sor.u32 $0xA280, s4;
	v20 =	vld [tilespmem:s28+$0x0]  }
0x1cb: {  	s29 =	sor.u32 s2, s15;
	v15 =	vbroadcast v3, $0x3;
	v18 =	vmul.f32 v18, v14;
	v17 =	vadd.f32 v17, v16  }
0x1cc: {  	s16 =	sor.u32 $0xA300, s4;
	v21 =	vld [tilespmem:s29+$0x0]  }
0x1cd: {  	s30 =	sor.u32 s2, s16;
	v16 =	vbroadcast v3, $0x4;
	v19 =	vmul.f32 v19, v15;
	v18 =	vadd.f32 v18, v17  }
0x1ce: {  	s17 =	sor.u32 $0xA380, s4;
	v22 =	vld [tilespmem:s30+$0x0]  }
0x1cf: {  	s18 =	sor.u32 s2, s17;
	v17 =	vbroadcast v3, $0x5;
	v20 =	vmul.f32 v20, v16;
	v19 =	vadd.f32 v19, v18  }
0x1d0: {  	s19 =	sor.u32 $0xB000, s4;
	v23 =	vld [tilespmem:s18+$0x0]  }
0x1d1: {  	s21 =	sor.u32 s2, s19;
	v18 =	vbroadcast v3, $0x6;
	v21 =	vmul.f32 v21, v17;
	v20 =	vadd.f32 v20, v19  }
0x1d2: {  	s20 =	sor.u32 $0xB080, s4;
	v24 =	vld [tilespmem:s21+$0x0]  }
0x1d3: {  	s23 =	sor.u32 s2, s20;
	v19 =	vbroadcast v3, $0x7;
	v22 =	vmul.f32 v22, v18;
	v21 =	vadd.f32 v21, v20  }
0x1d4: {  	s21 =	sor.u32 $0xB100, s4;
	v25 =	vld [tilespmem:s23+$0x0]  }
0x1d5: {  	s24 =	sor.u32 s2, s21;
	v20 =	vbroadcast v3, $0x8;
	v23 =	vmul.f32 v23, v19;
	v22 =	vadd.f32 v22, v21  }
0x1d6: {  	v26 =	vld [tilespmem:s24+$0x0];
	s23 =	sor.u32 $0xB180, s4  }
0x1d7: {  	s25 =	sor.u32 s2, s23;
	v21 =	vbroadcast v3, $0x9;
	v24 =	vmul.f32 v24, v20;
	v23 =	vadd.f32 v23, v22  }
0x1d8: {  	s24 =	sor.u32 $0xB200, s4;
	v27 =	vld [tilespmem:s25+$0x0]  }
0x1d9: {  	s26 =	sor.u32 s2, s24;
	v22 =	vbroadcast v3, $0xA;
	v25 =	vmul.f32 v25, v21;
	v24 =	vadd.f32 v24, v23  }
0x1da: {  	v28 =	vld [tilespmem:s26+$0x0];
	s25 =	sor.u32 $0xB280, s4  }
0x1db: {  	s28 =	sor.u32 s2, s25;
	v23 =	vbroadcast v3, $0xB;
	v26 =	vmul.f32 v26, v22;
	v25 =	vadd.f32 v25, v24  }
0x1dc: {  	s26 =	sor.u32 $0xB300, s4;
	v29 =	vld [tilespmem:s28+$0x0]  }
0x1dd: {  	s29 =	sor.u32 s2, s26;
	v24 =	vbroadcast v3, $0xC;
	v27 =	vmul.f32 v27, v23;
	v26 =	vadd.f32 v26, v25  }
0x1de: {  	v30 =	vld [tilespmem:s29+$0x0];
	s28 =	sor.u32 $0xB380, s4  }
0x1df: {  	s30 =	sor.u32 s2, s28;
	v25 =	vbroadcast v3, $0xD;
	v28 =	vmul.f32 v28, v24;
	v27 =	vadd.f32 v27, v26  }
0x1e0: {  	v31 =	vld [tilespmem:s30+$0x0]  }
0x1e1: {  	v26 =	vbroadcast v3, $0xE;
	v27 =	vadd.f32 v28, v27;
	v28 =	vmul.f32 v29, v25;
	_ =	sdelay $0x1  }
0x1e2: {  	v3 =	vbroadcast v3, $0xF;
	v27 =	vadd.f32 v28, v27;
	v28 =	vmul.f32 v30, v26;
	_ =	sdelay $0x1  }
0x1e3: {  	v27 =	vadd.f32 v28, v27;
	v28 =	vmul.f32 v31, v3  }
0x1e4: {  	s4 =	sshrl.u32 s4, $0x2  }
0x1e5: {  	s22 =	sor.u32 $0x12000, s4;
	v27 =	vadd.f32 v28, v27  }
0x1e6: {  	s31 =	sor.u32 $0x10, s2;
	s4 =	sor.u32 s2, s22  }
0x1e7: {  	s0 =	sor.u32 s31, s0;
	[tilespmem:s4+$0x80] =	vst v27  }
0x1e8: {  	s2 =	sor.u32 s31, s1;
	v27 =	vld [tilespmem:s0+$0x0]  }
0x1e9: {  	v28 =	vld [tilespmem:s2+$0x0]  }
0x1ea: {  	s4 =	sor.u32 s31, s3  }
0x1eb: {  	v29 =	vld [tilespmem:s4+$0x0]  }
0x1ec: {  	s5 =	sor.u32 s31, s5  }
0x1ed: {  	v30 =	vld [tilespmem:s5+$0x0]  }
0x1ee: {  	s6 =	sor.u32 s31, s6;
	v27 =	vmul.f32 v27, v7;
	v28 =	vmul.f32 v28, v5  }
0x1ef: {  	v31 =	vld [tilespmem:s6+$0x0]  }
0x1f0: {  	s7 =	sor.u32 s31, s7;
	v29 =	vmul.f32 v29, v6;
	v27 =	vadd.f32 v28, v27  }
0x1f1: {  	v28 =	vld [tilespmem:s7+$0x0]  }
0x1f2: {  	s8 =	sor.u32 s31, s8;
	v30 =	vmul.f32 v30, v8;
	v27 =	vadd.f32 v29, v27  }
0x1f3: {  	v29 =	vld [tilespmem:s8+$0x0]  }
0x1f4: {  	s9 =	sor.u32 s31, s9;
	v31 =	vmul.f32 v31, v9;
	v27 =	vadd.f32 v30, v27  }
0x1f5: {  	v30 =	vld [tilespmem:s9+$0x0]  }
0x1f6: {  	s10 =	sor.u32 s31, s10;
	v28 =	vmul.f32 v28, v10;
	v27 =	vadd.f32 v31, v27  }
0x1f7: {  	v31 =	vld [tilespmem:s10+$0x0]  }
0x1f8: {  	s11 =	sor.u32 s31, s11;
	v29 =	vmul.f32 v29, v11;
	v27 =	vadd.f32 v28, v27  }
0x1f9: {  	v28 =	vld [tilespmem:s11+$0x0]  }
0x1fa: {  	s12 =	sor.u32 s31, s12;
	v30 =	vmul.f32 v30, v4;
	v27 =	vadd.f32 v29, v27  }
0x1fb: {  	v29 =	vld [tilespmem:s12+$0x0]  }
0x1fc: {  	s13 =	sor.u32 s31, s13;
	v31 =	vmul.f32 v31, v12;
	v27 =	vadd.f32 v30, v27  }
0x1fd: {  	v30 =	vld [tilespmem:s13+$0x0]  }
0x1fe: {  	s14 =	sor.u32 s31, s14;
	v28 =	vmul.f32 v28, v13;
	v27 =	vadd.f32 v31, v27  }
0x1ff: {  	v31 =	vld [tilespmem:s14+$0x0]  }
0x200: {  	s15 =	sor.u32 s31, s15;
	v29 =	vmul.f32 v29, v14;
	v27 =	vadd.f32 v28, v27  }
0x201: {  	v28 =	vld [tilespmem:s15+$0x0]  }
0x202: {  	s16 =	sor.u32 s31, s16;
	v30 =	vmul.f32 v30, v15;
	v27 =	vadd.f32 v29, v27  }
0x203: {  	v29 =	vld [tilespmem:s16+$0x0]  }
0x204: {  	s17 =	sor.u32 s31, s17;
	v31 =	vmul.f32 v31, v16;
	v27 =	vadd.f32 v30, v27  }
0x205: {  	v30 =	vld [tilespmem:s17+$0x0]  }
0x206: {  	s19 =	sor.u32 s31, s19;
	v28 =	vmul.f32 v28, v17;
	v27 =	vadd.f32 v31, v27  }
0x207: {  	v31 =	vld [tilespmem:s19+$0x0]  }
0x208: {  	s20 =	sor.u32 s31, s20;
	v29 =	vmul.f32 v29, v18;
	v27 =	vadd.f32 v28, v27  }
0x209: {  	v28 =	vld [tilespmem:s20+$0x0]  }
0x20a: {  	s21 =	sor.u32 s31, s21;
	v30 =	vmul.f32 v30, v19;
	v27 =	vadd.f32 v29, v27  }
0x20b: {  	v29 =	vld [tilespmem:s21+$0x0]  }
0x20c: {  	s23 =	sor.u32 s31, s23;
	v31 =	vmul.f32 v31, v20;
	v27 =	vadd.f32 v30, v27  }
0x20d: {  	v30 =	vld [tilespmem:s23+$0x0]  }
0x20e: {  	s24 =	sor.u32 s31, s24;
	v28 =	vmul.f32 v28, v21;
	v27 =	vadd.f32 v31, v27  }
0x20f: {  	v31 =	vld [tilespmem:s24+$0x0]  }
0x210: {  	s25 =	sor.u32 s31, s25;
	v29 =	vmul.f32 v29, v22;
	v27 =	vadd.f32 v28, v27  }
0x211: {  	v28 =	vld [tilespmem:s25+$0x0]  }
0x212: {  	s29 =	sor.u32 s31, s26;
	v30 =	vmul.f32 v30, v23;
	v27 =	vadd.f32 v29, v27  }
0x213: {  	v29 =	vld [tilespmem:s29+$0x0]  }
0x214: {  	s30 =	sor.u32 s31, s28;
	v31 =	vmul.f32 v31, v24;
	v27 =	vadd.f32 v30, v27  }
0x215: {  	v30 =	vld [tilespmem:s30+$0x0]  }
0x216: {  	v28 =	vmul.f32 v28, v25;
	v27 =	vadd.f32 v31, v27;
	_ =	sdelay $0x1  }
0x217: {  	v29 =	vmul.f32 v29, v26;
	v28 =	vadd.f32 v28, v27;
	_ =	sdelay $0x1  }
0x218: {  	s26 =	simm.s32 $0x100;
	s24 =	simm.s32 $0x20;
	s25 =	simm.s32 $0x2;
	v27 =	vmul.f32 v30, v3;
	v28 =	vadd.f32 v29, v28  }
.LBB2_5:
0x219: {  	s23 =	sand.u32 $0x60, s24;
	s19 =	sand.u32 $0xC00, s26;
	s0 =	sor.u32 s31, s22  }
0x21a: {  	s21 =	sor.u32 $0x9000, s19;
	s8 =	sor.u32 $0x9080, s19;
	s2 =	sor.u32 $0x9100, s19;
	v27 =	vadd.f32 v27, v28  }
0x21b: {  	s3 =	sor.u32 $0x9180, s19;
	s1 =	sor.u32 s23, s21;
	s5 =	sor.u32 s23, s8  }
0x21c: {  	s20 =	sor.u32 $0x9200, s19;
	s4 =	sor.u32 $0x9280, s19;
	s16 =	sor.u32 $0x9300, s19;
	[tilespmem:s0+$0x80] =	vst v27  }
0x21d: {  	s12 =	sor.u32 $0x9380, s19;
	s17 =	sor.u32 $0xA000, s19;
	s11 =	sor.u32 $0xA080, s19;
	v27 =	vld [tilespmem:s1+$0x0]  }
0x21e: {  	s14 =	sor.u32 $0xA100, s19;
	s18 =	sor.u32 $0xA200, s19;
	v28 =	vld [tilespmem:s5+$0x0];
	s5 =	sor.u32 $0xA180, s19  }
0x21f: {  	s15 =	sor.u32 $0xA280, s19;
	s9 =	sor.u32 $0xA300, s19;
	s0 =	sor.u32 s23, s2  }
0x220: {  	s7 =	sor.u32 $0xA380, s19;
	s6 =	sor.u32 $0xB000, s19;
	s10 =	sor.u32 $0xB080, s19;
	v29 =	vld [tilespmem:s0+$0x0]  }
0x221: {  	s13 =	sor.u32 $0xB100, s19;
	s1 =	sor.u32 s23, s3;
	s0 =	sor.u32 $0xB180, s19  }
0x222: {  	s30 =	sor.u32 $0xB280, s19;
	s29 =	sor.u32 $0xB300, s19;
	v30 =	vld [tilespmem:s1+$0x0];
	s1 =	sor.u32 $0xB200, s19  }
0x223: {  	s28 =	sor.u32 $0xB380, s19;
	s22 =	sor.u32 s23, s20;
	v27 =	vmul.f32 v27, v7;
	s19 =	sshrl.u32 s19, $0x2;
	v28 =	vmul.f32 v28, v5  }
0x224: {  	s25 =	sadd.s32 $0x2, s25;
	v31 =	vld [tilespmem:s22+$0x0];
	s22 =	sor.u32 $0x12000, s19  }
0x225: {  	p1 =	slt.u32 s25, $0x1E;
	s19 =	sor.u32 s23, s4;
	v27 =	vadd.f32 v28, v27;
	v28 =	vmul.f32 v29, v6  }
0x226: {  	v29 =	vld [tilespmem:s19+$0x0]  }
0x227: {  	s19 =	sor.u32 s23, s16;
	v27 =	vadd.f32 v28, v27;
	v28 =	vmul.f32 v30, v8  }
0x228: {  	v30 =	vld [tilespmem:s19+$0x0]  }
0x229: {  	s19 =	sor.u32 s23, s12;
	v27 =	vadd.f32 v28, v27;
	v28 =	vmul.f32 v31, v9  }
0x22a: {  	v31 =	vld [tilespmem:s19+$0x0]  }
0x22b: {  	s19 =	sor.u32 s23, s17;
	v27 =	vadd.f32 v28, v27;
	v28 =	vmul.f32 v29, v10  }
0x22c: {  	v29 =	vld [tilespmem:s19+$0x0]  }
0x22d: {  	s19 =	sor.u32 s23, s11;
	v27 =	vadd.f32 v28, v27;
	v28 =	vmul.f32 v30, v11  }
0x22e: {  	v30 =	vld [tilespmem:s19+$0x0]  }
0x22f: {  	s19 =	sor.u32 s23, s14;
	v27 =	vadd.f32 v28, v27;
	v28 =	vmul.f32 v31, v4  }
0x230: {  	v31 =	vld [tilespmem:s19+$0x0]  }
0x231: {  	s19 =	sor.u32 s23, s5;
	v27 =	vadd.f32 v28, v27;
	v28 =	vmul.f32 v29, v12  }
0x232: {  	v29 =	vld [tilespmem:s19+$0x0]  }
0x233: {  	s19 =	sor.u32 s23, s18;
	v27 =	vadd.f32 v28, v27;
	v28 =	vmul.f32 v30, v13  }
0x234: {  	v30 =	vld [tilespmem:s19+$0x0]  }
0x235: {  	s19 =	sor.u32 s23, s15;
	v27 =	vadd.f32 v28, v27;
	v28 =	vmul.f32 v31, v14  }
0x236: {  	v31 =	vld [tilespmem:s19+$0x0]  }
0x237: {  	s19 =	sor.u32 s23, s9;
	v27 =	vadd.f32 v28, v27;
	v28 =	vmul.f32 v29, v15  }
0x238: {  	v29 =	vld [tilespmem:s19+$0x0]  }
0x239: {  	s19 =	sor.u32 s23, s7;
	v27 =	vadd.f32 v28, v27;
	v28 =	vmul.f32 v30, v16  }
0x23a: {  	v30 =	vld [tilespmem:s19+$0x0]  }
0x23b: {  	s19 =	sor.u32 s23, s6;
	v27 =	vadd.f32 v28, v27;
	v28 =	vmul.f32 v31, v17  }
0x23c: {  	v31 =	vld [tilespmem:s19+$0x0]  }
0x23d: {  	s19 =	sor.u32 s23, s10;
	v27 =	vadd.f32 v28, v27;
	v28 =	vmul.f32 v29, v18  }
0x23e: {  	v29 =	vld [tilespmem:s19+$0x0]  }
0x23f: {  	s19 =	sor.u32 s23, s13;
	v27 =	vadd.f32 v28, v27;
	v28 =	vmul.f32 v30, v19  }
0x240: {  	v30 =	vld [tilespmem:s19+$0x0]  }
0x241: {  	s19 =	sor.u32 s23, s0;
	v27 =	vadd.f32 v28, v27;
	v28 =	vmul.f32 v31, v20  }
0x242: {  	v31 =	vld [tilespmem:s19+$0x0]  }
0x243: {  	s19 =	sor.u32 s23, s1;
	v27 =	vadd.f32 v28, v27;
	v28 =	vmul.f32 v29, v21  }
0x244: {  	v29 =	vld [tilespmem:s19+$0x0]  }
0x245: {  	s19 =	sor.u32 s23, s30;
	v27 =	vadd.f32 v28, v27;
	v28 =	vmul.f32 v30, v22  }
0x246: {  	v30 =	vld [tilespmem:s19+$0x0]  }
0x247: {  	s19 =	sor.u32 s23, s29;
	v27 =	vadd.f32 v28, v27;
	v28 =	vmul.f32 v31, v23  }
0x248: {  	v31 =	vld [tilespmem:s19+$0x0]  }
0x249: {  	s19 =	sor.u32 s23, s28;
	v27 =	vadd.f32 v28, v27;
	v28 =	vmul.f32 v29, v24  }
0x24a: {  	v29 =	vld [tilespmem:s19+$0x0]  }
0x24b: {  	v27 =	vadd.f32 v28, v27;
	v28 =	vmul.f32 v30, v25;
	_ =	sdelay $0x1  }
0x24c: {  	v27 =	vadd.f32 v28, v27;
	v28 =	vmul.f32 v31, v26;
	_ =	sdelay $0x1  }
0x24d: {  	v27 =	vadd.f32 v28, v27;
	v28 =	vmul.f32 v29, v3;
	_ =	sdelay $0x1  }
0x24e: {  	v27 =	vadd.f32 v28, v27  }
0x24f: {  	s31 =	sor.u32 $0x10, s23;
	s19 =	sor.u32 s23, s22  }
0x250: {  	[tilespmem:s19+$0x80] =	vst v27;
	s19 =	sor.u32 s31, s21  }
0x251: {  	s8 =	sor.u32 s31, s8;
	v27 =	vld [tilespmem:s19+$0x0]  }
0x252: {  	s2 =	sor.u32 s31, s2;
	v28 =	vld [tilespmem:s8+$0x0]  }
0x253: {  	v29 =	vld [tilespmem:s2+$0x0]  }
0x254: {  	s2 =	sor.u32 s31, s3  }
0x255: {  	v30 =	vld [tilespmem:s2+$0x0]  }
0x256: {  	s2 =	sor.u32 s31, s20;
	v27 =	vmul.f32 v27, v7  }
0x257: {  	v28 =	vmul.f32 v28, v5;
	v31 =	vld [tilespmem:s2+$0x0]  }
0x258: {  	s2 =	sor.u32 s31, s4;
	v29 =	vmul.f32 v29, v6  }
0x259: {  	v27 =	vadd.f32 v28, v27;
	v28 =	vld [tilespmem:s2+$0x0]  }
0x25a: {  	s2 =	sor.u32 s31, s16;
	v30 =	vmul.f32 v30, v8  }
0x25b: {  	v27 =	vadd.f32 v29, v27;
	v29 =	vld [tilespmem:s2+$0x0]  }
0x25c: {  	s2 =	sor.u32 s31, s12;
	v31 =	vmul.f32 v31, v9  }
0x25d: {  	v27 =	vadd.f32 v30, v27;
	v30 =	vld [tilespmem:s2+$0x0]  }
0x25e: {  	s2 =	sor.u32 s31, s17;
	v28 =	vmul.f32 v28, v10  }
0x25f: {  	v27 =	vadd.f32 v31, v27;
	v31 =	vld [tilespmem:s2+$0x0]  }
0x260: {  	s2 =	sor.u32 s31, s11;
	v29 =	vmul.f32 v29, v11  }
0x261: {  	v27 =	vadd.f32 v28, v27;
	v28 =	vld [tilespmem:s2+$0x0]  }
0x262: {  	s2 =	sor.u32 s31, s14;
	v30 =	vmul.f32 v30, v4  }
0x263: {  	v27 =	vadd.f32 v29, v27;
	v29 =	vld [tilespmem:s2+$0x0]  }
0x264: {  	s2 =	sor.u32 s31, s5;
	v31 =	vmul.f32 v31, v12  }
0x265: {  	v27 =	vadd.f32 v30, v27;
	v30 =	vld [tilespmem:s2+$0x0]  }
0x266: {  	s2 =	sor.u32 s31, s18;
	v28 =	vmul.f32 v28, v13  }
0x267: {  	v27 =	vadd.f32 v31, v27;
	v31 =	vld [tilespmem:s2+$0x0]  }
0x268: {  	s2 =	sor.u32 s31, s15;
	v29 =	vmul.f32 v29, v14  }
0x269: {  	v27 =	vadd.f32 v28, v27;
	v28 =	vld [tilespmem:s2+$0x0]  }
0x26a: {  	s2 =	sor.u32 s31, s9;
	v30 =	vmul.f32 v30, v15  }
0x26b: {  	v27 =	vadd.f32 v29, v27;
	v29 =	vld [tilespmem:s2+$0x0]  }
0x26c: {  	s2 =	sor.u32 s31, s7;
	v31 =	vmul.f32 v31, v16  }
0x26d: {  	v27 =	vadd.f32 v30, v27;
	v30 =	vld [tilespmem:s2+$0x0]  }
0x26e: {  	s2 =	sor.u32 s31, s6;
	v28 =	vmul.f32 v28, v17  }
0x26f: {  	v27 =	vadd.f32 v31, v27;
	v31 =	vld [tilespmem:s2+$0x0]  }
0x270: {  	s2 =	sor.u32 s31, s10;
	v29 =	vmul.f32 v29, v18  }
0x271: {  	v27 =	vadd.f32 v28, v27;
	v28 =	vld [tilespmem:s2+$0x0]  }
0x272: {  	s2 =	sor.u32 s31, s13;
	v30 =	vmul.f32 v30, v19  }
0x273: {  	v27 =	vadd.f32 v29, v27;
	v29 =	vld [tilespmem:s2+$0x0]  }
0x274: {  	s0 =	sor.u32 s31, s0;
	v31 =	vmul.f32 v31, v20  }
0x275: {  	v27 =	vadd.f32 v30, v27;
	v30 =	vld [tilespmem:s0+$0x0]  }
0x276: {  	s0 =	sor.u32 s31, s1;
	v28 =	vmul.f32 v28, v21  }
0x277: {  	v27 =	vadd.f32 v31, v27;
	v31 =	vld [tilespmem:s0+$0x0]  }
0x278: {  	s0 =	sor.u32 s31, s30;
	v29 =	vmul.f32 v29, v22  }
0x279: {  	v27 =	vadd.f32 v28, v27;
	v28 =	vld [tilespmem:s0+$0x0]  }
0x27a: {  	s0 =	sor.u32 s31, s29;
	v30 =	vmul.f32 v30, v23  }
0x27b: {  	v27 =	vadd.f32 v29, v27;
	v29 =	vld [tilespmem:s0+$0x0]  }
0x27c: {  	s0 =	sor.u32 s31, s28;
	v31 =	vmul.f32 v31, v24  }
0x27d: {  	v27 =	vadd.f32 v30, v27;
	v30 =	vld [tilespmem:s0+$0x0]  }
0x27e: {  	v28 =	vmul.f32 v28, v25  }
.Ltmp1:
0x27f: {  	v27 =	vadd.f32 v31, v27;
	(pc) =	sbr.rel @p1 .LBB2_5-.Ltmp1, $4  }
0x280: {  	v29 =	vmul.f32 v29, v26  }
0x281: {  	v28 =	vadd.f32 v28, v27  }
0x282: {  	v27 =	vmul.f32 v30, v3  }
0x283: {  	s24 =	sadd.s32 $0x20, s24;
	s26 =	sadd.s32 $0x100, s26;
	v28 =	vadd.f32 v29, v28  }
0x284: {  	_ = 	snop  }
0x285: {  	s3 =	sand.u32 $0xC00, s26;
	v27 =	vadd.f32 v27, v28  }
0x286: {  	s1 =	sand.u32 $0x60, s24;
	s4 =	sor.u32 s31, s22;
	s2 =	sor.u32 $0x9000, s3  }
0x287: {  	s0 =	sor.u32 $0x9080, s3;
	s5 =	sor.u32 s1, s2;
	[tilespmem:s4+$0x80] =	vst v27  }
0x288: {  	s6 =	sor.u32 s1, s0;
	v27 =	vld [tilespmem:s5+$0x0]  }
0x289: {  	s4 =	sor.u32 $0x9100, s3;
	v55 =	vld [tilespmem:s6+$0x0]  }
0x28a: {  	s24 =	sor.u32 s1, s4  }
0x28b: {  	s5 =	sor.u32 $0x9180, s3;
	v29 =	vld [tilespmem:s24+$0x0]  }
0x28c: {  	s7 =	sor.u32 s1, s5  }
0x28d: {  	s6 =	sor.u32 $0x9200, s3;
	v30 =	vld [tilespmem:s7+$0x0]  }
0x28e: {  	s8 =	sor.u32 s1, s6;
	v27 =	vmul.f32 v27, v7;
	v28 =	vmul.f32 v55, v5  }
0x28f: {  	s7 =	sor.u32 $0x9280, s3;
	v31 =	vld [tilespmem:s8+$0x0]  }
0x290: {  	s9 =	sor.u32 s1, s7;
	v56 =	vmul.f32 v29, v6;
	v27 =	vadd.f32 v28, v27  }
0x291: {  	s8 =	sor.u32 $0x9300, s3;
	v57 =	vld [tilespmem:s9+$0x0]  }
0x292: {  	s10 =	sor.u32 s1, s8;
	v58 =	vmul.f32 v30, v8;
	v27 =	vadd.f32 v56, v27  }
0x293: {  	s9 =	sor.u32 $0x9380, s3;
	v59 =	vld [tilespmem:s10+$0x0]  }
0x294: {  	s11 =	sor.u32 s1, s9;
	v60 =	vmul.f32 v31, v9;
	v27 =	vadd.f32 v58, v27  }
0x295: {  	s10 =	sor.u32 $0xA000, s3;
	v61 =	vld [tilespmem:s11+$0x0]  }
0x296: {  	s12 =	sor.u32 s1, s10;
	v62 =	vmul.f32 v57, v10;
	v27 =	vadd.f32 v60, v27  }
0x297: {  	s11 =	sor.u32 $0xA080, s3;
	v63 =	vld [tilespmem:s12+$0x0]  }
0x298: {  	s13 =	sor.u32 s1, s11;
	v33 =	vmul.f32 v59, v11;
	v27 =	vadd.f32 v62, v27  }
0x299: {  	s12 =	sor.u32 $0xA100, s3;
	v34 =	vld [tilespmem:s13+$0x0]  }
0x29a: {  	s14 =	sor.u32 s1, s12;
	v35 =	vmul.f32 v61, v4;
	v27 =	vadd.f32 v33, v27  }
0x29b: {  	s13 =	sor.u32 $0xA180, s3;
	v36 =	vld [tilespmem:s14+$0x0]  }
0x29c: {  	s15 =	sor.u32 s1, s13;
	v37 =	vmul.f32 v63, v12;
	v27 =	vadd.f32 v35, v27  }
0x29d: {  	s14 =	sor.u32 $0xA200, s3;
	v38 =	vld [tilespmem:s15+$0x0]  }
0x29e: {  	s16 =	sor.u32 s1, s14;
	v39 =	vmul.f32 v34, v13;
	v27 =	vadd.f32 v37, v27  }
0x29f: {  	s15 =	sor.u32 $0xA280, s3;
	v40 =	vld [tilespmem:s16+$0x0]  }
0x2a0: {  	s17 =	sor.u32 s1, s15;
	v41 =	vmul.f32 v36, v14;
	v27 =	vadd.f32 v39, v27  }
0x2a1: {  	s16 =	sor.u32 $0xA300, s3;
	v42 =	vld [tilespmem:s17+$0x0]  }
0x2a2: {  	s18 =	sor.u32 s1, s16;
	v43 =	vmul.f32 v38, v15;
	v27 =	vadd.f32 v41, v27  }
0x2a3: {  	s17 =	sor.u32 $0xA380, s3;
	v44 =	vld [tilespmem:s18+$0x0]  }
0x2a4: {  	s19 =	sor.u32 s1, s17;
	v45 =	vmul.f32 v40, v16;
	v27 =	vadd.f32 v43, v27  }
0x2a5: {  	s18 =	sor.u32 $0xB000, s3;
	v46 =	vld [tilespmem:s19+$0x0]  }
0x2a6: {  	s25 =	sor.u32 s1, s18;
	v47 =	vmul.f32 v42, v17;
	v27 =	vadd.f32 v45, v27  }
0x2a7: {  	s20 =	sor.u32 $0xB080, s3;
	v48 =	vld [tilespmem:s25+$0x0]  }
0x2a8: {  	s26 =	sor.u32 s1, s20;
	v49 =	vmul.f32 v44, v18;
	v27 =	vadd.f32 v47, v27  }
0x2a9: {  	s21 =	sor.u32 $0xB100, s3;
	v50 =	vld [tilespmem:s26+$0x0]  }
0x2aa: {  	s28 =	sor.u32 s1, s21;
	v51 =	vmul.f32 v46, v19;
	v27 =	vadd.f32 v49, v27  }
0x2ab: {  	s22 =	sor.u32 $0xB180, s3;
	v52 =	vld [tilespmem:s28+$0x0]  }
0x2ac: {  	s29 =	sor.u32 s1, s22;
	v53 =	vmul.f32 v48, v20;
	v27 =	vadd.f32 v51, v27  }
0x2ad: {  	s23 =	sor.u32 $0xB200, s3;
	v54 =	vld [tilespmem:s29+$0x0]  }
0x2ae: {  	s30 =	sor.u32 s1, s23;
	v55 =	vmul.f32 v50, v21;
	v27 =	vadd.f32 v53, v27  }
0x2af: {  	s24 =	sor.u32 $0xB280, s3;
	v56 =	vld [tilespmem:s30+$0x0]  }
0x2b0: {  	s31 =	sor.u32 s1, s24;
	v57 =	vmul.f32 v52, v22;
	v27 =	vadd.f32 v55, v27  }
0x2b1: {  	v58 =	vld [tilespmem:s31+$0x0];
	s25 =	sor.u32 $0xB300, s3  }
0x2b2: {  	v59 =	vmul.f32 v54, v23;
	s26 =	sor.u32 s1, s25;
	v27 =	vadd.f32 v57, v27  }
0x2b3: {  	v60 =	vld [tilespmem:s26+$0x0];
	s26 =	sor.u32 $0xB380, s3  }
0x2b4: {  	v61 =	vmul.f32 v56, v24;
	s28 =	sor.u32 s1, s26;
	v27 =	vadd.f32 v59, v27  }
0x2b5: {  	v62 =	vld [tilespmem:s28+$0x0]  }
0x2b6: {  	v63 =	vmul.f32 v58, v25;
	v27 =	vadd.f32 v61, v27;
	_ =	sdelay $0x1  }
0x2b7: {  	v32 =	vmul.f32 v60, v26;
	v27 =	vadd.f32 v63, v27;
	_ =	sdelay $0x1  }
0x2b8: {  	v33 =	vmul.f32 v62, v3;
	v27 =	vadd.f32 v32, v27  }
0x2b9: {  	s3 =	sshrl.u32 s3, $0x2  }
0x2ba: {  	s3 =	sor.u32 $0x12000, s3;
	v27 =	vadd.f32 v33, v27  }
0x2bb: {  	s29 =	sor.u32 s1, s3;
	s1 =	sor.u32 $0x10, s1  }
0x2bc: {  	s2 =	sor.u32 s1, s2;
	[tilespmem:s29+$0x80] =	vst v27  }
0x2bd: {  	s0 =	sor.u32 s1, s0;
	v27 =	vld [tilespmem:s2+$0x0]  }
0x2be: {  	v34 =	vld [tilespmem:s0+$0x0]  }
0x2bf: {  	s30 =	sor.u32 s1, s4  }
0x2c0: {  	v35 =	vld [tilespmem:s30+$0x0]  }
0x2c1: {  	s31 =	sor.u32 s1, s5  }
0x2c2: {  	v36 =	vld [tilespmem:s31+$0x0]  }
0x2c3: {  	s2 =	sor.u32 s1, s6;
	v37 =	vmul.f32 v27, v7;
	v38 =	vmul.f32 v34, v5  }
0x2c4: {  	v39 =	vld [tilespmem:s2+$0x0]  }
0x2c5: {  	s4 =	sor.u32 s1, s7;
	v40 =	vmul.f32 v35, v6;
	v5 =	vadd.f32 v38, v37  }
0x2c6: {  	v41 =	vld [tilespmem:s4+$0x0]  }
0x2c7: {  	s5 =	sor.u32 s1, s8;
	v42 =	vmul.f32 v36, v8;
	v5 =	vadd.f32 v40, v5  }
0x2c8: {  	v43 =	vld [tilespmem:s5+$0x0]  }
0x2c9: {  	s6 =	sor.u32 s1, s9;
	v44 =	vmul.f32 v39, v9;
	v5 =	vadd.f32 v42, v5  }
0x2ca: {  	v45 =	vld [tilespmem:s6+$0x0]  }
0x2cb: {  	s7 =	sor.u32 s1, s10;
	v7 =	vmul.f32 v41, v10;
	v5 =	vadd.f32 v44, v5  }
0x2cc: {  	v46 =	vld [tilespmem:s7+$0x0]  }
0x2cd: {  	s8 =	sor.u32 s1, s11;
	v6 =	vmul.f32 v43, v11;
	v5 =	vadd.f32 v7, v5  }
0x2ce: {  	v47 =	vld [tilespmem:s8+$0x0]  }
0x2cf: {  	s9 =	sor.u32 s1, s12;
	v48 =	vmul.f32 v45, v4;
	v5 =	vadd.f32 v6, v5  }
0x2d0: {  	v49 =	vld [tilespmem:s9+$0x0]  }
0x2d1: {  	s10 =	sor.u32 s1, s13;
	v50 =	vmul.f32 v46, v12;
	v4 =	vadd.f32 v48, v5  }
0x2d2: {  	v51 =	vld [tilespmem:s10+$0x0]  }
0x2d3: {  	s11 =	sor.u32 s1, s14;
	v7 =	vmul.f32 v47, v13;
	v4 =	vadd.f32 v50, v4  }
0x2d4: {  	v52 =	vld [tilespmem:s11+$0x0]  }
0x2d5: {  	s12 =	sor.u32 s1, s15;
	v6 =	vmul.f32 v49, v14;
	v4 =	vadd.f32 v7, v4  }
0x2d6: {  	v53 =	vld [tilespmem:s12+$0x0]  }
0x2d7: {  	s13 =	sor.u32 s1, s16;
	v5 =	vmul.f32 v51, v15;
	v4 =	vadd.f32 v6, v4  }
0x2d8: {  	v54 =	vld [tilespmem:s13+$0x0]  }
0x2d9: {  	s14 =	sor.u32 s1, s17;
	v8 =	vmul.f32 v52, v16;
	v4 =	vadd.f32 v5, v4  }
0x2da: {  	v55 =	vld [tilespmem:s14+$0x0]  }
0x2db: {  	s15 =	sor.u32 s1, s18;
	v7 =	vmul.f32 v53, v17;
	v4 =	vadd.f32 v8, v4  }
0x2dc: {  	v56 =	vld [tilespmem:s15+$0x0]  }
0x2dd: {  	s16 =	sor.u32 s1, s20;
	v6 =	vmul.f32 v54, v18;
	v4 =	vadd.f32 v7, v4  }
0x2de: {  	v57 =	vld [tilespmem:s16+$0x0]  }
0x2df: {  	s17 =	sor.u32 s1, s21;
	v5 =	vmul.f32 v55, v19;
	v4 =	vadd.f32 v6, v4  }
0x2e0: {  	v58 =	vld [tilespmem:s17+$0x0]  }
0x2e1: {  	s18 =	sor.u32 s1, s22;
	v8 =	vmul.f32 v56, v20;
	v4 =	vadd.f32 v5, v4  }
0x2e2: {  	v59 =	vld [tilespmem:s18+$0x0]  }
0x2e3: {  	s19 =	sor.u32 s1, s23;
	v7 =	vmul.f32 v57, v21;
	v4 =	vadd.f32 v8, v4  }
0x2e4: {  	v60 =	vld [tilespmem:s19+$0x0]  }
0x2e5: {  	s20 =	sor.u32 s1, s24;
	v6 =	vmul.f32 v58, v22;
	v4 =	vadd.f32 v7, v4  }
0x2e6: {  	v61 =	vld [tilespmem:s20+$0x0]  }
0x2e7: {  	s21 =	sor.u32 s1, s25;
	v5 =	vmul.f32 v59, v23;
	v4 =	vadd.f32 v6, v4  }
0x2e8: {  	v62 =	vld [tilespmem:s21+$0x0]  }
0x2e9: {  	s22 =	sor.u32 s1, s26;
	v8 =	vmul.f32 v60, v24;
	v4 =	vadd.f32 v5, v4  }
0x2ea: {  	v63 =	vld [tilespmem:s22+$0x0]  }
0x2eb: {  	v7 =	vmul.f32 v61, v25;
	v4 =	vadd.f32 v8, v4;
	_ =	sdelay $0x1  }
0x2ec: {  	s28 =	rddreg [dreg:$0x3];
	v6 =	vmul.f32 v62, v26;
	v4 =	vadd.f32 v7, v4  }
0x2ed: {  	s23 =	rddreg [dreg:$0xa]  }
0x2ee: {  	s24 =	sshll.u32 s23, $0x8;
	s25 =	sshll.u32 s23, $0x6;
	p1 =	sne.s32 s23, $0x7F;
	v3 =	vmul.f32 v63, v3;
	v4 =	vadd.f32 v6, v4  }
.Ltmp2:
0x2ef: {  	s29 =	simm.s32 $0x400;
	s0 =	sand.u32 $0x7E00, s24;
	(pc) =	sbr.rel @p1 .LBB2_8-.Ltmp2, $4  }
0x2f0: {  	s1 =	sor.u32 s1, s3;
	s26 =	rddreg [dreg:$0x4];
	s2 =	sand.u32 $0x40, s25;
	v3 =	vadd.f32 v3, v4  }
0x2f1: {  	s30 =	simm.s32 $0x100;
	s3 =	sor.u32 s26, s0;
	s0 =	sadd.s32 s28, s2  }
0x2f2: {  	s31 =	simm.s32 $0x12000;
	[dreg:$0xd] =	wrdreg s3;
	s0 =	sadd.s32 s3, s0;
	[tilespmem:s1+$0x80] =	vst v3  }
0x2f3: {  	[hbm4b:s0+s30] =	stream.strided.scatter [tilespmem:s31], [sflag:$0x3], $0x400, s29, s30, $0x38;
	[tilespmem:$0x12800] =	vst v63  }
.Ltmp3:
0x2f4: {  	(pc) =	sbr.rel .LBB2_9-.Ltmp3, $4  }
0x2f5: {  	s0 =	simm.s32 $0x2  }
0x2f6: {  	_ =	swait.ge [sflag:s0], $0x6000  }
0x2f7: {  	[sflag:s0] =	ssyncset.done $0x0  }
0x2f8: {  	[sflag:s0] =	ssyncadd.s32 $0xFFFFA000  }
.LBB2_8:
0x2f9: {  	s4 =	rddreg [dreg:$0xe]  }
0x2fa: {  	v3 =	vld [tilespmem:s4+$0x60];
	_ =	sdelay $0x4  }
0x2fb: {  	v4 =	vshll.u32 v3, $0x2  }
0x2fc: {  	v3 =	vand.u32 $0x7, v3;
	v4 =	vand.u32 $0xFFFFFFE0, v4  }
0x2fd: {  	v3 =	vor.u32 v3, v4  }
0x2fe: {  	v4 =	vperm.xlane v3, v0;
	_ =	sdelay $0x1  }
0x2ff: {  	v4 =	vadd.s32 v1, v4;
	_ =	sdelay $0x1  }
0x300: {  	v3 =	vperm.xlane v3, v2;
	_ =	sdelay $0x1  }
0x301: {  	s0 =	simm.s32 $0x0;
	s1 =	rddreg [dreg:$0x2];
	s2 =	simm.s32 $0x6000;
	v3 =	vadd.s32 v1, v3  }
0x302: {  	[tilespmem:s2], [sflag:$0x1] =	stream.indirect_vreg.gather [hbm4b:s1+s0], $0x80, v4, vm0, $0xb8;
	[tilespmem:$0x12800] =	vst v63  }
0x303: {  	s19 =	rddreg [dreg:$0x7];
	s3 =	simm.s32 $0x6800  }
0x304: {  	[tilespmem:s3], [sflag:$0x1] =	stream.indirect_vreg.gather [hbm4b:s19+s0], $0x80, v4, vm0, $0xb8;
	[tilespmem:$0x12800] =	vst v63  }
0x305: {  	s20 =	simm.s32 $0x7000  }
0x306: {  	[tilespmem:s20], [sflag:$0x1] =	stream.indirect_vreg.gather [hbm4b:s1+s0], $0x80, v3, vm0, $0xb8;
	[tilespmem:$0x12800] =	vst v63  }
0x307: {  	s21 =	simm.s32 $0x7800  }
0x308: {  	[tilespmem:s21], [sflag:$0x1] =	stream.indirect_vreg.gather [hbm4b:s19+s0], $0x80, v3, vm0, $0xb8;
	[tilespmem:$0x12800] =	vst v63  }
0x309: {  	v3 =	vld [tilespmem:s4+$0x70];
	_ =	sdelay $0x4  }
0x30a: {  	v62 =	vshll.u32 v3, $0x2  }
0x30b: {  	v3 =	vand.u32 $0x7, v3;
	v4 =	vand.u32 $0xFFFFFFE0, v62  }
0x30c: {  	v3 =	vor.u32 v3, v4  }
0x30d: {  	v4 =	vperm.xlane v3, v0;
	_ =	sdelay $0x1  }
0x30e: {  	v4 =	vadd.s32 v1, v4;
	_ =	sdelay $0x1  }
0x30f: {  	v3 =	vperm.xlane v3, v2;
	_ =	sdelay $0x1  }
0x310: {  	s22 =	simm.s32 $0x8000;
	v3 =	vadd.s32 v1, v3  }
0x311: {  	[tilespmem:s22], [sflag:$0x1] =	stream.indirect_vreg.gather [hbm4b:s1+s0], $0x80, v4, vm0, $0xb8;
	[tilespmem:$0x12800] =	vst v63  }
0x312: {  	s23 =	simm.s32 $0x8800  }
0x313: {  	[tilespmem:s23], [sflag:$0x1] =	stream.indirect_vreg.gather [hbm4b:s19+s0], $0x80, v4, vm0, $0xb8;
	[tilespmem:$0x12800] =	vst v63  }
0x314: {  	s24 =	simm.s32 $0x9000  }
0x315: {  	[tilespmem:s24], [sflag:$0x1] =	stream.indirect_vreg.gather [hbm4b:s1+s0], $0x80, v3, vm0, $0xb8;
	[tilespmem:$0x12800] =	vst v63  }
0x316: {  	s25 =	simm.s32 $0x9800  }
0x317: {  	[tilespmem:s25], [sflag:$0x1] =	stream.indirect_vreg.gather [hbm4b:s19+s0], $0x80, v3, vm0, $0xb8;
	[tilespmem:$0x12800] =	vst v63  }
0x318: {  	v3 =	vld [tilespmem:s4+$0x80];
	_ =	sdelay $0x4  }
0x319: {  	v63 =	vshll.u32 v3, $0x2  }
0x31a: {  	v3 =	vand.u32 $0x7, v3;
	v4 =	vand.u32 $0xFFFFFFE0, v63  }
0x31b: {  	v3 =	vor.u32 v3, v4  }
0x31c: {  	v4 =	vperm.xlane v3, v0;
	_ =	sdelay $0x1  }
0x31d: {  	v4 =	vadd.s32 v1, v4;
	_ =	sdelay $0x1  }
0x31e: {  	v3 =	vperm.xlane v3, v2;
	_ =	sdelay $0x1  }
0x31f: {  	s26 =	simm.s32 $0xA000;
	v3 =	vadd.s32 v1, v3  }
0x320: {  	[tilespmem:s26], [sflag:$0x1] =	stream.indirect_vreg.gather [hbm4b:s1+s0], $0x80, v4, vm0, $0xb8;
	[tilespmem:$0x12800] =	vst v63  }
0x321: {  	s28 =	simm.s32 $0xA800  }
0x322: {  	[tilespmem:s28], [sflag:$0x1] =	stream.indirect_vreg.gather [hbm4b:s19+s0], $0x80, v4, vm0, $0xb8;
	[tilespmem:$0x12800] =	vst v63  }
0x323: {  	s29 =	simm.s32 $0xB000  }
0x324: {  	[tilespmem:s29], [sflag:$0x1] =	stream.indirect_vreg.gather [hbm4b:s1+s0], $0x80, v3, vm0, $0xb8;
	[tilespmem:$0x12800] =	vst v63  }
.Ltmp4:
0x325: {  	s30 =	simm.s32 $0xB800;
	s31 =	simm.s32 $0x2;
	(pc) =	sbr.rel @p0 .LBB2_10-.Ltmp4, $4  }
0x326: {  	[tilespmem:s30], [sflag:$0x1] =	stream.indirect_vreg.gather [hbm4b:s19+s0], $0x80, v3, vm0, $0xb8;
	[tilespmem:$0x12800] =	vst v63  }
0x327: {  	_ =	swait.ge [sflag:s31], $0x6000  }
0x328: {  	[sflag:s31] =	ssyncset.done $0x0  }
0x329: {  	[sflag:s31] =	ssyncadd.s32 $0xFFFFA000  }
.LBB2_9:
0x32a: {  	s0 =	simm.s32 $0x4  }
0x32b: {  	_ =	swait.ge [sflag:s0], $0x400  }
0x32c: {  	[sflag:s0] =	ssyncset.done $0x0  }
0x32d: {  	[sflag:s0] =	ssyncadd.s32 $0xFFFFFC00  }
.LBB2_10:
0x32e: {  	s0 =	simm.s32 $0x0  }
0x32f: {  	s2 =	sand.u32 $0xC00, s0  }
0x330: {  	s19 =	rddreg [dreg:$0xc];
	s1 =	sand.u32 $0x60, s0;
	s0 =	sor.u32 $0xC000, s2  }
0x331: {  	v3 =	vld [tilespmem:s19+$0x3000];
	s4 =	sor.u32 s1, s0  }
0x332: {  	v4 =	vld [tilespmem:s4+$0x0]  }
0x333: {  	v8 =	vld [tilespmem:s4+$0x80];
	_ =	sdelay $0x1  }
0x334: {  	v9 =	vld [tilespmem:s4+$0x100]  }
0x335: {  	v6 =	vbroadcast v3, $0x0;
	v7 =	vbroadcast v3, $0x1  }
0x336: {  	v10 =	vld [tilespmem:s4+$0x180];
	v5 =	vbroadcast v3, $0x2  }
0x337: {  	v4 =	vmul.f32 v4, v6;
	v11 =	vmul.f32 v8, v7  }
0x338: {  	v12 =	vld [tilespmem:s4+$0x200]  }
0x339: {  	v8 =	vbroadcast v3, $0x3;
	v4 =	vadd.f32 v11, v4;
	v11 =	vmul.f32 v9, v5  }
0x33a: {  	v13 =	vld [tilespmem:s4+$0x280]  }
0x33b: {  	v9 =	vbroadcast v3, $0x4;
	v4 =	vadd.f32 v11, v4;
	v11 =	vmul.f32 v10, v8  }
0x33c: {  	v14 =	vld [tilespmem:s4+$0x300]  }
0x33d: {  	v10 =	vbroadcast v3, $0x5;
	v12 =	vmul.f32 v12, v9;
	v4 =	vadd.f32 v11, v4  }
0x33e: {  	s3 =	sor.u32 $0xD000, s2;
	v15 =	vld [tilespmem:s4+$0x380]  }
0x33f: {  	s5 =	sor.u32 s1, s3;
	v11 =	vbroadcast v3, $0x6;
	v13 =	vmul.f32 v13, v10;
	v4 =	vadd.f32 v12, v4  }
0x340: {  	s4 =	sor.u32 $0xD080, s2;
	v16 =	vld [tilespmem:s5+$0x0]  }
0x341: {  	s6 =	sor.u32 s1, s4;
	v12 =	vbroadcast v3, $0x7;
	v14 =	vmul.f32 v14, v11;
	v4 =	vadd.f32 v13, v4  }
0x342: {  	s5 =	sor.u32 $0xD100, s2;
	v17 =	vld [tilespmem:s6+$0x0]  }
0x343: {  	s7 =	sor.u32 s1, s5;
	v13 =	vbroadcast v3, $0x8;
	v15 =	vmul.f32 v15, v12;
	v4 =	vadd.f32 v14, v4  }
0x344: {  	s6 =	sor.u32 $0xD180, s2;
	v18 =	vld [tilespmem:s7+$0x0]  }
0x345: {  	s8 =	sor.u32 s1, s6;
	v14 =	vbroadcast v3, $0x9;
	v16 =	vmul.f32 v16, v13;
	v4 =	vadd.f32 v15, v4  }
0x346: {  	s7 =	sor.u32 $0xD200, s2;
	v19 =	vld [tilespmem:s8+$0x0]  }
0x347: {  	s9 =	sor.u32 s1, s7;
	v15 =	vbroadcast v3, $0xA;
	v17 =	vmul.f32 v17, v14;
	v4 =	vadd.f32 v16, v4  }
0x348: {  	s8 =	sor.u32 $0xD280, s2;
	v20 =	vld [tilespmem:s9+$0x0]  }
0x349: {  	s10 =	sor.u32 s1, s8;
	v16 =	vbroadcast v3, $0xB;
	v18 =	vmul.f32 v18, v15;
	v4 =	vadd.f32 v17, v4  }
0x34a: {  	s9 =	sor.u32 $0xD300, s2;
	v21 =	vld [tilespmem:s10+$0x0]  }
0x34b: {  	s11 =	sor.u32 $0xD380, s2;
	s21 =	sor.u32 s1, s9;
	v17 =	vbroadcast v3, $0xC;
	v19 =	vmul.f32 v19, v16;
	v22 =	vadd.f32 v18, v4  }
0x34c: {  	s22 =	sor.u32 s1, s11;
	v23 =	vld [tilespmem:s21+$0x0]  }
0x34d: {  	v24 =	vld [tilespmem:s22+$0x0];
	v18 =	vbroadcast v3, $0xD;
	v20 =	vmul.f32 v20, v17;
	v22 =	vadd.f32 v19, v22  }
0x34e: {  	s12 =	sor.u32 $0xE000, s2;
	v4 =	vld [tilespmem:s19+$0x3010]  }
0x34f: {  	s23 =	sor.u32 s1, s12;
	v19 =	vbroadcast v3, $0xE;
	v21 =	vmul.f32 v21, v18;
	v22 =	vadd.f32 v20, v22  }
0x350: {  	s13 =	sor.u32 $0xE080, s2;
	v25 =	vld [tilespmem:s23+$0x0]  }
0x351: {  	s24 =	sor.u32 s1, s13;
	v20 =	vbroadcast v3, $0xF;
	v3 =	vadd.f32 v21, v22;
	v22 =	vmul.f32 v23, v19  }
0x352: {  	s14 =	sor.u32 $0xE100, s2;
	v26 =	vld [tilespmem:s24+$0x0]  }
0x353: {  	s25 =	sor.u32 s1, s14;
	v21 =	vbroadcast v4, $0x0;
	v23 =	vmul.f32 v24, v20;
	v3 =	vadd.f32 v22, v3  }
0x354: {  	s15 =	sor.u32 $0xE180, s2;
	v27 =	vld [tilespmem:s25+$0x0]  }
0x355: {  	s26 =	sor.u32 s1, s15;
	v22 =	vbroadcast v4, $0x1;
	v24 =	vmul.f32 v25, v21;
	v3 =	vadd.f32 v23, v3  }
0x356: {  	s16 =	sor.u32 $0xE200, s2;
	v28 =	vld [tilespmem:s26+$0x0]  }
0x357: {  	s28 =	sor.u32 s1, s16;
	v23 =	vbroadcast v4, $0x2;
	v25 =	vmul.f32 v26, v22;
	v3 =	vadd.f32 v24, v3  }
0x358: {  	s17 =	sor.u32 $0xE280, s2;
	v29 =	vld [tilespmem:s28+$0x0]  }
0x359: {  	s29 =	sor.u32 s1, s17;
	v24 =	vbroadcast v4, $0x3;
	v26 =	vmul.f32 v27, v23;
	v3 =	vadd.f32 v25, v3  }
0x35a: {  	s18 =	sor.u32 $0xE300, s2;
	v30 =	vld [tilespmem:s29+$0x0]  }
0x35b: {  	s30 =	sor.u32 s1, s18;
	v25 =	vbroadcast v4, $0x4;
	v27 =	vmul.f32 v28, v24;
	v3 =	vadd.f32 v26, v3  }
0x35c: {  	s20 =	sor.u32 $0xE380, s2;
	v31 =	vld [tilespmem:s30+$0x0]  }
0x35d: {  	s31 =	sor.u32 s1, s20;
	v26 =	vbroadcast v4, $0x5;
	v28 =	vmul.f32 v29, v25;
	v3 =	vadd.f32 v27, v3  }
0x35e: {  	v29 =	vld [tilespmem:s31+$0x0]  }
0x35f: {  	v27 =	vbroadcast v4, $0x6;
	v30 =	vmul.f32 v30, v26;
	v3 =	vadd.f32 v28, v3;
	_ =	sdelay $0x1  }
0x360: {  	v28 =	vbroadcast v4, $0x7;
	v3 =	vadd.f32 v30, v3;
	v30 =	vmul.f32 v31, v27;
	_ =	sdelay $0x1  }
0x361: {  	v29 =	vmul.f32 v29, v28;
	v3 =	vadd.f32 v30, v3  }
0x362: {  	s2 =	sshrl.u32 s2, $0x2  }
0x363: {  	s23 =	sor.u32 $0x12400, s2;
	v29 =	vadd.f32 v29, v3  }
0x364: {  	s2 =	sor.u32 s1, s23;
	s10 =	sor.u32 $0x10, s1  }
0x365: {  	s0 =	sor.u32 s10, s0;
	v3 =	vld [tilespmem:s19+$0x3020];
	[tilespmem:s2+$0x0] =	vst v29  }
0x366: {  	v29 =	vld [tilespmem:s0+$0x0]  }
0x367: {  	v30 =	vld [tilespmem:s0+$0x80];
	_ =	sdelay $0x1  }
0x368: {  	v31 =	vld [tilespmem:s0+$0x100];
	_ =	sdelay $0x1  }
0x369: {  	v32 =	vld [tilespmem:s0+$0x180]  }
0x36a: {  	v29 =	vmul.f32 v29, v6;
	v30 =	vmul.f32 v30, v7  }
0x36b: {  	v33 =	vld [tilespmem:s0+$0x200]  }
0x36c: {  	v31 =	vmul.f32 v31, v5;
	v29 =	vadd.f32 v30, v29  }
0x36d: {  	v30 =	vld [tilespmem:s0+$0x280]  }
0x36e: {  	v32 =	vmul.f32 v32, v8;
	v29 =	vadd.f32 v31, v29  }
0x36f: {  	v31 =	vld [tilespmem:s0+$0x300]  }
0x370: {  	v33 =	vmul.f32 v33, v9;
	v29 =	vadd.f32 v32, v29  }
0x371: {  	v55 =	vld [tilespmem:s0+$0x380]  }
0x372: {  	s3 =	sor.u32 s10, s3;
	v30 =	vmul.f32 v30, v10;
	v29 =	vadd.f32 v33, v29  }
0x373: {  	v56 =	vld [tilespmem:s3+$0x0]  }
0x374: {  	s4 =	sor.u32 s10, s4;
	v31 =	vmul.f32 v31, v11;
	v29 =	vadd.f32 v30, v29  }
0x375: {  	v30 =	vld [tilespmem:s4+$0x0]  }
0x376: {  	s5 =	sor.u32 s10, s5;
	v32 =	vmul.f32 v55, v12;
	v29 =	vadd.f32 v31, v29  }
0x377: {  	v31 =	vld [tilespmem:s5+$0x0]  }
0x378: {  	s6 =	sor.u32 s10, s6;
	v33 =	vmul.f32 v56, v13;
	v29 =	vadd.f32 v32, v29  }
0x379: {  	v57 =	vld [tilespmem:s6+$0x0]  }
0x37a: {  	s7 =	sor.u32 s10, s7;
	v30 =	vmul.f32 v30, v14;
	v29 =	vadd.f32 v33, v29  }
0x37b: {  	v58 =	vld [tilespmem:s7+$0x0]  }
0x37c: {  	s8 =	sor.u32 s10, s8;
	v31 =	vmul.f32 v31, v15;
	v29 =	vadd.f32 v30, v29  }
0x37d: {  	v30 =	vld [tilespmem:s8+$0x0]  }
0x37e: {  	s19 =	sor.u32 s10, s9;
	v32 =	vmul.f32 v57, v16;
	v29 =	vadd.f32 v31, v29  }
0x37f: {  	v31 =	vld [tilespmem:s19+$0x0]  }
0x380: {  	s21 =	sor.u32 s10, s11;
	v33 =	vmul.f32 v58, v17;
	v29 =	vadd.f32 v32, v29  }
0x381: {  	v59 =	vld [tilespmem:s21+$0x0]  }
0x382: {  	s22 =	sor.u32 s10, s12;
	v30 =	vmul.f32 v30, v18;
	v29 =	vadd.f32 v33, v29  }
0x383: {  	v60 =	vld [tilespmem:s22+$0x0]  }
0x384: {  	s24 =	sor.u32 s10, s13;
	v31 =	vmul.f32 v31, v19;
	v29 =	vadd.f32 v30, v29  }
0x385: {  	v30 =	vld [tilespmem:s24+$0x0]  }
0x386: {  	s25 =	sor.u32 s10, s14;
	v32 =	vmul.f32 v59, v20;
	v29 =	vadd.f32 v31, v29  }
0x387: {  	v31 =	vld [tilespmem:s25+$0x0]  }
0x388: {  	s26 =	sor.u32 s10, s15;
	v33 =	vmul.f32 v60, v21;
	v29 =	vadd.f32 v32, v29  }
0x389: {  	v61 =	vld [tilespmem:s26+$0x0]  }
0x38a: {  	s28 =	sor.u32 s10, s16;
	v30 =	vmul.f32 v30, v22;
	v29 =	vadd.f32 v33, v29  }
0x38b: {  	v62 =	vld [tilespmem:s28+$0x0]  }
0x38c: {  	s29 =	sor.u32 s10, s17;
	v31 =	vmul.f32 v31, v23;
	v29 =	vadd.f32 v30, v29  }
0x38d: {  	v30 =	vld [tilespmem:s29+$0x0]  }
0x38e: {  	s30 =	sor.u32 s10, s18;
	v32 =	vmul.f32 v61, v24;
	v29 =	vadd.f32 v31, v29  }
0x38f: {  	v31 =	vld [tilespmem:s30+$0x0]  }
0x390: {  	s31 =	sor.u32 s10, s20;
	v33 =	vmul.f32 v62, v25;
	v29 =	vadd.f32 v32, v29  }
0x391: {  	v63 =	vld [tilespmem:s31+$0x0]  }
0x392: {  	v30 =	vmul.f32 v30, v26;
	v29 =	vadd.f32 v33, v29;
	_ =	sdelay $0x1  }
0x393: {  	v31 =	vmul.f32 v31, v27;
	v30 =	vadd.f32 v30, v29;
	_ =	sdelay $0x1  }
0x394: {  	s21 =	simm.s32 $0x20;
	s24 =	simm.s32 $0x2;
	s25 =	simm.s32 $0x100;
	v29 =	vmul.f32 v63, v28;
	v30 =	vadd.f32 v31, v30  }
.LBB2_11:
0x395: {  	s2 =	sand.u32 $0x60, s21;
	s4 =	sand.u32 $0xC00, s25;
	s0 =	sor.u32 s10, s23  }
0x396: {  	s3 =	sor.u32 $0xC000, s4;
	s12 =	sor.u32 $0xD000, s4;
	s17 =	sor.u32 $0xD080, s4;
	v29 =	vadd.f32 v29, v30  }
0x397: {  	s11 =	sor.u32 $0xD100, s4;
	s14 =	sor.u32 $0xD180, s4;
	s8 =	sor.u32 s2, s3  }
0x398: {  	s5 =	sor.u32 $0xD200, s4;
	s18 =	sor.u32 $0xD280, s4;
	s15 =	sor.u32 $0xD300, s4;
	[tilespmem:s0+$0x0] =	vst v29  }
0x399: {  	s9 =	sor.u32 $0xD380, s4;
	s7 =	sor.u32 $0xE000, s4;
	s6 =	sor.u32 $0xE080, s4;
	v29 =	vld [tilespmem:s8+$0x0]  }
0x39a: {  	s29 =	sor.u32 $0xE100, s4;
	s13 =	sor.u32 $0xE180, s4;
	s0 =	sor.u32 $0xE200, s4;
	v30 =	vld [tilespmem:s8+$0x80]  }
0x39b: {  	s1 =	sor.u32 $0xE280, s4;
	s28 =	sor.u32 $0xE300, s4;
	s26 =	sor.u32 $0xE380, s4  }
0x39c: {  	s24 =	sadd.s32 $0x2, s24;
	s4 =	sshrl.u32 s4, $0x2;
	v31 =	vld [tilespmem:s8+$0x100]  }
0x39d: {  	p0 =	slt.u32 s24, $0x1E;
	s23 =	sor.u32 $0x12400, s4  }
0x39e: {  	v32 =	vld [tilespmem:s8+$0x180]  }
0x39f: {  	v29 =	vmul.f32 v29, v6;
	v30 =	vmul.f32 v30, v7  }
0x3a0: {  	v33 =	vld [tilespmem:s8+$0x200]  }
0x3a1: {  	v29 =	vadd.f32 v30, v29;
	v30 =	vmul.f32 v31, v5  }
0x3a2: {  	v31 =	vld [tilespmem:s8+$0x280]  }
0x3a3: {  	v29 =	vadd.f32 v30, v29;
	v30 =	vmul.f32 v32, v8  }
0x3a4: {  	v32 =	vld [tilespmem:s8+$0x300]  }
0x3a5: {  	v29 =	vadd.f32 v30, v29;
	v30 =	vmul.f32 v33, v9  }
0x3a6: {  	v33 =	vld [tilespmem:s8+$0x380]  }
0x3a7: {  	s4 =	sor.u32 s2, s12;
	v29 =	vadd.f32 v30, v29;
	v30 =	vmul.f32 v31, v10  }
0x3a8: {  	v31 =	vld [tilespmem:s4+$0x0]  }
0x3a9: {  	s4 =	sor.u32 s2, s17;
	v29 =	vadd.f32 v30, v29;
	v30 =	vmul.f32 v32, v11  }
0x3aa: {  	v32 =	vld [tilespmem:s4+$0x0]  }
0x3ab: {  	s4 =	sor.u32 s2, s11;
	v29 =	vadd.f32 v30, v29;
	v30 =	vmul.f32 v33, v12  }
0x3ac: {  	v33 =	vld [tilespmem:s4+$0x0]  }
0x3ad: {  	s4 =	sor.u32 s2, s14;
	v29 =	vadd.f32 v30, v29;
	v30 =	vmul.f32 v31, v13  }
0x3ae: {  	v31 =	vld [tilespmem:s4+$0x0]  }
0x3af: {  	s4 =	sor.u32 s2, s5;
	v29 =	vadd.f32 v30, v29;
	v30 =	vmul.f32 v32, v14  }
0x3b0: {  	v32 =	vld [tilespmem:s4+$0x0]  }
0x3b1: {  	s4 =	sor.u32 s2, s18;
	v29 =	vadd.f32 v30, v29;
	v30 =	vmul.f32 v33, v15  }
0x3b2: {  	v33 =	vld [tilespmem:s4+$0x0]  }
0x3b3: {  	s4 =	sor.u32 s2, s15;
	v29 =	vadd.f32 v30, v29;
	v30 =	vmul.f32 v31, v16  }
0x3b4: {  	v31 =	vld [tilespmem:s4+$0x0]  }
0x3b5: {  	s4 =	sor.u32 s2, s9;
	v29 =	vadd.f32 v30, v29;
	v30 =	vmul.f32 v32, v17  }
0x3b6: {  	v32 =	vld [tilespmem:s4+$0x0]  }
0x3b7: {  	s4 =	sor.u32 s2, s7;
	v29 =	vadd.f32 v30, v29;
	v30 =	vmul.f32 v33, v18  }
0x3b8: {  	v33 =	vld [tilespmem:s4+$0x0]  }
0x3b9: {  	s4 =	sor.u32 s2, s6;
	v29 =	vadd.f32 v30, v29;
	v30 =	vmul.f32 v31, v19  }
0x3ba: {  	v31 =	vld [tilespmem:s4+$0x0]  }
0x3bb: {  	s4 =	sor.u32 s2, s29;
	v29 =	vadd.f32 v30, v29;
	v30 =	vmul.f32 v32, v20  }
0x3bc: {  	v32 =	vld [tilespmem:s4+$0x0]  }
0x3bd: {  	s4 =	sor.u32 s2, s13;
	v29 =	vadd.f32 v30, v29;
	v30 =	vmul.f32 v33, v21  }
0x3be: {  	v33 =	vld [tilespmem:s4+$0x0]  }
0x3bf: {  	s4 =	sor.u32 s2, s0;
	v29 =	vadd.f32 v30, v29;
	v30 =	vmul.f32 v31, v22  }
0x3c0: {  	v31 =	vld [tilespmem:s4+$0x0]  }
0x3c1: {  	s4 =	sor.u32 s2, s1;
	v29 =	vadd.f32 v30, v29;
	v30 =	vmul.f32 v32, v23  }
0x3c2: {  	v32 =	vld [tilespmem:s4+$0x0]  }
0x3c3: {  	s4 =	sor.u32 s2, s28;
	v29 =	vadd.f32 v30, v29;
	v30 =	vmul.f32 v33, v24  }
0x3c4: {  	v33 =	vld [tilespmem:s4+$0x0]  }
0x3c5: {  	s4 =	sor.u32 s2, s26;
	v29 =	vadd.f32 v30, v29;
	v30 =	vmul.f32 v31, v25  }
0x3c6: {  	v31 =	vld [tilespmem:s4+$0x0]  }
0x3c7: {  	v29 =	vadd.f32 v30, v29;
	v30 =	vmul.f32 v32, v26;
	_ =	sdelay $0x1  }
0x3c8: {  	v29 =	vadd.f32 v30, v29;
	v30 =	vmul.f32 v33, v27;
	_ =	sdelay $0x1  }
0x3c9: {  	v29 =	vadd.f32 v30, v29;
	v30 =	vmul.f32 v31, v28;
	_ =	sdelay $0x1  }
0x3ca: {  	v29 =	vadd.f32 v30, v29  }
0x3cb: {  	s10 =	sor.u32 $0x10, s2;
	s4 =	sor.u32 s2, s23  }
0x3cc: {  	s2 =	sor.u32 s10, s3;
	[tilespmem:s4+$0x0] =	vst v29  }
0x3cd: {  	v29 =	vld [tilespmem:s2+$0x0]  }
0x3ce: {  	v30 =	vld [tilespmem:s2+$0x80]  }
0x3cf: {  	v31 =	vld [tilespmem:s2+$0x100];
	_ =	sdelay $0x1  }
0x3d0: {  	v32 =	vld [tilespmem:s2+$0x180]  }
0x3d1: {  	v29 =	vmul.f32 v29, v6  }
0x3d2: {  	v30 =	vmul.f32 v30, v7;
	v33 =	vld [tilespmem:s2+$0x200]  }
0x3d3: {  	v31 =	vmul.f32 v31, v5  }
0x3d4: {  	v29 =	vadd.f32 v30, v29;
	v30 =	vld [tilespmem:s2+$0x280]  }
0x3d5: {  	v32 =	vmul.f32 v32, v8  }
0x3d6: {  	v29 =	vadd.f32 v31, v29;
	v31 =	vld [tilespmem:s2+$0x300]  }
0x3d7: {  	v33 =	vmul.f32 v33, v9  }
0x3d8: {  	v29 =	vadd.f32 v32, v29;
	v32 =	vld [tilespmem:s2+$0x380]  }
0x3d9: {  	s2 =	sor.u32 s10, s12;
	v30 =	vmul.f32 v30, v10  }
0x3da: {  	v29 =	vadd.f32 v33, v29;
	v33 =	vld [tilespmem:s2+$0x0]  }
0x3db: {  	s2 =	sor.u32 s10, s17;
	v31 =	vmul.f32 v31, v11  }
0x3dc: {  	v29 =	vadd.f32 v30, v29;
	v30 =	vld [tilespmem:s2+$0x0]  }
0x3dd: {  	s2 =	sor.u32 s10, s11;
	v32 =	vmul.f32 v32, v12  }
0x3de: {  	v29 =	vadd.f32 v31, v29;
	v31 =	vld [tilespmem:s2+$0x0]  }
0x3df: {  	s2 =	sor.u32 s10, s14;
	v33 =	vmul.f32 v33, v13  }
0x3e0: {  	v29 =	vadd.f32 v32, v29;
	v32 =	vld [tilespmem:s2+$0x0]  }
0x3e1: {  	s2 =	sor.u32 s10, s5;
	v30 =	vmul.f32 v30, v14  }
0x3e2: {  	v29 =	vadd.f32 v33, v29;
	v33 =	vld [tilespmem:s2+$0x0]  }
0x3e3: {  	s2 =	sor.u32 s10, s18;
	v31 =	vmul.f32 v31, v15  }
0x3e4: {  	v29 =	vadd.f32 v30, v29;
	v30 =	vld [tilespmem:s2+$0x0]  }
0x3e5: {  	s2 =	sor.u32 s10, s15;
	v32 =	vmul.f32 v32, v16  }
0x3e6: {  	v29 =	vadd.f32 v31, v29;
	v31 =	vld [tilespmem:s2+$0x0]  }
0x3e7: {  	s2 =	sor.u32 s10, s9;
	v33 =	vmul.f32 v33, v17  }
0x3e8: {  	v29 =	vadd.f32 v32, v29;
	v32 =	vld [tilespmem:s2+$0x0]  }
0x3e9: {  	s2 =	sor.u32 s10, s7;
	v30 =	vmul.f32 v30, v18  }
0x3ea: {  	v29 =	vadd.f32 v33, v29;
	v33 =	vld [tilespmem:s2+$0x0]  }
0x3eb: {  	s2 =	sor.u32 s10, s6;
	v31 =	vmul.f32 v31, v19  }
0x3ec: {  	v29 =	vadd.f32 v30, v29;
	v30 =	vld [tilespmem:s2+$0x0]  }
0x3ed: {  	s2 =	sor.u32 s10, s29;
	v32 =	vmul.f32 v32, v20  }
0x3ee: {  	v29 =	vadd.f32 v31, v29;
	v31 =	vld [tilespmem:s2+$0x0]  }
0x3ef: {  	s2 =	sor.u32 s10, s13;
	v33 =	vmul.f32 v33, v21  }
0x3f0: {  	v29 =	vadd.f32 v32, v29;
	v32 =	vld [tilespmem:s2+$0x0]  }
0x3f1: {  	s0 =	sor.u32 s10, s0;
	v30 =	vmul.f32 v30, v22  }
0x3f2: {  	v29 =	vadd.f32 v33, v29;
	v33 =	vld [tilespmem:s0+$0x0]  }
0x3f3: {  	s0 =	sor.u32 s10, s1;
	v31 =	vmul.f32 v31, v23  }
0x3f4: {  	v29 =	vadd.f32 v30, v29;
	v30 =	vld [tilespmem:s0+$0x0]  }
0x3f5: {  	s0 =	sor.u32 s10, s28;
	v32 =	vmul.f32 v32, v24  }
0x3f6: {  	v29 =	vadd.f32 v31, v29;
	v31 =	vld [tilespmem:s0+$0x0]  }
0x3f7: {  	s0 =	sor.u32 s10, s26;
	v33 =	vmul.f32 v33, v25  }
0x3f8: {  	v29 =	vadd.f32 v32, v29;
	v32 =	vld [tilespmem:s0+$0x0]  }
0x3f9: {  	v30 =	vmul.f32 v30, v26  }
.Ltmp5:
0x3fa: {  	v29 =	vadd.f32 v33, v29;
	(pc) =	sbr.rel @p0 .LBB2_11-.Ltmp5, $4  }
0x3fb: {  	v31 =	vmul.f32 v31, v27  }
0x3fc: {  	v30 =	vadd.f32 v30, v29  }
0x3fd: {  	v29 =	vmul.f32 v32, v28  }
0x3fe: {  	s21 =	sadd.s32 $0x20, s21;
	s25 =	sadd.s32 $0x100, s25;
	v30 =	vadd.f32 v31, v30  }
0x3ff: {  	_ = 	snop  }
0x400: {  	s4 =	sand.u32 $0xC00, s25;
	v29 =	vadd.f32 v29, v30  }
0x401: {  	s0 =	sand.u32 $0x60, s21;
	s2 =	sor.u32 s10, s23;
	s1 =	sor.u32 $0xC000, s4  }
0x402: {  	s3 =	sor.u32 s0, s1;
	[tilespmem:s2+$0x0] =	vst v29  }
0x403: {  	v29 =	vld [tilespmem:s3+$0x0]  }
0x404: {  	v30 =	vld [tilespmem:s3+$0x80];
	_ =	sdelay $0x1  }
0x405: {  	v31 =	vld [tilespmem:s3+$0x100];
	_ =	sdelay $0x1  }
0x406: {  	v32 =	vld [tilespmem:s3+$0x180]  }
0x407: {  	v29 =	vmul.f32 v29, v6;
	v30 =	vmul.f32 v30, v7  }
0x408: {  	v33 =	vld [tilespmem:s3+$0x200]  }
0x409: {  	v29 =	vadd.f32 v30, v29;
	v30 =	vmul.f32 v31, v5  }
0x40a: {  	v31 =	vld [tilespmem:s3+$0x280]  }
0x40b: {  	v29 =	vadd.f32 v30, v29;
	v30 =	vmul.f32 v32, v8  }
0x40c: {  	v51 =	vld [tilespmem:s3+$0x300]  }
0x40d: {  	v29 =	vadd.f32 v30, v29;
	v30 =	vmul.f32 v33, v9  }
0x40e: {  	s2 =	sor.u32 $0xD000, s4;
	v52 =	vld [tilespmem:s3+$0x380]  }
0x40f: {  	s5 =	sor.u32 s0, s2;
	v29 =	vadd.f32 v30, v29;
	v30 =	vmul.f32 v31, v10  }
0x410: {  	s3 =	sor.u32 $0xD080, s4;
	v31 =	vld [tilespmem:s5+$0x0]  }
0x411: {  	s6 =	sor.u32 s0, s3;
	v29 =	vadd.f32 v30, v29;
	v30 =	vmul.f32 v51, v11  }
0x412: {  	v53 =	vld [tilespmem:s6+$0x0];
	s5 =	sor.u32 $0xD100, s4  }
0x413: {  	s7 =	sor.u32 s0, s5;
	v29 =	vadd.f32 v30, v29;
	v30 =	vmul.f32 v52, v12  }
0x414: {  	s6 =	sor.u32 $0xD180, s4;
	v54 =	vld [tilespmem:s7+$0x0]  }
0x415: {  	s8 =	sor.u32 s0, s6;
	v29 =	vadd.f32 v30, v29;
	v30 =	vmul.f32 v31, v13  }
0x416: {  	s7 =	sor.u32 $0xD200, s4;
	v31 =	vld [tilespmem:s8+$0x0]  }
0x417: {  	s9 =	sor.u32 s0, s7;
	v29 =	vadd.f32 v30, v29;
	v30 =	vmul.f32 v53, v14  }
0x418: {  	v55 =	vld [tilespmem:s9+$0x0];
	s8 =	sor.u32 $0xD280, s4  }
0x419: {  	s20 =	sor.u32 s0, s8;
	v29 =	vadd.f32 v30, v29;
	v30 =	vmul.f32 v54, v15  }
0x41a: {  	s21 =	sor.u32 $0xD300, s4;
	v56 =	vld [tilespmem:s20+$0x0]  }
0x41b: {  	s11 =	sor.u32 s0, s21;
	v29 =	vadd.f32 v30, v29;
	v30 =	vmul.f32 v31, v16  }
0x41c: {  	s22 =	sor.u32 $0xD380, s4;
	v31 =	vld [tilespmem:s11+$0x0]  }
0x41d: {  	s12 =	sor.u32 s0, s22;
	v29 =	vadd.f32 v30, v29;
	v30 =	vmul.f32 v55, v17  }
0x41e: {  	s23 =	sor.u32 $0xE000, s4;
	v57 =	vld [tilespmem:s12+$0x0]  }
0x41f: {  	s13 =	sor.u32 s0, s23;
	v29 =	vadd.f32 v30, v29;
	v30 =	vmul.f32 v56, v18  }
0x420: {  	s24 =	sor.u32 $0xE080, s4;
	v58 =	vld [tilespmem:s13+$0x0]  }
0x421: {  	s14 =	sor.u32 s0, s24;
	v29 =	vadd.f32 v30, v29;
	v30 =	vmul.f32 v31, v19  }
0x422: {  	s25 =	sor.u32 $0xE100, s4;
	v31 =	vld [tilespmem:s14+$0x0]  }
0x423: {  	s15 =	sor.u32 s0, s25;
	v29 =	vadd.f32 v30, v29;
	v30 =	vmul.f32 v57, v20  }
0x424: {  	s26 =	sor.u32 $0xE180, s4;
	v59 =	vld [tilespmem:s15+$0x0]  }
0x425: {  	s16 =	sor.u32 s0, s26;
	v29 =	vadd.f32 v30, v29;
	v30 =	vmul.f32 v58, v21  }
0x426: {  	s28 =	sor.u32 $0xE200, s4;
	v60 =	vld [tilespmem:s16+$0x0]  }
0x427: {  	s17 =	sor.u32 s0, s28;
	v29 =	vadd.f32 v30, v29;
	v30 =	vmul.f32 v31, v22  }
0x428: {  	s29 =	sor.u32 $0xE280, s4;
	v31 =	vld [tilespmem:s17+$0x0]  }
0x429: {  	s18 =	sor.u32 s0, s29;
	v29 =	vadd.f32 v30, v29;
	v30 =	vmul.f32 v59, v23  }
0x42a: {  	v61 =	vld [tilespmem:s18+$0x0];
	s17 =	sor.u32 $0xE300, s4  }
0x42b: {  	s19 =	sor.u32 s0, s17;
	v29 =	vadd.f32 v30, v29;
	v30 =	vmul.f32 v60, v24  }
0x42c: {  	s18 =	sor.u32 $0xE380, s4;
	v62 =	vld [tilespmem:s19+$0x0]  }
0x42d: {  	s31 =	sor.u32 s0, s18;
	v29 =	vadd.f32 v30, v29;
	v30 =	vmul.f32 v31, v25  }
0x42e: {  	v31 =	vld [tilespmem:s31+$0x0]  }
0x42f: {  	v29 =	vadd.f32 v30, v29;
	v30 =	vmul.f32 v61, v26;
	_ =	sdelay $0x1  }
0x430: {  	v29 =	vadd.f32 v30, v29;
	v30 =	vmul.f32 v62, v27;
	_ =	sdelay $0x1  }
0x431: {  	v29 =	vadd.f32 v30, v29;
	v30 =	vmul.f32 v31, v28  }
0x432: {  	s4 =	sshrl.u32 s4, $0x2  }
0x433: {  	s20 =	sor.u32 $0x12400, s4;
	v29 =	vadd.f32 v30, v29  }
0x434: {  	s4 =	sor.u32 s0, s20;
	s0 =	sor.u32 $0x10, s0  }
0x435: {  	s1 =	sor.u32 s0, s1;
	[tilespmem:s4+$0x0] =	vst v29  }
0x436: {  	v29 =	vld [tilespmem:s1+$0x0]  }
0x437: {  	v30 =	vld [tilespmem:s1+$0x80];
	_ =	sdelay $0x1  }
0x438: {  	v31 =	vld [tilespmem:s1+$0x100];
	_ =	sdelay $0x1  }
0x439: {  	v63 =	vld [tilespmem:s1+$0x180]  }
0x43a: {  	v6 =	vmul.f32 v29, v6;
	v7 =	vmul.f32 v30, v7  }
0x43b: {  	v29 =	vld [tilespmem:s1+$0x200]  }
0x43c: {  	v5 =	vmul.f32 v31, v5;
	v6 =	vadd.f32 v7, v6  }
0x43d: {  	v7 =	vld [tilespmem:s1+$0x280]  }
0x43e: {  	v8 =	vmul.f32 v63, v8;
	v5 =	vadd.f32 v5, v6  }
0x43f: {  	v6 =	vld [tilespmem:s1+$0x300]  }
0x440: {  	v9 =	vmul.f32 v29, v9;
	v5 =	vadd.f32 v8, v5  }
0x441: {  	v8 =	vld [tilespmem:s1+$0x380]  }
0x442: {  	s2 =	sor.u32 s0, s2;
	v7 =	vmul.f32 v7, v10;
	v5 =	vadd.f32 v9, v5  }
0x443: {  	v9 =	vld [tilespmem:s2+$0x0]  }
0x444: {  	s4 =	sor.u32 s0, s3;
	v6 =	vmul.f32 v6, v11;
	v5 =	vadd.f32 v7, v5  }
0x445: {  	v7 =	vld [tilespmem:s4+$0x0]  }
0x446: {  	s5 =	sor.u32 s0, s5;
	v8 =	vmul.f32 v8, v12;
	v5 =	vadd.f32 v6, v5  }
0x447: {  	v6 =	vld [tilespmem:s5+$0x0]  }
0x448: {  	s6 =	sor.u32 s0, s6;
	v9 =	vmul.f32 v9, v13;
	v5 =	vadd.f32 v8, v5  }
0x449: {  	v8 =	vld [tilespmem:s6+$0x0]  }
0x44a: {  	s7 =	sor.u32 s0, s7;
	v7 =	vmul.f32 v7, v14;
	v5 =	vadd.f32 v9, v5  }
0x44b: {  	v9 =	vld [tilespmem:s7+$0x0]  }
0x44c: {  	s19 =	sor.u32 s0, s8;
	v6 =	vmul.f32 v6, v15;
	v5 =	vadd.f32 v7, v5  }
0x44d: {  	v7 =	vld [tilespmem:s19+$0x0]  }
0x44e: {  	s21 =	sor.u32 s0, s21;
	v8 =	vmul.f32 v8, v16;
	v5 =	vadd.f32 v6, v5  }
0x44f: {  	v6 =	vld [tilespmem:s21+$0x0]  }
0x450: {  	s22 =	sor.u32 s0, s22;
	v9 =	vmul.f32 v9, v17;
	v5 =	vadd.f32 v8, v5  }
0x451: {  	v8 =	vld [tilespmem:s22+$0x0]  }
0x452: {  	s23 =	sor.u32 s0, s23;
	v7 =	vmul.f32 v7, v18;
	v5 =	vadd.f32 v9, v5  }
0x453: {  	v9 =	vld [tilespmem:s23+$0x0]  }
0x454: {  	s24 =	sor.u32 s0, s24;
	v6 =	vmul.f32 v6, v19;
	v5 =	vadd.f32 v7, v5  }
0x455: {  	v7 =	vld [tilespmem:s24+$0x0]  }
0x456: {  	s25 =	sor.u32 s0, s25;
	v8 =	vmul.f32 v8, v20;
	v5 =	vadd.f32 v6, v5  }
0x457: {  	v6 =	vld [tilespmem:s25+$0x0]  }
0x458: {  	s26 =	sor.u32 s0, s26;
	v9 =	vmul.f32 v9, v21;
	v5 =	vadd.f32 v8, v5  }
0x459: {  	v8 =	vld [tilespmem:s26+$0x0]  }
0x45a: {  	s28 =	sor.u32 s0, s28;
	v7 =	vmul.f32 v7, v22;
	v5 =	vadd.f32 v9, v5  }
0x45b: {  	v9 =	vld [tilespmem:s28+$0x0]  }
0x45c: {  	s29 =	sor.u32 s0, s29;
	v6 =	vmul.f32 v6, v23;
	v5 =	vadd.f32 v7, v5  }
0x45d: {  	v7 =	vld [tilespmem:s29+$0x0]  }
0x45e: {  	s31 =	sor.u32 s0, s17;
	v8 =	vmul.f32 v8, v24;
	v5 =	vadd.f32 v6, v5  }
0x45f: {  	v6 =	vld [tilespmem:s31+$0x0]  }
0x460: {  	s2 =	sor.u32 s0, s18;
	v9 =	vmul.f32 v9, v25;
	v5 =	vadd.f32 v8, v5  }
0x461: {  	v8 =	vld [tilespmem:s2+$0x0]  }
0x462: {  	v7 =	vmul.f32 v7, v26;
	v5 =	vadd.f32 v9, v5;
	_ =	sdelay $0x1  }
0x463: {  	v6 =	vmul.f32 v6, v27;
	v5 =	vadd.f32 v7, v5;
	_ =	sdelay $0x1  }
0x464: {  	v7 =	vmul.f32 v8, v28;
	v5 =	vadd.f32 v6, v5  }
0x465: {  	s3 =	simm.s32 $0x0  }
0x466: {  	s4 =	sand.u32 $0xC00, s3;
	v5 =	vadd.f32 v7, v5  }
0x467: {  	s5 =	sor.u32 s0, s20;
	s0 =	sor.u32 $0xF000, s4;
	s2 =	sand.u32 $0x60, s3  }
0x468: {  	s1 =	sor.u32 $0xF080, s4;
	s6 =	sor.u32 s2, s0;
	[tilespmem:s5+$0x0] =	vst v5  }
0x469: {  	s7 =	sor.u32 s2, s1;
	v8 =	vld [tilespmem:s6+$0x0]  }
0x46a: {  	s3 =	sor.u32 $0xF100, s4;
	v9 =	vld [tilespmem:s7+$0x0]  }
0x46b: {  	s8 =	sor.u32 s2, s3  }
0x46c: {  	s5 =	sor.u32 $0xF180, s4;
	v10 =	vld [tilespmem:s8+$0x0]  }
0x46d: {  	v7 =	vbroadcast v4, $0x8;
	v5 =	vbroadcast v4, $0x9;
	s9 =	sor.u32 s2, s5  }
0x46e: {  	v6 =	vbroadcast v4, $0xA;
	s6 =	sor.u32 $0xF200, s4;
	v11 =	vld [tilespmem:s9+$0x0]  }
0x46f: {  	s10 =	sor.u32 s2, s6;
	v12 =	vmul.f32 v8, v7;
	v9 =	vmul.f32 v9, v5  }
0x470: {  	s7 =	sor.u32 $0xF280, s4;
	v13 =	vld [tilespmem:s10+$0x0]  }
0x471: {  	s11 =	sor.u32 s2, s7;
	v8 =	vbroadcast v4, $0xB;
	v10 =	vmul.f32 v10, v6;
	v12 =	vadd.f32 v9, v12  }
0x472: {  	s8 =	sor.u32 $0xF300, s4;
	v14 =	vld [tilespmem:s11+$0x0]  }
0x473: {  	s12 =	sor.u32 s2, s8;
	v9 =	vbroadcast v4, $0xC;
	v11 =	vmul.f32 v11, v8;
	v12 =	vadd.f32 v10, v12  }
0x474: {  	s9 =	sor.u32 $0xF380, s4;
	v15 =	vld [tilespmem:s12+$0x0]  }
0x475: {  	s13 =	sor.u32 s2, s9;
	v10 =	vbroadcast v4, $0xD;
	v13 =	vmul.f32 v13, v9;
	v12 =	vadd.f32 v11, v12  }
0x476: {  	s10 =	sor.u32 $0x10000, s4;
	v16 =	vld [tilespmem:s13+$0x0]  }
0x477: {  	s14 =	sor.u32 s2, s10;
	v11 =	vbroadcast v4, $0xE;
	v12 =	vadd.f32 v13, v12;
	v13 =	vmul.f32 v14, v10  }
0x478: {  	s11 =	sor.u32 $0x10080, s4;
	v14 =	vld [tilespmem:s14+$0x0]  }
0x479: {  	s15 =	sor.u32 s2, s11;
	v4 =	vbroadcast v4, $0xF;
	v15 =	vmul.f32 v15, v11;
	v13 =	vadd.f32 v13, v12  }
0x47a: {  	s12 =	sor.u32 $0x10100, s4;
	v17 =	vld [tilespmem:s15+$0x0]  }
0x47b: {  	s16 =	sor.u32 s2, s12;
	v16 =	vmul.f32 v16, v4;
	v12 =	vbroadcast v3, $0x0;
	v15 =	vadd.f32 v15, v13  }
0x47c: {  	s13 =	sor.u32 $0x10180, s4;
	v18 =	vld [tilespmem:s16+$0x0]  }
0x47d: {  	s17 =	sor.u32 s2, s13;
	v13 =	vbroadcast v3, $0x1;
	v15 =	vadd.f32 v16, v15;
	v16 =	vmul.f32 v14, v12  }
0x47e: {  	v19 =	vld [tilespmem:s17+$0x0];
	s14 =	sor.u32 $0x10200, s4  }
0x47f: {  	s18 =	sor.u32 s2, s14;
	v14 =	vbroadcast v3, $0x2;
	v17 =	vmul.f32 v17, v13;
	v16 =	vadd.f32 v16, v15  }
0x480: {  	s15 =	sor.u32 $0x10280, s4;
	v20 =	vld [tilespmem:s18+$0x0]  }
0x481: {  	s19 =	sor.u32 s2, s15;
	v15 =	vbroadcast v3, $0x3;
	v18 =	vmul.f32 v18, v14;
	v17 =	vadd.f32 v17, v16  }
0x482: {  	s16 =	sor.u32 $0x10300, s4;
	v21 =	vld [tilespmem:s19+$0x0]  }
0x483: {  	s20 =	sor.u32 s2, s16;
	v16 =	vbroadcast v3, $0x4;
	v19 =	vmul.f32 v19, v15;
	v18 =	vadd.f32 v18, v17  }
0x484: {  	s17 =	sor.u32 $0x10380, s4;
	v22 =	vld [tilespmem:s20+$0x0]  }
0x485: {  	s21 =	sor.u32 s2, s17;
	v17 =	vbroadcast v3, $0x5;
	v20 =	vmul.f32 v20, v16;
	v19 =	vadd.f32 v19, v18  }
0x486: {  	v23 =	vld [tilespmem:s21+$0x0];
	s18 =	sor.u32 $0x11000, s4  }
0x487: {  	s22 =	sor.u32 s2, s18;
	v18 =	vbroadcast v3, $0x6;
	v21 =	vmul.f32 v21, v17;
	v20 =	vadd.f32 v20, v19  }
0x488: {  	s20 =	sor.u32 $0x11080, s4;
	v24 =	vld [tilespmem:s22+$0x0]  }
0x489: {  	s23 =	sor.u32 s2, s20;
	v19 =	vbroadcast v3, $0x7;
	v22 =	vmul.f32 v22, v18;
	v21 =	vadd.f32 v21, v20  }
0x48a: {  	v25 =	vld [tilespmem:s23+$0x0];
	s22 =	sor.u32 $0x11100, s4  }
0x48b: {  	s24 =	sor.u32 s2, s22;
	v20 =	vbroadcast v3, $0x8;
	v23 =	vmul.f32 v23, v19;
	v22 =	vadd.f32 v22, v21  }
0x48c: {  	s23 =	sor.u32 $0x11180, s4;
	v26 =	vld [tilespmem:s24+$0x0]  }
0x48d: {  	s25 =	sor.u32 s2, s23;
	v21 =	vbroadcast v3, $0x9;
	v24 =	vmul.f32 v24, v20;
	v23 =	vadd.f32 v23, v22  }
0x48e: {  	v27 =	vld [tilespmem:s25+$0x0];
	s24 =	sor.u32 $0x11200, s4  }
0x48f: {  	s26 =	sor.u32 s2, s24;
	v22 =	vbroadcast v3, $0xA;
	v25 =	vmul.f32 v25, v21;
	v24 =	vadd.f32 v24, v23  }
0x490: {  	s25 =	sor.u32 $0x11280, s4;
	v28 =	vld [tilespmem:s26+$0x0]  }
0x491: {  	s28 =	sor.u32 s2, s25;
	v23 =	vbroadcast v3, $0xB;
	v26 =	vmul.f32 v26, v22;
	v25 =	vadd.f32 v25, v24  }
0x492: {  	v29 =	vld [tilespmem:s28+$0x0];
	s26 =	sor.u32 $0x11300, s4  }
0x493: {  	s29 =	sor.u32 s2, s26;
	v24 =	vbroadcast v3, $0xC;
	v27 =	vmul.f32 v27, v23;
	v26 =	vadd.f32 v26, v25  }
0x494: {  	s28 =	sor.u32 $0x11380, s4;
	v30 =	vld [tilespmem:s29+$0x0]  }
0x495: {  	s31 =	sor.u32 s2, s28;
	v25 =	vbroadcast v3, $0xD;
	v28 =	vmul.f32 v28, v24;
	v27 =	vadd.f32 v27, v26  }
0x496: {  	v31 =	vld [tilespmem:s31+$0x0]  }
0x497: {  	v26 =	vbroadcast v3, $0xE;
	v27 =	vadd.f32 v28, v27;
	v28 =	vmul.f32 v29, v25;
	_ =	sdelay $0x1  }
0x498: {  	v3 =	vbroadcast v3, $0xF;
	v27 =	vadd.f32 v28, v27;
	v28 =	vmul.f32 v30, v26;
	_ =	sdelay $0x1  }
0x499: {  	v27 =	vadd.f32 v28, v27;
	v28 =	vmul.f32 v31, v3  }
0x49a: {  	s4 =	sshrl.u32 s4, $0x2  }
0x49b: {  	s21 =	sor.u32 $0x12400, s4;
	v27 =	vadd.f32 v28, v27  }
0x49c: {  	s30 =	sor.u32 $0x10, s2;
	s4 =	sor.u32 s2, s21  }
0x49d: {  	s0 =	sor.u32 s30, s0;
	[tilespmem:s4+$0x80] =	vst v27  }
0x49e: {  	s2 =	sor.u32 s30, s1;
	v27 =	vld [tilespmem:s0+$0x0]  }
0x49f: {  	v28 =	vld [tilespmem:s2+$0x0]  }
0x4a0: {  	s4 =	sor.u32 s30, s3  }
0x4a1: {  	v29 =	vld [tilespmem:s4+$0x0]  }
0x4a2: {  	s5 =	sor.u32 s30, s5  }
0x4a3: {  	v30 =	vld [tilespmem:s5+$0x0]  }
0x4a4: {  	s6 =	sor.u32 s30, s6;
	v27 =	vmul.f32 v27, v7;
	v28 =	vmul.f32 v28, v5  }
0x4a5: {  	v31 =	vld [tilespmem:s6+$0x0]  }
0x4a6: {  	s7 =	sor.u32 s30, s7;
	v29 =	vmul.f32 v29, v6;
	v27 =	vadd.f32 v28, v27  }
0x4a7: {  	v28 =	vld [tilespmem:s7+$0x0]  }
0x4a8: {  	s8 =	sor.u32 s30, s8;
	v30 =	vmul.f32 v30, v8;
	v27 =	vadd.f32 v29, v27  }
0x4a9: {  	v29 =	vld [tilespmem:s8+$0x0]  }
0x4aa: {  	s9 =	sor.u32 s30, s9;
	v31 =	vmul.f32 v31, v9;
	v27 =	vadd.f32 v30, v27  }
0x4ab: {  	v30 =	vld [tilespmem:s9+$0x0]  }
0x4ac: {  	s10 =	sor.u32 s30, s10;
	v28 =	vmul.f32 v28, v10;
	v27 =	vadd.f32 v31, v27  }
0x4ad: {  	v31 =	vld [tilespmem:s10+$0x0]  }
0x4ae: {  	s11 =	sor.u32 s30, s11;
	v29 =	vmul.f32 v29, v11;
	v27 =	vadd.f32 v28, v27  }
0x4af: {  	v28 =	vld [tilespmem:s11+$0x0]  }
0x4b0: {  	s12 =	sor.u32 s30, s12;
	v30 =	vmul.f32 v30, v4;
	v27 =	vadd.f32 v29, v27  }
0x4b1: {  	v29 =	vld [tilespmem:s12+$0x0]  }
0x4b2: {  	s13 =	sor.u32 s30, s13;
	v31 =	vmul.f32 v31, v12;
	v27 =	vadd.f32 v30, v27  }
0x4b3: {  	v30 =	vld [tilespmem:s13+$0x0]  }
0x4b4: {  	s14 =	sor.u32 s30, s14;
	v28 =	vmul.f32 v28, v13;
	v27 =	vadd.f32 v31, v27  }
0x4b5: {  	v31 =	vld [tilespmem:s14+$0x0]  }
0x4b6: {  	s15 =	sor.u32 s30, s15;
	v29 =	vmul.f32 v29, v14;
	v27 =	vadd.f32 v28, v27  }
0x4b7: {  	v28 =	vld [tilespmem:s15+$0x0]  }
0x4b8: {  	s16 =	sor.u32 s30, s16;
	v30 =	vmul.f32 v30, v15;
	v27 =	vadd.f32 v29, v27  }
0x4b9: {  	v29 =	vld [tilespmem:s16+$0x0]  }
0x4ba: {  	s17 =	sor.u32 s30, s17;
	v31 =	vmul.f32 v31, v16;
	v27 =	vadd.f32 v30, v27  }
0x4bb: {  	v30 =	vld [tilespmem:s17+$0x0]  }
0x4bc: {  	s19 =	sor.u32 s30, s18;
	v28 =	vmul.f32 v28, v17;
	v27 =	vadd.f32 v31, v27  }
0x4bd: {  	v31 =	vld [tilespmem:s19+$0x0]  }
0x4be: {  	s20 =	sor.u32 s30, s20;
	v29 =	vmul.f32 v29, v18;
	v27 =	vadd.f32 v28, v27  }
0x4bf: {  	v28 =	vld [tilespmem:s20+$0x0]  }
0x4c0: {  	s22 =	sor.u32 s30, s22;
	v30 =	vmul.f32 v30, v19;
	v27 =	vadd.f32 v29, v27  }
0x4c1: {  	v29 =	vld [tilespmem:s22+$0x0]  }
0x4c2: {  	s23 =	sor.u32 s30, s23;
	v31 =	vmul.f32 v31, v20;
	v27 =	vadd.f32 v30, v27  }
0x4c3: {  	v30 =	vld [tilespmem:s23+$0x0]  }
0x4c4: {  	s24 =	sor.u32 s30, s24;
	v28 =	vmul.f32 v28, v21;
	v27 =	vadd.f32 v31, v27  }
0x4c5: {  	v31 =	vld [tilespmem:s24+$0x0]  }
0x4c6: {  	s25 =	sor.u32 s30, s25;
	v29 =	vmul.f32 v29, v22;
	v27 =	vadd.f32 v28, v27  }
0x4c7: {  	v28 =	vld [tilespmem:s25+$0x0]  }
0x4c8: {  	s29 =	sor.u32 s30, s26;
	v30 =	vmul.f32 v30, v23;
	v27 =	vadd.f32 v29, v27  }
0x4c9: {  	v29 =	vld [tilespmem:s29+$0x0]  }
0x4ca: {  	s31 =	sor.u32 s30, s28;
	v31 =	vmul.f32 v31, v24;
	v27 =	vadd.f32 v30, v27  }
0x4cb: {  	v30 =	vld [tilespmem:s31+$0x0]  }
0x4cc: {  	v28 =	vmul.f32 v28, v25;
	v27 =	vadd.f32 v31, v27;
	_ =	sdelay $0x1  }
0x4cd: {  	v29 =	vmul.f32 v29, v26;
	v28 =	vadd.f32 v28, v27;
	_ =	sdelay $0x1  }
0x4ce: {  	s23 =	simm.s32 $0x20;
	s24 =	simm.s32 $0x2;
	s25 =	simm.s32 $0x100;
	v27 =	vmul.f32 v30, v3;
	v28 =	vadd.f32 v29, v28  }
.LBB2_13:
0x4cf: {  	s31 =	sand.u32 $0x60, s23;
	s19 =	sand.u32 $0xC00, s25;
	s0 =	sor.u32 s30, s21  }
0x4d0: {  	s22 =	sor.u32 $0xF000, s19;
	s8 =	sor.u32 $0xF080, s19;
	s2 =	sor.u32 $0xF100, s19;
	v27 =	vadd.f32 v27, v28  }
0x4d1: {  	s3 =	sor.u32 $0xF180, s19;
	s1 =	sor.u32 s31, s22;
	s5 =	sor.u32 s31, s8  }
0x4d2: {  	s20 =	sor.u32 $0xF200, s19;
	s4 =	sor.u32 $0xF280, s19;
	s16 =	sor.u32 $0xF300, s19;
	[tilespmem:s0+$0x80] =	vst v27  }
0x4d3: {  	s12 =	sor.u32 $0xF380, s19;
	s17 =	sor.u32 $0x10000, s19;
	s11 =	sor.u32 $0x10080, s19;
	v27 =	vld [tilespmem:s1+$0x0]  }
0x4d4: {  	s14 =	sor.u32 $0x10100, s19;
	s18 =	sor.u32 $0x10200, s19;
	v28 =	vld [tilespmem:s5+$0x0];
	s5 =	sor.u32 $0x10180, s19  }
0x4d5: {  	s15 =	sor.u32 $0x10280, s19;
	s9 =	sor.u32 $0x10300, s19;
	s0 =	sor.u32 s31, s2  }
0x4d6: {  	s7 =	sor.u32 $0x10380, s19;
	s6 =	sor.u32 $0x11000, s19;
	s10 =	sor.u32 $0x11080, s19;
	v29 =	vld [tilespmem:s0+$0x0]  }
0x4d7: {  	s13 =	sor.u32 $0x11100, s19;
	s1 =	sor.u32 s31, s3;
	s0 =	sor.u32 $0x11180, s19  }
0x4d8: {  	s29 =	sor.u32 $0x11280, s19;
	s28 =	sor.u32 $0x11300, s19;
	v30 =	vld [tilespmem:s1+$0x0];
	s1 =	sor.u32 $0x11200, s19  }
0x4d9: {  	s26 =	sor.u32 $0x11380, s19;
	s21 =	sor.u32 s31, s20;
	v27 =	vmul.f32 v27, v7;
	s19 =	sshrl.u32 s19, $0x2;
	v28 =	vmul.f32 v28, v5  }
0x4da: {  	s24 =	sadd.s32 $0x2, s24;
	v31 =	vld [tilespmem:s21+$0x0];
	s21 =	sor.u32 $0x12400, s19  }
0x4db: {  	p0 =	slt.u32 s24, $0x1E;
	s19 =	sor.u32 s31, s4;
	v27 =	vadd.f32 v28, v27;
	v28 =	vmul.f32 v29, v6  }
0x4dc: {  	v29 =	vld [tilespmem:s19+$0x0]  }
0x4dd: {  	s19 =	sor.u32 s31, s16;
	v27 =	vadd.f32 v28, v27;
	v28 =	vmul.f32 v30, v8  }
0x4de: {  	v30 =	vld [tilespmem:s19+$0x0]  }
0x4df: {  	s19 =	sor.u32 s31, s12;
	v27 =	vadd.f32 v28, v27;
	v28 =	vmul.f32 v31, v9  }
0x4e0: {  	v31 =	vld [tilespmem:s19+$0x0]  }
0x4e1: {  	s19 =	sor.u32 s31, s17;
	v27 =	vadd.f32 v28, v27;
	v28 =	vmul.f32 v29, v10  }
0x4e2: {  	v29 =	vld [tilespmem:s19+$0x0]  }
0x4e3: {  	s19 =	sor.u32 s31, s11;
	v27 =	vadd.f32 v28, v27;
	v28 =	vmul.f32 v30, v11  }
0x4e4: {  	v30 =	vld [tilespmem:s19+$0x0]  }
0x4e5: {  	s19 =	sor.u32 s31, s14;
	v27 =	vadd.f32 v28, v27;
	v28 =	vmul.f32 v31, v4  }
0x4e6: {  	v31 =	vld [tilespmem:s19+$0x0]  }
0x4e7: {  	s19 =	sor.u32 s31, s5;
	v27 =	vadd.f32 v28, v27;
	v28 =	vmul.f32 v29, v12  }
0x4e8: {  	v29 =	vld [tilespmem:s19+$0x0]  }
0x4e9: {  	s19 =	sor.u32 s31, s18;
	v27 =	vadd.f32 v28, v27;
	v28 =	vmul.f32 v30, v13  }
0x4ea: {  	v30 =	vld [tilespmem:s19+$0x0]  }
0x4eb: {  	s19 =	sor.u32 s31, s15;
	v27 =	vadd.f32 v28, v27;
	v28 =	vmul.f32 v31, v14  }
0x4ec: {  	v31 =	vld [tilespmem:s19+$0x0]  }
0x4ed: {  	s19 =	sor.u32 s31, s9;
	v27 =	vadd.f32 v28, v27;
	v28 =	vmul.f32 v29, v15  }
0x4ee: {  	v29 =	vld [tilespmem:s19+$0x0]  }
0x4ef: {  	s19 =	sor.u32 s31, s7;
	v27 =	vadd.f32 v28, v27;
	v28 =	vmul.f32 v30, v16  }
0x4f0: {  	v30 =	vld [tilespmem:s19+$0x0]  }
0x4f1: {  	s19 =	sor.u32 s31, s6;
	v27 =	vadd.f32 v28, v27;
	v28 =	vmul.f32 v31, v17  }
0x4f2: {  	v31 =	vld [tilespmem:s19+$0x0]  }
0x4f3: {  	s19 =	sor.u32 s31, s10;
	v27 =	vadd.f32 v28, v27;
	v28 =	vmul.f32 v29, v18  }
0x4f4: {  	v29 =	vld [tilespmem:s19+$0x0]  }
0x4f5: {  	s19 =	sor.u32 s31, s13;
	v27 =	vadd.f32 v28, v27;
	v28 =	vmul.f32 v30, v19  }
0x4f6: {  	v30 =	vld [tilespmem:s19+$0x0]  }
0x4f7: {  	s19 =	sor.u32 s31, s0;
	v27 =	vadd.f32 v28, v27;
	v28 =	vmul.f32 v31, v20  }
0x4f8: {  	v31 =	vld [tilespmem:s19+$0x0]  }
0x4f9: {  	s19 =	sor.u32 s31, s1;
	v27 =	vadd.f32 v28, v27;
	v28 =	vmul.f32 v29, v21  }
0x4fa: {  	v29 =	vld [tilespmem:s19+$0x0]  }
0x4fb: {  	s19 =	sor.u32 s31, s29;
	v27 =	vadd.f32 v28, v27;
	v28 =	vmul.f32 v30, v22  }
0x4fc: {  	v30 =	vld [tilespmem:s19+$0x0]  }
0x4fd: {  	s19 =	sor.u32 s31, s28;
	v27 =	vadd.f32 v28, v27;
	v28 =	vmul.f32 v31, v23  }
0x4fe: {  	v31 =	vld [tilespmem:s19+$0x0]  }
0x4ff: {  	s19 =	sor.u32 s31, s26;
	v27 =	vadd.f32 v28, v27;
	v28 =	vmul.f32 v29, v24  }
0x500: {  	v29 =	vld [tilespmem:s19+$0x0]  }
0x501: {  	v27 =	vadd.f32 v28, v27;
	v28 =	vmul.f32 v30, v25;
	_ =	sdelay $0x1  }
0x502: {  	v27 =	vadd.f32 v28, v27;
	v28 =	vmul.f32 v31, v26;
	_ =	sdelay $0x1  }
0x503: {  	v27 =	vadd.f32 v28, v27;
	v28 =	vmul.f32 v29, v3;
	_ =	sdelay $0x1  }
0x504: {  	v27 =	vadd.f32 v28, v27  }
0x505: {  	s30 =	sor.u32 $0x10, s31;
	s19 =	sor.u32 s31, s21  }
0x506: {  	[tilespmem:s19+$0x80] =	vst v27;
	s19 =	sor.u32 s30, s22  }
0x507: {  	s8 =	sor.u32 s30, s8;
	v27 =	vld [tilespmem:s19+$0x0]  }
0x508: {  	s2 =	sor.u32 s30, s2;
	v28 =	vld [tilespmem:s8+$0x0]  }
0x509: {  	v29 =	vld [tilespmem:s2+$0x0]  }
0x50a: {  	s2 =	sor.u32 s30, s3  }
0x50b: {  	v30 =	vld [tilespmem:s2+$0x0]  }
0x50c: {  	s2 =	sor.u32 s30, s20;
	v27 =	vmul.f32 v27, v7  }
0x50d: {  	v28 =	vmul.f32 v28, v5;
	v31 =	vld [tilespmem:s2+$0x0]  }
0x50e: {  	s2 =	sor.u32 s30, s4;
	v29 =	vmul.f32 v29, v6  }
0x50f: {  	v27 =	vadd.f32 v28, v27;
	v28 =	vld [tilespmem:s2+$0x0]  }
0x510: {  	s2 =	sor.u32 s30, s16;
	v30 =	vmul.f32 v30, v8  }
0x511: {  	v27 =	vadd.f32 v29, v27;
	v29 =	vld [tilespmem:s2+$0x0]  }
0x512: {  	s2 =	sor.u32 s30, s12;
	v31 =	vmul.f32 v31, v9  }
0x513: {  	v27 =	vadd.f32 v30, v27;
	v30 =	vld [tilespmem:s2+$0x0]  }
0x514: {  	s2 =	sor.u32 s30, s17;
	v28 =	vmul.f32 v28, v10  }
0x515: {  	v27 =	vadd.f32 v31, v27;
	v31 =	vld [tilespmem:s2+$0x0]  }
0x516: {  	s2 =	sor.u32 s30, s11;
	v29 =	vmul.f32 v29, v11  }
0x517: {  	v27 =	vadd.f32 v28, v27;
	v28 =	vld [tilespmem:s2+$0x0]  }
0x518: {  	s2 =	sor.u32 s30, s14;
	v30 =	vmul.f32 v30, v4  }
0x519: {  	v27 =	vadd.f32 v29, v27;
	v29 =	vld [tilespmem:s2+$0x0]  }
0x51a: {  	s2 =	sor.u32 s30, s5;
	v31 =	vmul.f32 v31, v12  }
0x51b: {  	v27 =	vadd.f32 v30, v27;
	v30 =	vld [tilespmem:s2+$0x0]  }
0x51c: {  	s2 =	sor.u32 s30, s18;
	v28 =	vmul.f32 v28, v13  }
0x51d: {  	v27 =	vadd.f32 v31, v27;
	v31 =	vld [tilespmem:s2+$0x0]  }
0x51e: {  	s2 =	sor.u32 s30, s15;
	v29 =	vmul.f32 v29, v14  }
0x51f: {  	v27 =	vadd.f32 v28, v27;
	v28 =	vld [tilespmem:s2+$0x0]  }
0x520: {  	s2 =	sor.u32 s30, s9;
	v30 =	vmul.f32 v30, v15  }
0x521: {  	v27 =	vadd.f32 v29, v27;
	v29 =	vld [tilespmem:s2+$0x0]  }
0x522: {  	s2 =	sor.u32 s30, s7;
	v31 =	vmul.f32 v31, v16  }
0x523: {  	v27 =	vadd.f32 v30, v27;
	v30 =	vld [tilespmem:s2+$0x0]  }
0x524: {  	s2 =	sor.u32 s30, s6;
	v28 =	vmul.f32 v28, v17  }
0x525: {  	v27 =	vadd.f32 v31, v27;
	v31 =	vld [tilespmem:s2+$0x0]  }
0x526: {  	s2 =	sor.u32 s30, s10;
	v29 =	vmul.f32 v29, v18  }
0x527: {  	v27 =	vadd.f32 v28, v27;
	v28 =	vld [tilespmem:s2+$0x0]  }
0x528: {  	s2 =	sor.u32 s30, s13;
	v30 =	vmul.f32 v30, v19  }
0x529: {  	v27 =	vadd.f32 v29, v27;
	v29 =	vld [tilespmem:s2+$0x0]  }
0x52a: {  	s0 =	sor.u32 s30, s0;
	v31 =	vmul.f32 v31, v20  }
0x52b: {  	v27 =	vadd.f32 v30, v27;
	v30 =	vld [tilespmem:s0+$0x0]  }
0x52c: {  	s0 =	sor.u32 s30, s1;
	v28 =	vmul.f32 v28, v21  }
0x52d: {  	v27 =	vadd.f32 v31, v27;
	v31 =	vld [tilespmem:s0+$0x0]  }
0x52e: {  	s0 =	sor.u32 s30, s29;
	v29 =	vmul.f32 v29, v22  }
0x52f: {  	v27 =	vadd.f32 v28, v27;
	v28 =	vld [tilespmem:s0+$0x0]  }
0x530: {  	s0 =	sor.u32 s30, s28;
	v30 =	vmul.f32 v30, v23  }
0x531: {  	v27 =	vadd.f32 v29, v27;
	v29 =	vld [tilespmem:s0+$0x0]  }
0x532: {  	s0 =	sor.u32 s30, s26;
	v31 =	vmul.f32 v31, v24  }
0x533: {  	v27 =	vadd.f32 v30, v27;
	v30 =	vld [tilespmem:s0+$0x0]  }
0x534: {  	v28 =	vmul.f32 v28, v25  }
.Ltmp6:
0x535: {  	v27 =	vadd.f32 v31, v27;
	(pc) =	sbr.rel @p0 .LBB2_13-.Ltmp6, $4  }
0x536: {  	v29 =	vmul.f32 v29, v26  }
0x537: {  	v28 =	vadd.f32 v28, v27  }
0x538: {  	v27 =	vmul.f32 v30, v3  }
0x539: {  	s23 =	sadd.s32 $0x20, s23;
	s25 =	sadd.s32 $0x100, s25;
	v28 =	vadd.f32 v29, v28  }
0x53a: {  	_ = 	snop  }
0x53b: {  	s3 =	sand.u32 $0xC00, s25;
	v27 =	vadd.f32 v27, v28  }
0x53c: {  	s1 =	sand.u32 $0x60, s23;
	s4 =	sor.u32 s30, s21;
	s2 =	sor.u32 $0xF000, s3  }
0x53d: {  	s0 =	sor.u32 $0xF080, s3;
	s5 =	sor.u32 s1, s2;
	[tilespmem:s4+$0x80] =	vst v27  }
0x53e: {  	s6 =	sor.u32 s1, s0;
	v27 =	vld [tilespmem:s5+$0x0]  }
0x53f: {  	s31 =	sor.u32 $0xF100, s3;
	v55 =	vld [tilespmem:s6+$0x0]  }
0x540: {  	s20 =	sor.u32 s1, s31  }
0x541: {  	s5 =	sor.u32 $0xF180, s3;
	v29 =	vld [tilespmem:s20+$0x0]  }
0x542: {  	s7 =	sor.u32 s1, s5  }
0x543: {  	s6 =	sor.u32 $0xF200, s3;
	v30 =	vld [tilespmem:s7+$0x0]  }
0x544: {  	s8 =	sor.u32 s1, s6;
	v27 =	vmul.f32 v27, v7;
	v28 =	vmul.f32 v55, v5  }
0x545: {  	s7 =	sor.u32 $0xF280, s3;
	v31 =	vld [tilespmem:s8+$0x0]  }
0x546: {  	s9 =	sor.u32 s1, s7;
	v56 =	vmul.f32 v29, v6;
	v27 =	vadd.f32 v28, v27  }
0x547: {  	s8 =	sor.u32 $0xF300, s3;
	v57 =	vld [tilespmem:s9+$0x0]  }
0x548: {  	s10 =	sor.u32 s1, s8;
	v58 =	vmul.f32 v30, v8;
	v27 =	vadd.f32 v56, v27  }
0x549: {  	s9 =	sor.u32 $0xF380, s3;
	v59 =	vld [tilespmem:s10+$0x0]  }
0x54a: {  	s11 =	sor.u32 s1, s9;
	v60 =	vmul.f32 v31, v9;
	v27 =	vadd.f32 v58, v27  }
0x54b: {  	s10 =	sor.u32 $0x10000, s3;
	v61 =	vld [tilespmem:s11+$0x0]  }
0x54c: {  	s12 =	sor.u32 s1, s10;
	v62 =	vmul.f32 v57, v10;
	v27 =	vadd.f32 v60, v27  }
0x54d: {  	s11 =	sor.u32 $0x10080, s3;
	v63 =	vld [tilespmem:s12+$0x0]  }
0x54e: {  	s13 =	sor.u32 s1, s11;
	v33 =	vmul.f32 v59, v11;
	v27 =	vadd.f32 v62, v27  }
0x54f: {  	s12 =	sor.u32 $0x10100, s3;
	v34 =	vld [tilespmem:s13+$0x0]  }
0x550: {  	s14 =	sor.u32 s1, s12;
	v35 =	vmul.f32 v61, v4;
	v27 =	vadd.f32 v33, v27  }
0x551: {  	s13 =	sor.u32 $0x10180, s3;
	v36 =	vld [tilespmem:s14+$0x0]  }
0x552: {  	s15 =	sor.u32 s1, s13;
	v37 =	vmul.f32 v63, v12;
	v27 =	vadd.f32 v35, v27  }
0x553: {  	s14 =	sor.u32 $0x10200, s3;
	v38 =	vld [tilespmem:s15+$0x0]  }
0x554: {  	s16 =	sor.u32 s1, s14;
	v39 =	vmul.f32 v34, v13;
	v27 =	vadd.f32 v37, v27  }
0x555: {  	s15 =	sor.u32 $0x10280, s3;
	v40 =	vld [tilespmem:s16+$0x0]  }
0x556: {  	s17 =	sor.u32 s1, s15;
	v41 =	vmul.f32 v36, v14;
	v27 =	vadd.f32 v39, v27  }
0x557: {  	s16 =	sor.u32 $0x10300, s3;
	v42 =	vld [tilespmem:s17+$0x0]  }
0x558: {  	s18 =	sor.u32 s1, s16;
	v43 =	vmul.f32 v38, v15;
	v27 =	vadd.f32 v41, v27  }
0x559: {  	s17 =	sor.u32 $0x10380, s3;
	v44 =	vld [tilespmem:s18+$0x0]  }
0x55a: {  	s19 =	sor.u32 s1, s17;
	v45 =	vmul.f32 v40, v16;
	v27 =	vadd.f32 v43, v27  }
0x55b: {  	s18 =	sor.u32 $0x11000, s3;
	v46 =	vld [tilespmem:s19+$0x0]  }
0x55c: {  	s21 =	sor.u32 s1, s18;
	v47 =	vmul.f32 v42, v17;
	v27 =	vadd.f32 v45, v27  }
0x55d: {  	s20 =	sor.u32 $0x11080, s3;
	v48 =	vld [tilespmem:s21+$0x0]  }
0x55e: {  	s22 =	sor.u32 s1, s20;
	v49 =	vmul.f32 v44, v18;
	v27 =	vadd.f32 v47, v27  }
0x55f: {  	v50 =	vld [tilespmem:s22+$0x0];
	s21 =	sor.u32 $0x11100, s3  }
0x560: {  	s23 =	sor.u32 s1, s21;
	v51 =	vmul.f32 v46, v19;
	v27 =	vadd.f32 v49, v27  }
0x561: {  	s22 =	sor.u32 $0x11180, s3;
	v52 =	vld [tilespmem:s23+$0x0]  }
0x562: {  	s24 =	sor.u32 s1, s22;
	v53 =	vmul.f32 v48, v20;
	v27 =	vadd.f32 v51, v27  }
0x563: {  	v54 =	vld [tilespmem:s24+$0x0];
	s23 =	sor.u32 $0x11200, s3  }
0x564: {  	v55 =	vmul.f32 v50, v21;
	s25 =	sor.u32 s1, s23;
	v27 =	vadd.f32 v53, v27  }
0x565: {  	s24 =	sor.u32 $0x11280, s3;
	v56 =	vld [tilespmem:s25+$0x0]  }
0x566: {  	s26 =	sor.u32 s1, s24;
	v57 =	vmul.f32 v52, v22;
	v27 =	vadd.f32 v55, v27  }
0x567: {  	v58 =	vld [tilespmem:s26+$0x0];
	s25 =	sor.u32 $0x11300, s3  }
0x568: {  	v59 =	vmul.f32 v54, v23;
	s28 =	sor.u32 s1, s25;
	v27 =	vadd.f32 v57, v27  }
0x569: {  	s26 =	sor.u32 $0x11380, s3;
	v60 =	vld [tilespmem:s28+$0x0]  }
0x56a: {  	s29 =	sor.u32 s1, s26;
	v61 =	vmul.f32 v56, v24;
	v27 =	vadd.f32 v59, v27  }
0x56b: {  	v62 =	vld [tilespmem:s29+$0x0]  }
0x56c: {  	v63 =	vmul.f32 v58, v25;
	v27 =	vadd.f32 v61, v27;
	_ =	sdelay $0x1  }
0x56d: {  	v32 =	vmul.f32 v60, v26;
	v27 =	vadd.f32 v63, v27;
	_ =	sdelay $0x1  }
0x56e: {  	v33 =	vmul.f32 v62, v3;
	v27 =	vadd.f32 v32, v27  }
0x56f: {  	s3 =	sshrl.u32 s3, $0x2  }
0x570: {  	s3 =	sor.u32 $0x12400, s3;
	v27 =	vadd.f32 v33, v27  }
0x571: {  	s30 =	sor.u32 s1, s3;
	s1 =	sor.u32 $0x10, s1  }
0x572: {  	s2 =	sor.u32 s1, s2;
	[tilespmem:s30+$0x80] =	vst v27  }
0x573: {  	s0 =	sor.u32 s1, s0;
	v27 =	vld [tilespmem:s2+$0x0]  }
0x574: {  	v34 =	vld [tilespmem:s0+$0x0]  }
0x575: {  	s31 =	sor.u32 s1, s31  }
0x576: {  	v35 =	vld [tilespmem:s31+$0x0]  }
0x577: {  	s2 =	sor.u32 s1, s5  }
0x578: {  	v36 =	vld [tilespmem:s2+$0x0]  }
0x579: {  	s4 =	sor.u32 s1, s6;
	v37 =	vmul.f32 v27, v7;
	v38 =	vmul.f32 v34, v5  }
0x57a: {  	v39 =	vld [tilespmem:s4+$0x0]  }
0x57b: {  	s5 =	sor.u32 s1, s7;
	v40 =	vmul.f32 v35, v6;
	v5 =	vadd.f32 v38, v37  }
0x57c: {  	v41 =	vld [tilespmem:s5+$0x0]  }
0x57d: {  	s6 =	sor.u32 s1, s8;
	v42 =	vmul.f32 v36, v8;
	v5 =	vadd.f32 v40, v5  }
0x57e: {  	v43 =	vld [tilespmem:s6+$0x0]  }
0x57f: {  	s7 =	sor.u32 s1, s9;
	v44 =	vmul.f32 v39, v9;
	v5 =	vadd.f32 v42, v5  }
0x580: {  	v45 =	vld [tilespmem:s7+$0x0]  }
0x581: {  	s8 =	sor.u32 s1, s10;
	v7 =	vmul.f32 v41, v10;
	v5 =	vadd.f32 v44, v5  }
0x582: {  	v46 =	vld [tilespmem:s8+$0x0]  }
0x583: {  	s9 =	sor.u32 s1, s11;
	v6 =	vmul.f32 v43, v11;
	v5 =	vadd.f32 v7, v5  }
0x584: {  	v47 =	vld [tilespmem:s9+$0x0]  }
0x585: {  	s10 =	sor.u32 s1, s12;
	v48 =	vmul.f32 v45, v4;
	v5 =	vadd.f32 v6, v5  }
0x586: {  	v49 =	vld [tilespmem:s10+$0x0]  }
0x587: {  	s11 =	sor.u32 s1, s13;
	v50 =	vmul.f32 v46, v12;
	v4 =	vadd.f32 v48, v5  }
0x588: {  	v51 =	vld [tilespmem:s11+$0x0]  }
0x589: {  	s12 =	sor.u32 s1, s14;
	v7 =	vmul.f32 v47, v13;
	v4 =	vadd.f32 v50, v4  }
0x58a: {  	v52 =	vld [tilespmem:s12+$0x0]  }
0x58b: {  	s13 =	sor.u32 s1, s15;
	v6 =	vmul.f32 v49, v14;
	v4 =	vadd.f32 v7, v4  }
0x58c: {  	v53 =	vld [tilespmem:s13+$0x0]  }
0x58d: {  	s14 =	sor.u32 s1, s16;
	v5 =	vmul.f32 v51, v15;
	v4 =	vadd.f32 v6, v4  }
0x58e: {  	v54 =	vld [tilespmem:s14+$0x0]  }
0x58f: {  	s15 =	sor.u32 s1, s17;
	v8 =	vmul.f32 v52, v16;
	v4 =	vadd.f32 v5, v4  }
0x590: {  	v55 =	vld [tilespmem:s15+$0x0]  }
0x591: {  	s16 =	sor.u32 s1, s18;
	v7 =	vmul.f32 v53, v17;
	v4 =	vadd.f32 v8, v4  }
0x592: {  	v56 =	vld [tilespmem:s16+$0x0]  }
0x593: {  	s17 =	sor.u32 s1, s20;
	v6 =	vmul.f32 v54, v18;
	v4 =	vadd.f32 v7, v4  }
0x594: {  	v57 =	vld [tilespmem:s17+$0x0]  }
0x595: {  	s18 =	sor.u32 s1, s21;
	v5 =	vmul.f32 v55, v19;
	v4 =	vadd.f32 v6, v4  }
0x596: {  	v58 =	vld [tilespmem:s18+$0x0]  }
0x597: {  	s19 =	sor.u32 s1, s22;
	v8 =	vmul.f32 v56, v20;
	v4 =	vadd.f32 v5, v4  }
0x598: {  	v59 =	vld [tilespmem:s19+$0x0]  }
0x599: {  	s20 =	sor.u32 s1, s23;
	v7 =	vmul.f32 v57, v21;
	v4 =	vadd.f32 v8, v4  }
0x59a: {  	v60 =	vld [tilespmem:s20+$0x0]  }
0x59b: {  	s21 =	sor.u32 s1, s24;
	v6 =	vmul.f32 v58, v22;
	v4 =	vadd.f32 v7, v4  }
0x59c: {  	v61 =	vld [tilespmem:s21+$0x0]  }
0x59d: {  	s22 =	sor.u32 s1, s25;
	v5 =	vmul.f32 v59, v23;
	v4 =	vadd.f32 v6, v4  }
0x59e: {  	v62 =	vld [tilespmem:s22+$0x0]  }
0x59f: {  	s23 =	sor.u32 s1, s26;
	v8 =	vmul.f32 v60, v24;
	v4 =	vadd.f32 v5, v4  }
0x5a0: {  	v63 =	vld [tilespmem:s23+$0x0]  }
0x5a1: {  	v7 =	vmul.f32 v61, v25;
	v4 =	vadd.f32 v8, v4;
	_ =	sdelay $0x1  }
0x5a2: {  	s31 =	rddreg [dreg:$0xa];
	v6 =	vmul.f32 v62, v26;
	v4 =	vadd.f32 v7, v4  }
0x5a3: {  	s4 =	sadd.s32 $0x1, s31  }
0x5a4: {  	s24 =	rddreg [dreg:$0xb];
	p0 =	sne.s32 s4, $0x80;
	v3 =	vmul.f32 v63, v3;
	v4 =	vadd.f32 v6, v4  }
.Ltmp7:
0x5a5: {  	s25 =	rddreg [dreg:$0x3];
	(pc) =	sbr.rel @p0 .LBB2_2-.Ltmp7, $4  }
0x5a6: {  	s29 =	simm.s32 $0x100;
	s0 =	sshll.u32 s24, $0x5;
	s26 =	rddreg [dreg:$0xd];
	v3 =	vadd.f32 v3, v4  }
0x5a7: {  	s1 =	sor.u32 s1, s3;
	s0 =	sand.u32 $0x60, s0;
	s2 =	sadd.s32 s25, s26  }
0x5a8: {  	s28 =	simm.s32 $0x400;
	s30 =	simm.s32 $0x12400;
	s0 =	sadd.s32 s0, s2;
	[tilespmem:s1+$0x80] =	vst v3  }
0x5a9: {  	[hbm4b:s0+s29] =	stream.strided.scatter [tilespmem:s30], [sflag:$0x4], $0x400, s28, s29, $0x38;
	[tilespmem:$0x12800] =	vst v63  }
0x5aa: {  	s0 =	simm.s32 $0x3  }
0x5ab: {  	_ =	swait.ge [sflag:s0], $0x400  }
0x5ac: {  	[sflag:s0] =	ssyncset.done $0x0  }
0x5ad: {  	s1 =	simm.s32 $0x4;
	[sflag:s0] =	ssyncadd.s32 $0xFFFFFC00  }
0x5ae: {  	_ =	swait.ge [sflag:s1], $0x400  }
0x5af: {  	s2 =	rddreg [dreg:$0x9]  }
0x5b0: {  	s31 =	rddreg [dreg:$0x8];
	s2 =	sadd.s32 $0x1, s2  }
0x5b1: {  	p0 =	sne.s32 s2, s31  }
.Ltmp8:
0x5b2: {  	_ = 	snop;
	(pc) =	sbr.rel @p0 .LBB2_1-.Ltmp8, $3  }
0x5b3: {  	_ =	sdelay $0x1  }
0x5b4: {  	[sflag:s1] =	ssyncset.done $0x0  }
0x5b5: {  	[sflag:s1] =	ssyncadd.s32 $0xFFFFFC00  }
0x5b6: {  	_ =	sfence.sel $0x180000  }
0x5b7: {  	[bflag:$0x0] =	sbarrier.arrive $0xFFFF  }
0x5b8: {  	_ =	strace $0x90000047  }
0x5b9: {  	s0 =	stileid.u32;
	[bflag:$0x2] =	sbarrier.arrive $0xFFFF  }
0x5ba: {  	p0 =	sne.s32 s0, $0x0;
	s0 =	rddreg [dreg:$0x1]  }
0x5bb: {  	s0 =	sadd.s32 @!p0 $0x100000, s0  }
0x5bc: {  	[sflag:s0] =	ssyncadd.tile.s32 @!p0 $0x1;
	_ =	shalt  }
.Lfunc_end2:
_tile_overlayer_lowered:
.L_overlay_start_2:
0x5bd: {  	(tag) =	ssettag $0x2  }
0x5be: {  	s0 =	rddreg [dreg:$0x0];
	s2 =	stileid.u32  }
0x5bf: {  	s1 =	rddreg [dreg:$0x1];
	p0 =	sne.s32 s2, $0x0  }
0x5c0: {  	s3 =	rddreg [dreg:$0x2];
	[bflag:$0x3] =	sbarrier.arrive $0xFFFF;
	s2 =	simm.s32 @!p0 $0x1C05  }
0x5c1: {  	[timem:s3], [sflag:s2] =	dma.local @!p0 [hbm:s0], s1  }
0x5c2: {  	s0 =	simm.s32 @!p0 $0x5  }
0x5c3: {  	_ =	swait.ge @!p0 [sflag:s0], s1  }
0x5c4: {  	s1 =	ssub.s32 @!p0 $0x0, s1;
	[sflag:s0] =	ssyncset.done @!p0 $0x0  }
0x5c5: {  	[sflag:s0] =	ssyncadd.s32 @!p0 s1  }
0x5c6: {  	[bflag:$0x3] =	sbarrier.arrive $0xFFFF  }
0x5c7: {  	_ =	shalt  }

</sc_bundles>
